<compile_context>
chip_gen: v7x
topology: tpu7x:2x2x1
jax: 0.10.2.dev20260603
libtpu: 0.0.44.dev20260713+nightly
codegen_flags: <defaults>
</compile_context>

<pallas_src>
import functools
import jax
import jax.numpy as jnp
from jax import lax
from jax.experimental import pallas as pl
from jax.experimental.pallas import tpu as pltpu
from jax.experimental.pallas import tpu_sc as plsc

_NP, _H, _W = 768, 224, 224
_NCHUNK = _W // 16


_GDN = lax.GatherDimensionNumbers(
    offset_dims=(), collapsed_slice_dims=(0,), start_index_map=(0,))


def _lanexor(v, d):
    idx = lax.iota(jnp.int32, 16) ^ d
    partner = lax.gather(v, idx[:, None], _GDN, (1,),
                         mode=lax.GatherScatterMode.PROMISE_IN_BOUNDS)
    return v + partner


def _sc_body(x_hbm, o_hbm, buf, _):
    nc = 2
    wid = lax.axis_index("s") * nc + lax.axis_index("c")

    def plane22(k, carry):
        i = wid * 8 + k
        p = (i // 32) * 96 + (i % 32)
        pltpu.sync_copy(x_hbm.at[p], buf)

        def row(r, c2):
            for j in range(_NCHUNK):
                sl = pl.ds(j * 16, 16)
                a = buf[2 * r, sl]
                b = buf[2 * r + 1, sl]
                s = _lanexor(a + b, 1)
                m = s > 0
                z = jnp.zeros((16,), jnp.float32)
                buf[2 * r, sl] = jnp.where(m, a, z)
                buf[2 * r + 1, sl] = jnp.where(m, b, z)
            return c2

        lax.fori_loop(0, _H // 2, row, 0)
        pltpu.sync_copy(buf, o_hbm.at[p])
        return carry

    def plane44(k, carry):
        i = wid * 8 + k
        p = (i // 32) * 96 + 32 + (i % 32)
        pltpu.sync_copy(x_hbm.at[p], buf)

        def row(r, c2):
            for j in range(_NCHUNK):
                sl = pl.ds(j * 16, 16)
                a0 = buf[4 * r, sl]
                a1 = buf[4 * r + 1, sl]
                a2 = buf[4 * r + 2, sl]
                a3 = buf[4 * r + 3, sl]
                s = _lanexor(_lanexor((a0 + a1) + (a2 + a3), 1), 2)
                m = s > 0
                z = jnp.zeros((16,), jnp.float32)
                buf[4 * r, sl] = jnp.where(m, a0, z)
                buf[4 * r + 1, sl] = jnp.where(m, a1, z)
                buf[4 * r + 2, sl] = jnp.where(m, a2, z)
                buf[4 * r + 3, sl] = jnp.where(m, a3, z)
            return c2

        lax.fori_loop(0, _H // 4, row, 0)
        pltpu.sync_copy(buf, o_hbm.at[p])
        return carry

    def plane12(k, carry):
        i = wid * 4 + k
        p = (i // 16) * 96 + 64 + (i % 16)
        pltpu.sync_copy(x_hbm.at[p], buf)

        def row(r, c2):
            for j in range(_NCHUNK):
                sl = pl.ds(j * 16, 16)
                a = buf[r, sl]
                s = _lanexor(a, 1)
                z = jnp.zeros((16,), jnp.float32)
                buf[r, sl] = jnp.where(s > 0, a, z)
            return c2

        lax.fori_loop(0, _H, row, 0)
        pltpu.sync_copy(buf, o_hbm.at[p])
        return carry

    def planeid(k, carry):
        i = wid * 4 + k
        p = (i // 16) * 96 + 80 + (i % 16)
        pltpu.sync_copy(x_hbm.at[p], o_hbm.at[p])
        return carry

    lax.fori_loop(0, 8, plane22, 0)
    lax.fori_loop(0, 8, plane44, 0)
    lax.fori_loop(0, 4, plane12, 0)
    lax.fori_loop(0, 4, planeid, 0)


def kernel(activation):
    x = activation.reshape(_NP, _H, _W)
    mesh = plsc.VectorSubcoreMesh(core_axis_name="c", subcore_axis_name="s")
    k = functools.partial(
        pl.kernel,
        mesh=mesh,
        out_type=jax.ShapeDtypeStruct((_NP, _H, _W), jnp.float32),
        scratch_types=[
            pltpu.VMEM((_H, _W), jnp.float32),
            pltpu.SemaphoreType.DMA,
        ],
    )(_sc_body)
    return k(x).reshape(8, 96, _H, _W)

# --- scband reference (transcript-rebuilt; emitter-appended) ---
"""Pipeline reference for scband-secure-optimized-block-re-lu-17265768530070 (READ-ONLY COPY).

The authoritative reference and input builder live on the scoring server;
editing this copy changes nothing except your own understanding.
"""

import jax, jax.numpy as jnp
import numpy as np

BLOCK_SIZES = np.array([[2, 2]] * 32 + [[4, 4]] * 32 + [[1, 2]] * 16 + [[0, 1]] * 16)


def _space_to_depth(x, bs):
    N, C, H, W = x.shape
    x = x.reshape(N, C, H // bs[0], bs[0], W // bs[1], bs[1])
    x = jnp.transpose(x, (0, 1, 2, 4, 3, 5))
    return x.reshape(N, C, H // bs[0], W // bs[1], bs[0] * bs[1])


def _depth_to_space(x, bs):
    N, C, H, W, _ = x.shape
    x = x.reshape(N, C, H, W, bs[0], bs[1])
    x = jnp.transpose(x, (0, 1, 2, 4, 3, 5))
    return x.reshape(N, C, H * bs[0], W * bs[1])


def _block_relu(activation):
    block_sizes = BLOCK_SIZES
    active = [b for b in np.unique(block_sizes, axis=0) if 0 not in b]
    is_identity = np.array([0 in b for b in block_sizes])
    relu_map = jnp.ones_like(activation)
    for bs in active:
        bs = [int(bs[0]), int(bs[1])]
        ch = np.where(np.all(block_sizes == np.array(bs), axis=1))[0]
        cur = activation[:, ch]
        pr = (bs[0] - cur.shape[2] % bs[0]) % bs[0]
        pc = (bs[1] - cur.shape[3] % bs[1]) % bs[1]
        cur = jnp.pad(cur, ((0, 0), (0, 0), (0, pr), (0, pc)), mode='constant')
        reshaped = _space_to_depth(cur, bs)
        mean_tensor = jnp.sum(reshaped, axis=-1, keepdims=True)
        # DReLU: indicator that block sum is positive
        sign = (mean_tensor > 0).astype(activation.dtype)
        rep = jnp.repeat(sign, bs[0] * bs[1], axis=-1)
        d = _depth_to_space(rep, bs)
        d = d[:, :, : d.shape[2] - pr, : d.shape[3] - pc]
        relu_map = relu_map.at[:, ch].set(d)
    non_id = np.where(~is_identity)[0]
    out = activation.at[:, non_id].set(relu_map[:, non_id] * activation[:, non_id])
    return out


def setup_inputs(seed: int = 0):
    key = jax.random.key(seed)
    activation = jax.random.normal(key, (8, 96, 224, 224), dtype=jnp.float32)
    return {"activation": activation}


def reference(activation):
    return _block_relu(activation)

if __name__ == "__main__":
    import jax
    _d = setup_inputs()
    print(jax.jit(kernel)(*tuple(_d.values())))

</pallas_src>

<mosaic_0001>
#map = affine_map<(d0, d1) -> (0, 0, 0)>
module attributes {stable_mosaic.version = 14 : i64} {
  func.func @_sc_body(%arg0: i32, %arg1: i32, %arg2: memref<768x224x224xf32, #tpu.memory_space<hbm>>, %arg3: memref<768x224x224xf32, #tpu.memory_space<hbm>>, %arg4: memref<224x224xf32, #tpu.memory_space<vmem>>, %arg5: memref<!tpu.dma_semaphore, #tpu.memory_space<semaphore_mem>>) attributes {dimension_semantics = [#tpu.dimension_semantics<core_parallel>, #tpu.dimension_semantics<subcore_parallel>], iteration_bounds = array<i64: 2, 16>, scalar_prefetch = 0 : i64, scratch_operands = 2 : i64, tpu.core_type = #tpu.core_type<sc_vector_subcore>, window_params = [{transform_indices = #map}, {transform_indices = #map}]} {
    %mul3A = arith.constant 2 : i32
    %mul3A_0 = arith.muli %arg1, %mul3A : i32
    %add3A = arith.addi %mul3A_0, %arg0 : i32
    %scan3A = arith.constant 0 : i32
    %scan3A_1 = arith.constant 0 : i32
    %scan3A_2 = arith.constant 8 : i32
    %scan3A_3 = arith.addi %scan3A_1, %scan3A_2 : i32
    %scan3A_4 = arith.constant 1 : i32
    scf.for %scan3A_24 = %scan3A_1 to %scan3A_3 step %scan3A_4  : i32 {
      %mul3A_25 = arith.constant 8 : i32
      %mul3A_26 = arith.muli %add3A, %mul3A_25 : i32
      %add3A_27 = arith.addi %mul3A_26, %scan3A_24 : i32
      %jit3A = arith.constant 32 : i32
      %div3A = arith.divsi %add3A_27, %jit3A : i32
      %sign3A = arith.constant 0 : i32
      %sign3A_28 = arith.cmpi sgt, %add3A_27, %sign3A : i32
      %sign3A_29 = arith.extui %sign3A_28 : i1 to i32
      %sign3A_30 = arith.constant 0 : i32
      %sign3A_31 = arith.cmpi slt, %add3A_27, %sign3A_30 : i32
      %sign3A_32 = arith.extui %sign3A_31 : i1 to i32
      %sign3A_33 = arith.subi %sign3A_29, %sign3A_32 : i32
      %sign3A_34 = arith.constant 0 : i32
      %sign3A_35 = arith.cmpi sgt, %jit3A, %sign3A_34 : i32
      %sign3A_36 = arith.extui %sign3A_35 : i1 to i32
      %sign3A_37 = arith.constant 0 : i32
      %sign3A_38 = arith.cmpi slt, %jit3A, %sign3A_37 : i32
      %sign3A_39 = arith.extui %sign3A_38 : i1 to i32
      %sign3A_40 = arith.subi %sign3A_36, %sign3A_39 : i32
      %ne3A = arith.cmpi ne, %sign3A_33, %sign3A_40 : i32
      %rem3A = arith.remsi %add3A_27, %jit3A : i32
      %ne3A_41 = arith.constant 0 : i32
      %ne3A_42 = arith.cmpi ne, %rem3A, %ne3A_41 : i32
      %and3A = arith.andi %ne3A, %ne3A_42 : i1
      %sub3A = arith.constant 1 : i32
      %sub3A_43 = arith.subi %div3A, %sub3A : i32
      %select_n3A = arith.select %and3A, %sub3A_43, %div3A : i32
      %mul3A_44 = arith.constant 96 : i32
      %mul3A_45 = arith.muli %select_n3A, %mul3A_44 : i32
      %jit3A_46 = arith.constant 32 : i32
      %eq3A = arith.constant 0 : i32
      %eq3A_47 = arith.cmpi eq, %jit3A_46, %eq3A : i32
      %jit3A_48 = arith.constant 1 : i32
      %select_n3A_49 = arith.select %eq3A_47, %jit3A_48, %jit3A_46 : i32
      %rem3A_50 = arith.remsi %add3A_27, %select_n3A_49 : i32
      %ne3A_51 = arith.constant 0 : i32
      %ne3A_52 = arith.cmpi ne, %rem3A_50, %ne3A_51 : i32
      %lt3A = arith.constant 0 : i32
      %lt3A_53 = arith.cmpi slt, %rem3A_50, %lt3A : i32
      %lt3A_54 = arith.constant 0 : i32
      %lt3A_55 = arith.cmpi slt, %select_n3A_49, %lt3A_54 : i32
      %ne3A_56 = arith.xori %lt3A_53, %lt3A_55 : i1
      %and3A_57 = arith.andi %ne3A_56, %ne3A_52 : i1
      %add3A_58 = arith.addi %rem3A_50, %select_n3A_49 : i32
      %select_n3A_59 = arith.select %and3A_57, %add3A_58, %rem3A_50 : i32
      %add3A_60 = arith.addi %mul3A_45, %select_n3A_59 : i32
      "tpu.region"() ({
        %run_scoped3A = tpu.sem_alloc : memref<!tpu.dma_semaphore, #tpu.memory_space<semaphore_mem>>
        %dma_start3A = arith.constant 0 : i32
        %dma_start3A_67 = arith.constant 0 : i32
        %dma_start3A_68 = tpu.memref_slice %arg2[%add3A_60, %dma_start3A, %dma_start3A_67] : memref<768x224x224xf32, #tpu.memory_space<hbm>> -> memref<1x224x224xf32, #tpu.memory_space<hbm>>
        %dma_start3A_69 = tpu.memref_squeeze %dma_start3A_68 : memref<1x224x224xf32, #tpu.memory_space<hbm>> -> memref<224x224xf32, #tpu.memory_space<hbm>>
        %dma_start3A_70 = arith.constant 0 : i32
        %dma_start3A_71 = arith.constant 0 : i32
        %dma_start3A_72 = tpu.memref_slice %arg2[%add3A_60, %dma_start3A_70, %dma_start3A_71] : memref<768x224x224xf32, #tpu.memory_space<hbm>> -> memref<1x224x224xf32, #tpu.memory_space<hbm>>
        %dma_start3A_73 = tpu.memref_squeeze %dma_start3A_72 : memref<1x224x224xf32, #tpu.memory_space<hbm>> -> memref<224x224xf32, #tpu.memory_space<hbm>>
        tpu.enqueue_dma source(%dma_start3A_73 : memref<224x224xf32, #tpu.memory_space<hbm>>) target(%arg4 : memref<224x224xf32, #tpu.memory_space<vmem>>) target_semaphore(%run_scoped3A : memref<!tpu.dma_semaphore, #tpu.memory_space<semaphore_mem>>)
        %dma_wait3A = arith.constant 0 : i32
        %dma_wait3A_74 = arith.constant 0 : i32
        %dma_wait3A_75 = tpu.memref_slice %arg2[%add3A_60, %dma_wait3A, %dma_wait3A_74] : memref<768x224x224xf32, #tpu.memory_space<hbm>> -> memref<1x224x224xf32, #tpu.memory_space<hbm>>
        %dma_wait3A_76 = tpu.memref_squeeze %dma_wait3A_75 : memref<1x224x224xf32, #tpu.memory_space<hbm>> -> memref<224x224xf32, #tpu.memory_space<hbm>>
        %dma_wait3A_77 = arith.constant 0 : i32
        %dma_wait3A_78 = arith.constant 0 : i32
        %dma_wait3A_79 = tpu.memref_slice %arg2[%add3A_60, %dma_wait3A_77, %dma_wait3A_78] : memref<768x224x224xf32, #tpu.memory_space<hbm>> -> memref<1x224x224xf32, #tpu.memory_space<hbm>>
        %dma_wait3A_80 = tpu.memref_squeeze %dma_wait3A_79 : memref<1x224x224xf32, #tpu.memory_space<hbm>> -> memref<224x224xf32, #tpu.memory_space<hbm>>
        tpu.wait_dma2 semaphore(%run_scoped3A : memref<!tpu.dma_semaphore, #tpu.memory_space<semaphore_mem>>) src(%dma_wait3A_80 : memref<224x224xf32, #tpu.memory_space<hbm>>) dst(%arg4 : memref<224x224xf32, #tpu.memory_space<vmem>>)
        tpu.yield
      }) : () -> ()
      %scan3A_61 = arith.constant 0 : i32
      %scan3A_62 = arith.constant 0 : i32
      %scan3A_63 = arith.constant 112 : i32
      %scan3A_64 = arith.addi %scan3A_62, %scan3A_63 : i32
      %scan3A_65 = arith.constant 1 : i32
      scf.for %scan3A_67 = %scan3A_62 to %scan3A_64 step %scan3A_65  : i32 {
        %mul3A_68 = arith.constant 2 : i32
        %mul3A_69 = arith.muli %mul3A_68, %scan3A_67 : i32
        %get3A = arith.index_cast %mul3A_69 : i32 to index
        %get3A_70 = arith.constant 0 : index
        %get3A_71 = tpu.vector_load %arg4[%get3A, %get3A_70] {strides = array<i32>} : memref<224x224xf32, #tpu.memory_space<vmem>>, vector<1x16xf32>,
        %get3A_72 = vector.shape_cast %get3A_71 : vector<1x16xf32> to vector<16xf32>
        %mul3A_73 = arith.constant 2 : i32
        %mul3A_74 = arith.muli %mul3A_73, %scan3A_67 : i32
        %add3A_75 = arith.constant 1 : i32
        %add3A_76 = arith.addi %mul3A_74, %add3A_75 : i32
        %get3A_77 = arith.index_cast %add3A_76 : i32 to index
        %get3A_78 = arith.constant 0 : index
        %get3A_79 = tpu.vector_load %arg4[%get3A_77, %get3A_78] {strides = array<i32>} : memref<224x224xf32, #tpu.memory_space<vmem>>, vector<1x16xf32>,
        %get3A_80 = vector.shape_cast %get3A_79 : vector<1x16xf32> to vector<16xf32>
        %add3A_81 = arith.addf %get3A_72, %get3A_80 : vector<16xf32>
        %iota3A = tpu.iota {dimensions = array<i32: 0>} : vector<16xi32>
        %xor3A = arith.constant 1 : i32
        %xor3A_82 = vector.broadcast %xor3A : i32 to vector<16xi32>
        %xor3A_83 = arith.xori %iota3A, %xor3A_82 : vector<16xi32>
        %broadcast_in_dim3A = vector.shape_cast %xor3A_83 : vector<16xi32> to vector<16x1xi32>
        %gather3A = vector.shape_cast %broadcast_in_dim3A : vector<16x1xi32> to vector<16xi32>
        %gather3A_84 = tpu.dynamic_gather %add3A_81[%gather3A] in [0] : vector<16xf32>, vector<16xi32> -> vector<16xf32>
        %add3A_85 = arith.addf %add3A_81, %gather3A_84 : vector<16xf32>
        %gt3A = arith.constant 0.000000e+00 : f32
        %gt3A_86 = vector.broadcast %gt3A : f32 to vector<16xf32>
        %gt3A_87 = arith.cmpf ogt, %add3A_85, %gt3A_86 : vector<16xf32>
        %broadcast_in_dim3A_88 = arith.constant 0.000000e+00 : f32
        %broadcast_in_dim3A_89 = vector.broadcast %broadcast_in_dim3A_88 : f32 to vector<16xf32>
        %select_n3A_90 = arith.select %gt3A_87, %get3A_72, %broadcast_in_dim3A_89 : vector<16xi1>, vector<16xf32>
        %mul3A_91 = arith.constant 2 : i32
        %mul3A_92 = arith.muli %mul3A_91, %scan3A_67 : i32
        %swap3A = arith.index_cast %mul3A_92 : i32 to index
        %swap3A_93 = arith.constant 0 : index
        %swap3A_94 = tpu.vector_load %arg4[%swap3A, %swap3A_93] {strides = array<i32>} : memref<224x224xf32, #tpu.memory_space<vmem>>, vector<1x16xf32>,
        %swap3A_95 = vector.shape_cast %swap3A_94 : vector<1x16xf32> to vector<16xf32>
        %swap3A_96 = vector.shape_cast %select_n3A_90 : vector<16xf32> to vector<1x16xf32>
        tpu.vector_store %arg4[%swap3A, %swap3A_93], %swap3A_96 {strides = array<i32>} : memref<224x224xf32, #tpu.memory_space<vmem>>, vector<1x16xf32>,
        %select_n3A_97 = arith.select %gt3A_87, %get3A_80, %broadcast_in_dim3A_89 : vector<16xi1>, vector<16xf32>
        %mul3A_98 = arith.constant 2 : i32
        %mul3A_99 = arith.muli %mul3A_98, %scan3A_67 : i32
        %add3A_100 = arith.constant 1 : i32
        %add3A_101 = arith.addi %mul3A_99, %add3A_100 : i32
        %swap3A_102 = arith.index_cast %add3A_101 : i32 to index
        %swap3A_103 = arith.constant 0 : index
        %swap3A_104 = tpu.vector_load %arg4[%swap3A_102, %swap3A_103] {strides = array<i32>} : memref<224x224xf32, #tpu.memory_space<vmem>>, vector<1x16xf32>,
        %swap3A_105 = vector.shape_cast %swap3A_104 : vector<1x16xf32> to vector<16xf32>
        %swap3A_106 = vector.shape_cast %select_n3A_97 : vector<16xf32> to vector<1x16xf32>
        tpu.vector_store %arg4[%swap3A_102, %swap3A_103], %swap3A_106 {strides = array<i32>} : memref<224x224xf32, #tpu.memory_space<vmem>>, vector<1x16xf32>,
        %mul3A_107 = arith.constant 2 : i32
        %mul3A_108 = arith.muli %mul3A_107, %scan3A_67 : i32
        %get3A_109 = arith.index_cast %mul3A_108 : i32 to index
        %get3A_110 = arith.constant 16 : index
        %get3A_111 = tpu.vector_load %arg4[%get3A_109, %get3A_110] {strides = array<i32>} : memref<224x224xf32, #tpu.memory_space<vmem>>, vector<1x16xf32>,
        %get3A_112 = vector.shape_cast %get3A_111 : vector<1x16xf32> to vector<16xf32>
        %mul3A_113 = arith.constant 2 : i32
        %mul3A_114 = arith.muli %mul3A_113, %scan3A_67 : i32
        %add3A_115 = arith.constant 1 : i32
        %add3A_116 = arith.addi %mul3A_114, %add3A_115 : i32
        %get3A_117 = arith.index_cast %add3A_116 : i32 to index
        %get3A_118 = arith.constant 16 : index
        %get3A_119 = tpu.vector_load %arg4[%get3A_117, %get3A_118] {strides = array<i32>} : memref<224x224xf32, #tpu.memory_space<vmem>>, vector<1x16xf32>,
        %get3A_120 = vector.shape_cast %get3A_119 : vector<1x16xf32> to vector<16xf32>
        %add3A_121 = arith.addf %get3A_112, %get3A_120 : vector<16xf32>
        %iota3A_122 = tpu.iota {dimensions = array<i32: 0>} : vector<16xi32>
        %xor3A_123 = arith.constant 1 : i32
        %xor3A_124 = vector.broadcast %xor3A_123 : i32 to vector<16xi32>
        %xor3A_125 = arith.xori %iota3A_122, %xor3A_124 : vector<16xi32>
        %broadcast_in_dim3A_126 = vector.shape_cast %xor3A_125 : vector<16xi32> to vector<16x1xi32>
        %gather3A_127 = vector.shape_cast %broadcast_in_dim3A_126 : vector<16x1xi32> to vector<16xi32>
        %gather3A_128 = tpu.dynamic_gather %add3A_121[%gather3A_127] in [0] : vector<16xf32>, vector<16xi32> -> vector<16xf32>
        %add3A_129 = arith.addf %add3A_121, %gather3A_128 : vector<16xf32>
        %gt3A_130 = arith.constant 0.000000e+00 : f32
        %gt3A_131 = vector.broadcast %gt3A_130 : f32 to vector<16xf32>
        %gt3A_132 = arith.cmpf ogt, %add3A_129, %gt3A_131 : vector<16xf32>
        %broadcast_in_dim3A_133 = arith.constant 0.000000e+00 : f32
        %broadcast_in_dim3A_134 = vector.broadcast %broadcast_in_dim3A_133 : f32 to vector<16xf32>
        %select_n3A_135 = arith.select %gt3A_132, %get3A_112, %broadcast_in_dim3A_134 : vector<16xi1>, vector<16xf32>
        %mul3A_136 = arith.constant 2 : i32
        %mul3A_137 = arith.muli %mul3A_136, %scan3A_67 : i32
        %swap3A_138 = arith.index_cast %mul3A_137 : i32 to index
        %swap3A_139 = arith.constant 16 : index
        %swap3A_140 = tpu.vector_load %arg4[%swap3A_138, %swap3A_139] {strides = array<i32>} : memref<224x224xf32, #tpu.memory_space<vmem>>, vector<1x16xf32>,
        %swap3A_141 = vector.shape_cast %swap3A_140 : vector<1x16xf32> to vector<16xf32>
        %swap3A_142 = vector.shape_cast %select_n3A_135 : vector<16xf32> to vector<1x16xf32>
        tpu.vector_store %arg4[%swap3A_138, %swap3A_139], %swap3A_142 {strides = array<i32>} : memref<224x224xf32, #tpu.memory_space<vmem>>, vector<1x16xf32>,
        %select_n3A_143 = arith.select %gt3A_132, %get3A_120, %broadcast_in_dim3A_134 : vector<16xi1>, vector<16xf32>
        %mul3A_144 = arith.constant 2 : i32
        %mul3A_145 = arith.muli %mul3A_144, %scan3A_67 : i32
        %add3A_146 = arith.constant 1 : i32
        %add3A_147 = arith.addi %mul3A_145, %add3A_146 : i32
        %swap3A_148 = arith.index_cast %add3A_147 : i32 to index
        %swap3A_149 = arith.constant 16 : index
        %swap3A_150 = tpu.vector_load %arg4[%swap3A_148, %swap3A_149] {strides = array<i32>} : memref<224x224xf32, #tpu.memory_space<vmem>>, vector<1x16xf32>,
        %swap3A_151 = vector.shape_cast %swap3A_150 : vector<1x16xf32> to vector<16xf32>
        %swap3A_152 = vector.shape_cast %select_n3A_143 : vector<16xf32> to vector<1x16xf32>
        tpu.vector_store %arg4[%swap3A_148, %swap3A_149], %swap3A_152 {strides = array<i32>} : memref<224x224xf32, #tpu.memory_space<vmem>>, vector<1x16xf32>,
        %mul3A_153 = arith.constant 2 : i32
        %mul3A_154 = arith.muli %mul3A_153, %scan3A_67 : i32
        %get3A_155 = arith.index_cast %mul3A_154 : i32 to index
        %get3A_156 = arith.constant 32 : index
        %get3A_157 = tpu.vector_load %arg4[%get3A_155, %get3A_156] {strides = array<i32>} : memref<224x224xf32, #tpu.memory_space<vmem>>, vector<1x16xf32>,
        %get3A_158 = vector.shape_cast %get3A_157 : vector<1x16xf32> to vector<16xf32>
        %mul3A_159 = arith.constant 2 : i32
        %mul3A_160 = arith.muli %mul3A_159, %scan3A_67 : i32
        %add3A_161 = arith.constant 1 : i32
        %add3A_162 = arith.addi %mul3A_160, %add3A_161 : i32
        %get3A_163 = arith.index_cast %add3A_162 : i32 to index
        %get3A_164 = arith.constant 32 : index
        %get3A_165 = tpu.vector_load %arg4[%get3A_163, %get3A_164] {strides = array<i32>} : memref<224x224xf32, #tpu.memory_space<vmem>>, vector<1x16xf32>,
        %get3A_166 = vector.shape_cast %get3A_165 : vector<1x16xf32> to vector<16xf32>
        %add3A_167 = arith.addf %get3A_158, %get3A_166 : vector<16xf32>
        %iota3A_168 = tpu.iota {dimensions = array<i32: 0>} : vector<16xi32>
        %xor3A_169 = arith.constant 1 : i32
        %xor3A_170 = vector.broadcast %xor3A_169 : i32 to vector<16xi32>
        %xor3A_171 = arith.xori %iota3A_168, %xor3A_170 : vector<16xi32>
        %broadcast_in_dim3A_172 = vector.shape_cast %xor3A_171 : vector<16xi32> to vector<16x1xi32>
        %gather3A_173 = vector.shape_cast %broadcast_in_dim3A_172 : vector<16x1xi32> to vector<16xi32>
        %gather3A_174 = tpu.dynamic_gather %add3A_167[%gather3A_173] in [0] : vector<16xf32>, vector<16xi32> -> vector<16xf32>
        %add3A_175 = arith.addf %add3A_167, %gather3A_174 : vector<16xf32>
        %gt3A_176 = arith.constant 0.000000e+00 : f32
        %gt3A_177 = vector.broadcast %gt3A_176 : f32 to vector<16xf32>
        %gt3A_178 = arith.cmpf ogt, %add3A_175, %gt3A_177 : vector<16xf32>
        %broadcast_in_dim3A_179 = arith.constant 0.000000e+00 : f32
        %broadcast_in_dim3A_180 = vector.broadcast %broadcast_in_dim3A_179 : f32 to vector<16xf32>
        %select_n3A_181 = arith.select %gt3A_178, %get3A_158, %broadcast_in_dim3A_180 : vector<16xi1>, vector<16xf32>
        %mul3A_182 = arith.constant 2 : i32
        %mul3A_183 = arith.muli %mul3A_182, %scan3A_67 : i32
        %swap3A_184 = arith.index_cast %mul3A_183 : i32 to index
        %swap3A_185 = arith.constant 32 : index
        %swap3A_186 = tpu.vector_load %arg4[%swap3A_184, %swap3A_185] {strides = array<i32>} : memref<224x224xf32, #tpu.memory_space<vmem>>, vector<1x16xf32>,
        %swap3A_187 = vector.shape_cast %swap3A_186 : vector<1x16xf32> to vector<16xf32>
        %swap3A_188 = vector.shape_cast %select_n3A_181 : vector<16xf32> to vector<1x16xf32>
        tpu.vector_store %arg4[%swap3A_184, %swap3A_185], %swap3A_188 {strides = array<i32>} : memref<224x224xf32, #tpu.memory_space<vmem>>, vector<1x16xf32>,
        %select_n3A_189 = arith.select %gt3A_178, %get3A_166, %broadcast_in_dim3A_180 : vector<16xi1>, vector<16xf32>
        %mul3A_190 = arith.constant 2 : i32
        %mul3A_191 = arith.muli %mul3A_190, %scan3A_67 : i32
        %add3A_192 = arith.constant 1 : i32
        %add3A_193 = arith.addi %mul3A_191, %add3A_192 : i32
        %swap3A_194 = arith.index_cast %add3A_193 : i32 to index
        %swap3A_195 = arith.constant 32 : index
        %swap3A_196 = tpu.vector_load %arg4[%swap3A_194, %swap3A_195] {strides = array<i32>} : memref<224x224xf32, #tpu.memory_space<vmem>>, vector<1x16xf32>,
        %swap3A_197 = vector.shape_cast %swap3A_196 : vector<1x16xf32> to vector<16xf32>
        %swap3A_198 = vector.shape_cast %select_n3A_189 : vector<16xf32> to vector<1x16xf32>
        tpu.vector_store %arg4[%swap3A_194, %swap3A_195], %swap3A_198 {strides = array<i32>} : memref<224x224xf32, #tpu.memory_space<vmem>>, vector<1x16xf32>,
        %mul3A_199 = arith.constant 2 : i32
        %mul3A_200 = arith.muli %mul3A_199, %scan3A_67 : i32
        %get3A_201 = arith.index_cast %mul3A_200 : i32 to index
        %get3A_202 = arith.constant 48 : index
        %get3A_203 = tpu.vector_load %arg4[%get3A_201, %get3A_202] {strides = array<i32>} : memref<224x224xf32, #tpu.memory_space<vmem>>, vector<1x16xf32>,
        %get3A_204 = vector.shape_cast %get3A_203 : vector<1x16xf32> to vector<16xf32>
        %mul3A_205 = arith.constant 2 : i32
        %mul3A_206 = arith.muli %mul3A_205, %scan3A_67 : i32
        %add3A_207 = arith.constant 1 : i32
        %add3A_208 = arith.addi %mul3A_206, %add3A_207 : i32
        %get3A_209 = arith.index_cast %add3A_208 : i32 to index
        %get3A_210 = arith.constant 48 : index
        %get3A_211 = tpu.vector_load %arg4[%get3A_209, %get3A_210] {strides = array<i32>} : memref<224x224xf32, #tpu.memory_space<vmem>>, vector<1x16xf32>,
        %get3A_212 = vector.shape_cast %get3A_211 : vector<1x16xf32> to vector<16xf32>
        %add3A_213 = arith.addf %get3A_204, %get3A_212 : vector<16xf32>
        %iota3A_214 = tpu.iota {dimensions = array<i32: 0>} : vector<16xi32>
        %xor3A_215 = arith.constant 1 : i32
        %xor3A_216 = vector.broadcast %xor3A_215 : i32 to vector<16xi32>
        %xor3A_217 = arith.xori %iota3A_214, %xor3A_216 : vector<16xi32>
        %broadcast_in_dim3A_218 = vector.shape_cast %xor3A_217 : vector<16xi32> to vector<16x1xi32>
        %gather3A_219 = vector.shape_cast %broadcast_in_dim3A_218 : vector<16x1xi32> to vector<16xi32>
        %gather3A_220 = tpu.dynamic_gather %add3A_213[%gather3A_219] in [0] : vector<16xf32>, vector<16xi32> -> vector<16xf32>
        %add3A_221 = arith.addf %add3A_213, %gather3A_220 : vector<16xf32>
        %gt3A_222 = arith.constant 0.000000e+00 : f32
        %gt3A_223 = vector.broadcast %gt3A_222 : f32 to vector<16xf32>
        %gt3A_224 = arith.cmpf ogt, %add3A_221, %gt3A_223 : vector<16xf32>
        %broadcast_in_dim3A_225 = arith.constant 0.000000e+00 : f32
        %broadcast_in_dim3A_226 = vector.broadcast %broadcast_in_dim3A_225 : f32 to vector<16xf32>
        %select_n3A_227 = arith.select %gt3A_224, %get3A_204, %broadcast_in_dim3A_226 : vector<16xi1>, vector<16xf32>
        %mul3A_228 = arith.constant 2 : i32
        %mul3A_229 = arith.muli %mul3A_228, %scan3A_67 : i32
        %swap3A_230 = arith.index_cast %mul3A_229 : i32 to index
        %swap3A_231 = arith.constant 48 : index
        %swap3A_232 = tpu.vector_load %arg4[%swap3A_230, %swap3A_231] {strides = array<i32>} : memref<224x224xf32, #tpu.memory_space<vmem>>, vector<1x16xf32>,
        %swap3A_233 = vector.shape_cast %swap3A_232 : vector<1x16xf32> to vector<16xf32>
        %swap3A_234 = vector.shape_cast %select_n3A_227 : vector<16xf32> to vector<1x16xf32>
        tpu.vector_store %arg4[%swap3A_230, %swap3A_231], %swap3A_234 {strides = array<i32>} : memref<224x224xf32, #tpu.memory_space<vmem>>, vector<1x16xf32>,
        %select_n3A_235 = arith.select %gt3A_224, %get3A_212, %broadcast_in_dim3A_226 : vector<16xi1>, vector<16xf32>
        %mul3A_236 = arith.constant 2 : i32
        %mul3A_237 = arith.muli %mul3A_236, %scan3A_67 : i32
        %add3A_238 = arith.constant 1 : i32
        %add3A_239 = arith.addi %mul3A_237, %add3A_238 : i32
        %swap3A_240 = arith.index_cast %add3A_239 : i32 to index
        %swap3A_241 = arith.constant 48 : index
        %swap3A_242 = tpu.vector_load %arg4[%swap3A_240, %swap3A_241] {strides = array<i32>} : memref<224x224xf32, #tpu.memory_space<vmem>>, vector<1x16xf32>,
        %swap3A_243 = vector.shape_cast %swap3A_242 : vector<1x16xf32> to vector<16xf32>
        %swap3A_244 = vector.shape_cast %select_n3A_235 : vector<16xf32> to vector<1x16xf32>
        tpu.vector_store %arg4[%swap3A_240, %swap3A_241], %swap3A_244 {strides = array<i32>} : memref<224x224xf32, #tpu.memory_space<vmem>>, vector<1x16xf32>,
        %mul3A_245 = arith.constant 2 : i32
        %mul3A_246 = arith.muli %mul3A_245, %scan3A_67 : i32
        %get3A_247 = arith.index_cast %mul3A_246 : i32 to index
        %get3A_248 = arith.constant 64 : index
        %get3A_249 = tpu.vector_load %arg4[%get3A_247, %get3A_248] {strides = array<i32>} : memref<224x224xf32, #tpu.memory_space<vmem>>, vector<1x16xf32>,
        %get3A_250 = vector.shape_cast %get3A_249 : vector<1x16xf32> to vector<16xf32>
        %mul3A_251 = arith.constant 2 : i32
        %mul3A_252 = arith.muli %mul3A_251, %scan3A_67 : i32
        %add3A_253 = arith.constant 1 : i32
        %add3A_254 = arith.addi %mul3A_252, %add3A_253 : i32
        %get3A_255 = arith.index_cast %add3A_254 : i32 to index
        %get3A_256 = arith.constant 64 : index
        %get3A_257 = tpu.vector_load %arg4[%get3A_255, %get3A_256] {strides = array<i32>} : memref<224x224xf32, #tpu.memory_space<vmem>>, vector<1x16xf32>,
        %get3A_258 = vector.shape_cast %get3A_257 : vector<1x16xf32> to vector<16xf32>
        %add3A_259 = arith.addf %get3A_250, %get3A_258 : vector<16xf32>
        %iota3A_260 = tpu.iota {dimensions = array<i32: 0>} : vector<16xi32>
        %xor3A_261 = arith.constant 1 : i32
        %xor3A_262 = vector.broadcast %xor3A_261 : i32 to vector<16xi32>
        %xor3A_263 = arith.xori %iota3A_260, %xor3A_262 : vector<16xi32>
        %broadcast_in_dim3A_264 = vector.shape_cast %xor3A_263 : vector<16xi32> to vector<16x1xi32>
        %gather3A_265 = vector.shape_cast %broadcast_in_dim3A_264 : vector<16x1xi32> to vector<16xi32>
        %gather3A_266 = tpu.dynamic_gather %add3A_259[%gather3A_265] in [0] : vector<16xf32>, vector<16xi32> -> vector<16xf32>
        %add3A_267 = arith.addf %add3A_259, %gather3A_266 : vector<16xf32>
        %gt3A_268 = arith.constant 0.000000e+00 : f32
        %gt3A_269 = vector.broadcast %gt3A_268 : f32 to vector<16xf32>
        %gt3A_270 = arith.cmpf ogt, %add3A_267, %gt3A_269 : vector<16xf32>
        %broadcast_in_dim3A_271 = arith.constant 0.000000e+00 : f32
        %broadcast_in_dim3A_272 = vector.broadcast %broadcast_in_dim3A_271 : f32 to vector<16xf32>
        %select_n3A_273 = arith.select %gt3A_270, %get3A_250, %broadcast_in_dim3A_272 : vector<16xi1>, vector<16xf32>
        %mul3A_274 = arith.constant 2 : i32
        %mul3A_275 = arith.muli %mul3A_274, %scan3A_67 : i32
        %swap3A_276 = arith.index_cast %mul3A_275 : i32 to index
        %swap3A_277 = arith.constant 64 : index
        %swap3A_278 = tpu.vector_load %arg4[%swap3A_276, %swap3A_277] {strides = array<i32>} : memref<224x224xf32, #tpu.memory_space<vmem>>, vector<1x16xf32>,
        %swap3A_279 = vector.shape_cast %swap3A_278 : vector<1x16xf32> to vector<16xf32>
        %swap3A_280 = vector.shape_cast %select_n3A_273 : vector<16xf32> to vector<1x16xf32>
        tpu.vector_store %arg4[%swap3A_276, %swap3A_277], %swap3A_280 {strides = array<i32>} : memref<224x224xf32, #tpu.memory_space<vmem>>, vector<1x16xf32>,
        %select_n3A_281 = arith.select %gt3A_270, %get3A_258, %broadcast_in_dim3A_272 : vector<16xi1>, vector<16xf32>
        %mul3A_282 = arith.constant 2 : i32
        %mul3A_283 = arith.muli %mul3A_282, %scan3A_67 : i32
        %add3A_284 = arith.constant 1 : i32
        %add3A_285 = arith.addi %mul3A_283, %add3A_284 : i32
        %swap3A_286 = arith.index_cast %add3A_285 : i32 to index
        %swap3A_287 = arith.constant 64 : index
        %swap3A_288 = tpu.vector_load %arg4[%swap3A_286, %swap3A_287] {strides = array<i32>} : memref<224x224xf32, #tpu.memory_space<vmem>>, vector<1x16xf32>,
        %swap3A_289 = vector.shape_cast %swap3A_288 : vector<1x16xf32> to vector<16xf32>
        %swap3A_290 = vector.shape_cast %select_n3A_281 : vector<16xf32> to vector<1x16xf32>
        tpu.vector_store %arg4[%swap3A_286, %swap3A_287], %swap3A_290 {strides = array<i32>} : memref<224x224xf32, #tpu.memory_space<vmem>>, vector<1x16xf32>,
        %mul3A_291 = arith.constant 2 : i32
        %mul3A_292 = arith.muli %mul3A_291, %scan3A_67 : i32
        %get3A_293 = arith.index_cast %mul3A_292 : i32 to index
        %get3A_294 = arith.constant 80 : index
        %get3A_295 = tpu.vector_load %arg4[%get3A_293, %get3A_294] {strides = array<i32>} : memref<224x224xf32, #tpu.memory_space<vmem>>, vector<1x16xf32>,
        %get3A_296 = vector.shape_cast %get3A_295 : vector<1x16xf32> to vector<16xf32>
        %mul3A_297 = arith.constant 2 : i32
        %mul3A_298 = arith.muli %mul3A_297, %scan3A_67 : i32
        %add3A_299 = arith.constant 1 : i32
        %add3A_300 = arith.addi %mul3A_298, %add3A_299 : i32
        %get3A_301 = arith.index_cast %add3A_300 : i32 to index
        %get3A_302 = arith.constant 80 : index
        %get3A_303 = tpu.vector_load %arg4[%get3A_301, %get3A_302] {strides = array<i32>} : memref<224x224xf32, #tpu.memory_space<vmem>>, vector<1x16xf32>,
        %get3A_304 = vector.shape_cast %get3A_303 : vector<1x16xf32> to vector<16xf32>
        %add3A_305 = arith.addf %get3A_296, %get3A_304 : vector<16xf32>
        %iota3A_306 = tpu.iota {dimensions = array<i32: 0>} : vector<16xi32>
        %xor3A_307 = arith.constant 1 : i32
        %xor3A_308 = vector.broadcast %xor3A_307 : i32 to vector<16xi32>
        %xor3A_309 = arith.xori %iota3A_306, %xor3A_308 : vector<16xi32>
        %broadcast_in_dim3A_310 = vector.shape_cast %xor3A_309 : vector<16xi32> to vector<16x1xi32>
        %gather3A_311 = vector.shape_cast %broadcast_in_dim3A_310 : vector<16x1xi32> to vector<16xi32>
        %gather3A_312 = tpu.dynamic_gather %add3A_305[%gather3A_311] in [0] : vector<16xf32>, vector<16xi32> -> vector<16xf32>
        %add3A_313 = arith.addf %add3A_305, %gather3A_312 : vector<16xf32>
        %gt3A_314 = arith.constant 0.000000e+00 : f32
        %gt3A_315 = vector.broadcast %gt3A_314 : f32 to vector<16xf32>
        %gt3A_316 = arith.cmpf ogt, %add3A_313, %gt3A_315 : vector<16xf32>
        %broadcast_in_dim3A_317 = arith.constant 0.000000e+00 : f32
        %broadcast_in_dim3A_318 = vector.broadcast %broadcast_in_dim3A_317 : f32 to vector<16xf32>
        %select_n3A_319 = arith.select %gt3A_316, %get3A_296, %broadcast_in_dim3A_318 : vector<16xi1>, vector<16xf32>
        %mul3A_320 = arith.constant 2 : i32
        %mul3A_321 = arith.muli %mul3A_320, %scan3A_67 : i32
        %swap3A_322 = arith.index_cast %mul3A_321 : i32 to index
        %swap3A_323 = arith.constant 80 : index
        %swap3A_324 = tpu.vector_load %arg4[%swap3A_322, %swap3A_323] {strides = array<i32>} : memref<224x224xf32, #tpu.memory_space<vmem>>, vector<1x16xf32>,
        %swap3A_325 = vector.shape_cast %swap3A_324 : vector<1x16xf32> to vector<16xf32>
        %swap3A_326 = vector.shape_cast %select_n3A_319 : vector<16xf32> to vector<1x16xf32>
        tpu.vector_store %arg4[%swap3A_322, %swap3A_323], %swap3A_326 {strides = array<i32>} : memref<224x224xf32, #tpu.memory_space<vmem>>, vector<1x16xf32>,
        %select_n3A_327 = arith.select %gt3A_316, %get3A_304, %broadcast_in_dim3A_318 : vector<16xi1>, vector<16xf32>
        %mul3A_328 = arith.constant 2 : i32
        %mul3A_329 = arith.muli %mul3A_328, %scan3A_67 : i32
        %add3A_330 = arith.constant 1 : i32
        %add3A_331 = arith.addi %mul3A_329, %add3A_330 : i32
        %swap3A_332 = arith.index_cast %add3A_331 : i32 to index
        %swap3A_333 = arith.constant 80 : index
        %swap3A_334 = tpu.vector_load %arg4[%swap3A_332, %swap3A_333] {strides = array<i32>} : memref<224x224xf32, #tpu.memory_space<vmem>>, vector<1x16xf32>,
        %swap3A_335 = vector.shape_cast %swap3A_334 : vector<1x16xf32> to vector<16xf32>
        %swap3A_336 = vector.shape_cast %select_n3A_327 : vector<16xf32> to vector<1x16xf32>
        tpu.vector_store %arg4[%swap3A_332, %swap3A_333], %swap3A_336 {strides = array<i32>} : memref<224x224xf32, #tpu.memory_space<vmem>>, vector<1x16xf32>,
        %mul3A_337 = arith.constant 2 : i32
        %mul3A_338 = arith.muli %mul3A_337, %scan3A_67 : i32
        %get3A_339 = arith.index_cast %mul3A_338 : i32 to index
        %get3A_340 = arith.constant 96 : index
        %get3A_341 = tpu.vector_load %arg4[%get3A_339, %get3A_340] {strides = array<i32>} : memref<224x224xf32, #tpu.memory_space<vmem>>, vector<1x16xf32>,
        %get3A_342 = vector.shape_cast %get3A_341 : vector<1x16xf32> to vector<16xf32>
        %mul3A_343 = arith.constant 2 : i32
        %mul3A_344 = arith.muli %mul3A_343, %scan3A_67 : i32
        %add3A_345 = arith.constant 1 : i32
        %add3A_346 = arith.addi %mul3A_344, %add3A_345 : i32
        %get3A_347 = arith.index_cast %add3A_346 : i32 to index
        %get3A_348 = arith.constant 96 : index
        %get3A_349 = tpu.vector_load %arg4[%get3A_347, %get3A_348] {strides = array<i32>} : memref<224x224xf32, #tpu.memory_space<vmem>>, vector<1x16xf32>,
        %get3A_350 = vector.shape_cast %get3A_349 : vector<1x16xf32> to vector<16xf32>
        %add3A_351 = arith.addf %get3A_342, %get3A_350 : vector<16xf32>
        %iota3A_352 = tpu.iota {dimensions = array<i32: 0>} : vector<16xi32>
        %xor3A_353 = arith.constant 1 : i32
        %xor3A_354 = vector.broadcast %xor3A_353 : i32 to vector<16xi32>
        %xor3A_355 = arith.xori %iota3A_352, %xor3A_354 : vector<16xi32>
        %broadcast_in_dim3A_356 = vector.shape_cast %xor3A_355 : vector<16xi32> to vector<16x1xi32>
        %gather3A_357 = vector.shape_cast %broadcast_in_dim3A_356 : vector<16x1xi32> to vector<16xi32>
        %gather3A_358 = tpu.dynamic_gather %add3A_351[%gather3A_357] in [0] : vector<16xf32>, vector<16xi32> -> vector<16xf32>
        %add3A_359 = arith.addf %add3A_351, %gather3A_358 : vector<16xf32>
        %gt3A_360 = arith.constant 0.000000e+00 : f32
        %gt3A_361 = vector.broadcast %gt3A_360 : f32 to vector<16xf32>
        %gt3A_362 = arith.cmpf ogt, %add3A_359, %gt3A_361 : vector<16xf32>
        %broadcast_in_dim3A_363 = arith.constant 0.000000e+00 : f32
        %broadcast_in_dim3A_364 = vector.broadcast %broadcast_in_dim3A_363 : f32 to vector<16xf32>
        %select_n3A_365 = arith.select %gt3A_362, %get3A_342, %broadcast_in_dim3A_364 : vector<16xi1>, vector<16xf32>
        %mul3A_366 = arith.constant 2 : i32
        %mul3A_367 = arith.muli %mul3A_366, %scan3A_67 : i32
        %swap3A_368 = arith.index_cast %mul3A_367 : i32 to index
        %swap3A_369 = arith.constant 96 : index
        %swap3A_370 = tpu.vector_load %arg4[%swap3A_368, %swap3A_369] {strides = array<i32>} : memref<224x224xf32, #tpu.memory_space<vmem>>, vector<1x16xf32>,
        %swap3A_371 = vector.shape_cast %swap3A_370 : vector<1x16xf32> to vector<16xf32>
        %swap3A_372 = vector.shape_cast %select_n3A_365 : vector<16xf32> to vector<1x16xf32>
        tpu.vector_store %arg4[%swap3A_368, %swap3A_369], %swap3A_372 {strides = array<i32>} : memref<224x224xf32, #tpu.memory_space<vmem>>, vector<1x16xf32>,
        %select_n3A_373 = arith.select %gt3A_362, %get3A_350, %broadcast_in_dim3A_364 : vector<16xi1>, vector<16xf32>
        %mul3A_374 = arith.constant 2 : i32
        %mul3A_375 = arith.muli %mul3A_374, %scan3A_67 : i32
        %add3A_376 = arith.constant 1 : i32
        %add3A_377 = arith.addi %mul3A_375, %add3A_376 : i32
        %swap3A_378 = arith.index_cast %add3A_377 : i32 to index
        %swap3A_379 = arith.constant 96 : index
        %swap3A_380 = tpu.vector_load %arg4[%swap3A_378, %swap3A_379] {strides = array<i32>} : memref<224x224xf32, #tpu.memory_space<vmem>>, vector<1x16xf32>,
        %swap3A_381 = vector.shape_cast %swap3A_380 : vector<1x16xf32> to vector<16xf32>
        %swap3A_382 = vector.shape_cast %select_n3A_373 : vector<16xf32> to vector<1x16xf32>
        tpu.vector_store %arg4[%swap3A_378, %swap3A_379], %swap3A_382 {strides = array<i32>} : memref<224x224xf32, #tpu.memory_space<vmem>>, vector<1x16xf32>,
        %mul3A_383 = arith.constant 2 : i32
        %mul3A_384 = arith.muli %mul3A_383, %scan3A_67 : i32
        %get3A_385 = arith.index_cast %mul3A_384 : i32 to index
        %get3A_386 = arith.constant 112 : index
        %get3A_387 = tpu.vector_load %arg4[%get3A_385, %get3A_386] {strides = array<i32>} : memref<224x224xf32, #tpu.memory_space<vmem>>, vector<1x16xf32>,
        %get3A_388 = vector.shape_cast %get3A_387 : vector<1x16xf32> to vector<16xf32>
        %mul3A_389 = arith.constant 2 : i32
        %mul3A_390 = arith.muli %mul3A_389, %scan3A_67 : i32
        %add3A_391 = arith.constant 1 : i32
        %add3A_392 = arith.addi %mul3A_390, %add3A_391 : i32
        %get3A_393 = arith.index_cast %add3A_392 : i32 to index
        %get3A_394 = arith.constant 112 : index
        %get3A_395 = tpu.vector_load %arg4[%get3A_393, %get3A_394] {strides = array<i32>} : memref<224x224xf32, #tpu.memory_space<vmem>>, vector<1x16xf32>,
        %get3A_396 = vector.shape_cast %get3A_395 : vector<1x16xf32> to vector<16xf32>
        %add3A_397 = arith.addf %get3A_388, %get3A_396 : vector<16xf32>
        %iota3A_398 = tpu.iota {dimensions = array<i32: 0>} : vector<16xi32>
        %xor3A_399 = arith.constant 1 : i32
        %xor3A_400 = vector.broadcast %xor3A_399 : i32 to vector<16xi32>
        %xor3A_401 = arith.xori %iota3A_398, %xor3A_400 : vector<16xi32>
        %broadcast_in_dim3A_402 = vector.shape_cast %xor3A_401 : vector<16xi32> to vector<16x1xi32>
        %gather3A_403 = vector.shape_cast %broadcast_in_dim3A_402 : vector<16x1xi32> to vector<16xi32>
        %gather3A_404 = tpu.dynamic_gather %add3A_397[%gather3A_403] in [0] : vector<16xf32>, vector<16xi32> -> vector<16xf32>
        %add3A_405 = arith.addf %add3A_397, %gather3A_404 : vector<16xf32>
        %gt3A_406 = arith.constant 0.000000e+00 : f32
        %gt3A_407 = vector.broadcast %gt3A_406 : f32 to vector<16xf32>
        %gt3A_408 = arith.cmpf ogt, %add3A_405, %gt3A_407 : vector<16xf32>
        %broadcast_in_dim3A_409 = arith.constant 0.000000e+00 : f32
        %broadcast_in_dim3A_410 = vector.broadcast %broadcast_in_dim3A_409 : f32 to vector<16xf32>
        %select_n3A_411 = arith.select %gt3A_408, %get3A_388, %broadcast_in_dim3A_410 : vector<16xi1>, vector<16xf32>
        %mul3A_412 = arith.constant 2 : i32
        %mul3A_413 = arith.muli %mul3A_412, %scan3A_67 : i32
        %swap3A_414 = arith.index_cast %mul3A_413 : i32 to index
        %swap3A_415 = arith.constant 112 : index
        %swap3A_416 = tpu.vector_load %arg4[%swap3A_414, %swap3A_415] {strides = array<i32>} : memref<224x224xf32, #tpu.memory_space<vmem>>, vector<1x16xf32>,
        %swap3A_417 = vector.shape_cast %swap3A_416 : vector<1x16xf32> to vector<16xf32>
        %swap3A_418 = vector.shape_cast %select_n3A_411 : vector<16xf32> to vector<1x16xf32>
        tpu.vector_store %arg4[%swap3A_414, %swap3A_415], %swap3A_418 {strides = array<i32>} : memref<224x224xf32, #tpu.memory_space<vmem>>, vector<1x16xf32>,
        %select_n3A_419 = arith.select %gt3A_408, %get3A_396, %broadcast_in_dim3A_410 : vector<16xi1>, vector<16xf32>
        %mul3A_420 = arith.constant 2 : i32
        %mul3A_421 = arith.muli %mul3A_420, %scan3A_67 : i32
        %add3A_422 = arith.constant 1 : i32
        %add3A_423 = arith.addi %mul3A_421, %add3A_422 : i32
        %swap3A_424 = arith.index_cast %add3A_423 : i32 to index
        %swap3A_425 = arith.constant 112 : index
        %swap3A_426 = tpu.vector_load %arg4[%swap3A_424, %swap3A_425] {strides = array<i32>} : memref<224x224xf32, #tpu.memory_space<vmem>>, vector<1x16xf32>,
        %swap3A_427 = vector.shape_cast %swap3A_426 : vector<1x16xf32> to vector<16xf32>
        %swap3A_428 = vector.shape_cast %select_n3A_419 : vector<16xf32> to vector<1x16xf32>
        tpu.vector_store %arg4[%swap3A_424, %swap3A_425], %swap3A_428 {strides = array<i32>} : memref<224x224xf32, #tpu.memory_space<vmem>>, vector<1x16xf32>,
        %mul3A_429 = arith.constant 2 : i32
        %mul3A_430 = arith.muli %mul3A_429, %scan3A_67 : i32
        %get3A_431 = arith.index_cast %mul3A_430 : i32 to index
        %get3A_432 = arith.constant 128 : index
        %get3A_433 = tpu.vector_load %arg4[%get3A_431, %get3A_432] {strides = array<i32>} : memref<224x224xf32, #tpu.memory_space<vmem>>, vector<1x16xf32>,
        %get3A_434 = vector.shape_cast %get3A_433 : vector<1x16xf32> to vector<16xf32>
        %mul3A_435 = arith.constant 2 : i32
        %mul3A_436 = arith.muli %mul3A_435, %scan3A_67 : i32
        %add3A_437 = arith.constant 1 : i32
        %add3A_438 = arith.addi %mul3A_436, %add3A_437 : i32
        %get3A_439 = arith.index_cast %add3A_438 : i32 to index
        %get3A_440 = arith.constant 128 : index
        %get3A_441 = tpu.vector_load %arg4[%get3A_439, %get3A_440] {strides = array<i32>} : memref<224x224xf32, #tpu.memory_space<vmem>>, vector<1x16xf32>,
        %get3A_442 = vector.shape_cast %get3A_441 : vector<1x16xf32> to vector<16xf32>
        %add3A_443 = arith.addf %get3A_434, %get3A_442 : vector<16xf32>
        %iota3A_444 = tpu.iota {dimensions = array<i32: 0>} : vector<16xi32>
        %xor3A_445 = arith.constant 1 : i32
        %xor3A_446 = vector.broadcast %xor3A_445 : i32 to vector<16xi32>
        %xor3A_447 = arith.xori %iota3A_444, %xor3A_446 : vector<16xi32>
        %broadcast_in_dim3A_448 = vector.shape_cast %xor3A_447 : vector<16xi32> to vector<16x1xi32>
        %gather3A_449 = vector.shape_cast %broadcast_in_dim3A_448 : vector<16x1xi32> to vector<16xi32>
        %gather3A_450 = tpu.dynamic_gather %add3A_443[%gather3A_449] in [0] : vector<16xf32>, vector<16xi32> -> vector<16xf32>
        %add3A_451 = arith.addf %add3A_443, %gather3A_450 : vector<16xf32>
        %gt3A_452 = arith.constant 0.000000e+00 : f32
        %gt3A_453 = vector.broadcast %gt3A_452 : f32 to vector<16xf32>
        %gt3A_454 = arith.cmpf ogt, %add3A_451, %gt3A_453 : vector<16xf32>
        %broadcast_in_dim3A_455 = arith.constant 0.000000e+00 : f32
        %broadcast_in_dim3A_456 = vector.broadcast %broadcast_in_dim3A_455 : f32 to vector<16xf32>
        %select_n3A_457 = arith.select %gt3A_454, %get3A_434, %broadcast_in_dim3A_456 : vector<16xi1>, vector<16xf32>
        %mul3A_458 = arith.constant 2 : i32
        %mul3A_459 = arith.muli %mul3A_458, %scan3A_67 : i32
        %swap3A_460 = arith.index_cast %mul3A_459 : i32 to index
        %swap3A_461 = arith.constant 128 : index
        %swap3A_462 = tpu.vector_load %arg4[%swap3A_460, %swap3A_461] {strides = array<i32>} : memref<224x224xf32, #tpu.memory_space<vmem>>, vector<1x16xf32>,
        %swap3A_463 = vector.shape_cast %swap3A_462 : vector<1x16xf32> to vector<16xf32>
        %swap3A_464 = vector.shape_cast %select_n3A_457 : vector<16xf32> to vector<1x16xf32>
        tpu.vector_store %arg4[%swap3A_460, %swap3A_461], %swap3A_464 {strides = array<i32>} : memref<224x224xf32, #tpu.memory_space<vmem>>, vector<1x16xf32>,
        %select_n3A_465 = arith.select %gt3A_454, %get3A_442, %broadcast_in_dim3A_456 : vector<16xi1>, vector<16xf32>
        %mul3A_466 = arith.constant 2 : i32
        %mul3A_467 = arith.muli %mul3A_466, %scan3A_67 : i32
        %add3A_468 = arith.constant 1 : i32
        %add3A_469 = arith.addi %mul3A_467, %add3A_468 : i32
        %swap3A_470 = arith.index_cast %add3A_469 : i32 to index
        %swap3A_471 = arith.constant 128 : index
        %swap3A_472 = tpu.vector_load %arg4[%swap3A_470, %swap3A_471] {strides = array<i32>} : memref<224x224xf32, #tpu.memory_space<vmem>>, vector<1x16xf32>,
        %swap3A_473 = vector.shape_cast %swap3A_472 : vector<1x16xf32> to vector<16xf32>
        %swap3A_474 = vector.shape_cast %select_n3A_465 : vector<16xf32> to vector<1x16xf32>
        tpu.vector_store %arg4[%swap3A_470, %swap3A_471], %swap3A_474 {strides = array<i32>} : memref<224x224xf32, #tpu.memory_space<vmem>>, vector<1x16xf32>,
        %mul3A_475 = arith.constant 2 : i32
        %mul3A_476 = arith.muli %mul3A_475, %scan3A_67 : i32
        %get3A_477 = arith.index_cast %mul3A_476 : i32 to index
        %get3A_478 = arith.constant 144 : index
        %get3A_479 = tpu.vector_load %arg4[%get3A_477, %get3A_478] {strides = array<i32>} : memref<224x224xf32, #tpu.memory_space<vmem>>, vector<1x16xf32>,
        %get3A_480 = vector.shape_cast %get3A_479 : vector<1x16xf32> to vector<16xf32>
        %mul3A_481 = arith.constant 2 : i32
        %mul3A_482 = arith.muli %mul3A_481, %scan3A_67 : i32
        %add3A_483 = arith.constant 1 : i32
        %add3A_484 = arith.addi %mul3A_482, %add3A_483 : i32
        %get3A_485 = arith.index_cast %add3A_484 : i32 to index
        %get3A_486 = arith.constant 144 : index
        %get3A_487 = tpu.vector_load %arg4[%get3A_485, %get3A_486] {strides = array<i32>} : memref<224x224xf32, #tpu.memory_space<vmem>>, vector<1x16xf32>,
        %get3A_488 = vector.shape_cast %get3A_487 : vector<1x16xf32> to vector<16xf32>
        %add3A_489 = arith.addf %get3A_480, %get3A_488 : vector<16xf32>
        %iota3A_490 = tpu.iota {dimensions = array<i32: 0>} : vector<16xi32>
        %xor3A_491 = arith.constant 1 : i32
        %xor3A_492 = vector.broadcast %xor3A_491 : i32 to vector<16xi32>
        %xor3A_493 = arith.xori %iota3A_490, %xor3A_492 : vector<16xi32>
        %broadcast_in_dim3A_494 = vector.shape_cast %xor3A_493 : vector<16xi32> to vector<16x1xi32>
        %gather3A_495 = vector.shape_cast %broadcast_in_dim3A_494 : vector<16x1xi32> to vector<16xi32>
        %gather3A_496 = tpu.dynamic_gather %add3A_489[%gather3A_495] in [0] : vector<16xf32>, vector<16xi32> -> vector<16xf32>
        %add3A_497 = arith.addf %add3A_489, %gather3A_496 : vector<16xf32>
        %gt3A_498 = arith.constant 0.000000e+00 : f32
        %gt3A_499 = vector.broadcast %gt3A_498 : f32 to vector<16xf32>
        %gt3A_500 = arith.cmpf ogt, %add3A_497, %gt3A_499 : vector<16xf32>
        %broadcast_in_dim3A_501 = arith.constant 0.000000e+00 : f32
        %broadcast_in_dim3A_502 = vector.broadcast %broadcast_in_dim3A_501 : f32 to vector<16xf32>
        %select_n3A_503 = arith.select %gt3A_500, %get3A_480, %broadcast_in_dim3A_502 : vector<16xi1>, vector<16xf32>
        %mul3A_504 = arith.constant 2 : i32
        %mul3A_505 = arith.muli %mul3A_504, %scan3A_67 : i32
        %swap3A_506 = arith.index_cast %mul3A_505 : i32 to index
        %swap3A_507 = arith.constant 144 : index
        %swap3A_508 = tpu.vector_load %arg4[%swap3A_506, %swap3A_507] {strides = array<i32>} : memref<224x224xf32, #tpu.memory_space<vmem>>, vector<1x16xf32>,
        %swap3A_509 = vector.shape_cast %swap3A_508 : vector<1x16xf32> to vector<16xf32>
        %swap3A_510 = vector.shape_cast %select_n3A_503 : vector<16xf32> to vector<1x16xf32>
        tpu.vector_store %arg4[%swap3A_506, %swap3A_507], %swap3A_510 {strides = array<i32>} : memref<224x224xf32, #tpu.memory_space<vmem>>, vector<1x16xf32>,
        %select_n3A_511 = arith.select %gt3A_500, %get3A_488, %broadcast_in_dim3A_502 : vector<16xi1>, vector<16xf32>
        %mul3A_512 = arith.constant 2 : i32
        %mul3A_513 = arith.muli %mul3A_512, %scan3A_67 : i32
        %add3A_514 = arith.constant 1 : i32
        %add3A_515 = arith.addi %mul3A_513, %add3A_514 : i32
        %swap3A_516 = arith.index_cast %add3A_515 : i32 to index
        %swap3A_517 = arith.constant 144 : index
        %swap3A_518 = tpu.vector_load %arg4[%swap3A_516, %swap3A_517] {strides = array<i32>} : memref<224x224xf32, #tpu.memory_space<vmem>>, vector<1x16xf32>,
        %swap3A_519 = vector.shape_cast %swap3A_518 : vector<1x16xf32> to vector<16xf32>
        %swap3A_520 = vector.shape_cast %select_n3A_511 : vector<16xf32> to vector<1x16xf32>
        tpu.vector_store %arg4[%swap3A_516, %swap3A_517], %swap3A_520 {strides = array<i32>} : memref<224x224xf32, #tpu.memory_space<vmem>>, vector<1x16xf32>,
        %mul3A_521 = arith.constant 2 : i32
        %mul3A_522 = arith.muli %mul3A_521, %scan3A_67 : i32
        %get3A_523 = arith.index_cast %mul3A_522 : i32 to index
        %get3A_524 = arith.constant 160 : index
        %get3A_525 = tpu.vector_load %arg4[%get3A_523, %get3A_524] {strides = array<i32>} : memref<224x224xf32, #tpu.memory_space<vmem>>, vector<1x16xf32>,
        %get3A_526 = vector.shape_cast %get3A_525 : vector<1x16xf32> to vector<16xf32>
        %mul3A_527 = arith.constant 2 : i32
        %mul3A_528 = arith.muli %mul3A_527, %scan3A_67 : i32
        %add3A_529 = arith.constant 1 : i32
        %add3A_530 = arith.addi %mul3A_528, %add3A_529 : i32
        %get3A_531 = arith.index_cast %add3A_530 : i32 to index
        %get3A_532 = arith.constant 160 : index
        %get3A_533 = tpu.vector_load %arg4[%get3A_531, %get3A_532] {strides = array<i32>} : memref<224x224xf32, #tpu.memory_space<vmem>>, vector<1x16xf32>,
        %get3A_534 = vector.shape_cast %get3A_533 : vector<1x16xf32> to vector<16xf32>
        %add3A_535 = arith.addf %get3A_526, %get3A_534 : vector<16xf32>
        %iota3A_536 = tpu.iota {dimensions = array<i32: 0>} : vector<16xi32>
        %xor3A_537 = arith.constant 1 : i32
        %xor3A_538 = vector.broadcast %xor3A_537 : i32 to vector<16xi32>
        %xor3A_539 = arith.xori %iota3A_536, %xor3A_538 : vector<16xi32>
        %broadcast_in_dim3A_540 = vector.shape_cast %xor3A_539 : vector<16xi32> to vector<16x1xi32>
        %gather3A_541 = vector.shape_cast %broadcast_in_dim3A_540 : vector<16x1xi32> to vector<16xi32>
        %gather3A_542 = tpu.dynamic_gather %add3A_535[%gather3A_541] in [0] : vector<16xf32>, vector<16xi32> -> vector<16xf32>
        %add3A_543 = arith.addf %add3A_535, %gather3A_542 : vector<16xf32>
        %gt3A_544 = arith.constant 0.000000e+00 : f32
        %gt3A_545 = vector.broadcast %gt3A_544 : f32 to vector<16xf32>
        %gt3A_546 = arith.cmpf ogt, %add3A_543, %gt3A_545 : vector<16xf32>
        %broadcast_in_dim3A_547 = arith.constant 0.000000e+00 : f32
        %broadcast_in_dim3A_548 = vector.broadcast %broadcast_in_dim3A_547 : f32 to vector<16xf32>
        %select_n3A_549 = arith.select %gt3A_546, %get3A_526, %broadcast_in_dim3A_548 : vector<16xi1>, vector<16xf32>
        %mul3A_550 = arith.constant 2 : i32
        %mul3A_551 = arith.muli %mul3A_550, %scan3A_67 : i32
        %swap3A_552 = arith.index_cast %mul3A_551 : i32 to index
        %swap3A_553 = arith.constant 160 : index
        %swap3A_554 = tpu.vector_load %arg4[%swap3A_552, %swap3A_553] {strides = array<i32>} : memref<224x224xf32, #tpu.memory_space<vmem>>, vector<1x16xf32>,
        %swap3A_555 = vector.shape_cast %swap3A_554 : vector<1x16xf32> to vector<16xf32>
        %swap3A_556 = vector.shape_cast %select_n3A_549 : vector<16xf32> to vector<1x16xf32>
        tpu.vector_store %arg4[%swap3A_552, %swap3A_553], %swap3A_556 {strides = array<i32>} : memref<224x224xf32, #tpu.memory_space<vmem>>, vector<1x16xf32>,
        %select_n3A_557 = arith.select %gt3A_546, %get3A_534, %broadcast_in_dim3A_548 : vector<16xi1>, vector<16xf32>
        %mul3A_558 = arith.constant 2 : i32
        %mul3A_559 = arith.muli %mul3A_558, %scan3A_67 : i32
        %add3A_560 = arith.constant 1 : i32
        %add3A_561 = arith.addi %mul3A_559, %add3A_560 : i32
        %swap3A_562 = arith.index_cast %add3A_561 : i32 to index
        %swap3A_563 = arith.constant 160 : index
        %swap3A_564 = tpu.vector_load %arg4[%swap3A_562, %swap3A_563] {strides = array<i32>} : memref<224x224xf32, #tpu.memory_space<vmem>>, vector<1x16xf32>,
        %swap3A_565 = vector.shape_cast %swap3A_564 : vector<1x16xf32> to vector<16xf32>
        %swap3A_566 = vector.shape_cast %select_n3A_557 : vector<16xf32> to vector<1x16xf32>
        tpu.vector_store %arg4[%swap3A_562, %swap3A_563], %swap3A_566 {strides = array<i32>} : memref<224x224xf32, #tpu.memory_space<vmem>>, vector<1x16xf32>,
        %mul3A_567 = arith.constant 2 : i32
        %mul3A_568 = arith.muli %mul3A_567, %scan3A_67 : i32
        %get3A_569 = arith.index_cast %mul3A_568 : i32 to index
        %get3A_570 = arith.constant 176 : index
        %get3A_571 = tpu.vector_load %arg4[%get3A_569, %get3A_570] {strides = array<i32>} : memref<224x224xf32, #tpu.memory_space<vmem>>, vector<1x16xf32>,
        %get3A_572 = vector.shape_cast %get3A_571 : vector<1x16xf32> to vector<16xf32>
        %mul3A_573 = arith.constant 2 : i32
        %mul3A_574 = arith.muli %mul3A_573, %scan3A_67 : i32
        %add3A_575 = arith.constant 1 : i32
        %add3A_576 = arith.addi %mul3A_574, %add3A_575 : i32
        %get3A_577 = arith.index_cast %add3A_576 : i32 to index
        %get3A_578 = arith.constant 176 : index
        %get3A_579 = tpu.vector_load %arg4[%get3A_577, %get3A_578] {strides = array<i32>} : memref<224x224xf32, #tpu.memory_space<vmem>>, vector<1x16xf32>,
        %get3A_580 = vector.shape_cast %get3A_579 : vector<1x16xf32> to vector<16xf32>
        %add3A_581 = arith.addf %get3A_572, %get3A_580 : vector<16xf32>
        %iota3A_582 = tpu.iota {dimensions = array<i32: 0>} : vector<16xi32>
        %xor3A_583 = arith.constant 1 : i32
        %xor3A_584 = vector.broadcast %xor3A_583 : i32 to vector<16xi32>
        %xor3A_585 = arith.xori %iota3A_582, %xor3A_584 : vector<16xi32>
        %broadcast_in_dim3A_586 = vector.shape_cast %xor3A_585 : vector<16xi32> to vector<16x1xi32>
        %gather3A_587 = vector.shape_cast %broadcast_in_dim3A_586 : vector<16x1xi32> to vector<16xi32>
        %gather3A_588 = tpu.dynamic_gather %add3A_581[%gather3A_587] in [0] : vector<16xf32>, vector<16xi32> -> vector<16xf32>
        %add3A_589 = arith.addf %add3A_581, %gather3A_588 : vector<16xf32>
        %gt3A_590 = arith.constant 0.000000e+00 : f32
        %gt3A_591 = vector.broadcast %gt3A_590 : f32 to vector<16xf32>
        %gt3A_592 = arith.cmpf ogt, %add3A_589, %gt3A_591 : vector<16xf32>
        %broadcast_in_dim3A_593 = arith.constant 0.000000e+00 : f32
        %broadcast_in_dim3A_594 = vector.broadcast %broadcast_in_dim3A_593 : f32 to vector<16xf32>
        %select_n3A_595 = arith.select %gt3A_592, %get3A_572, %broadcast_in_dim3A_594 : vector<16xi1>, vector<16xf32>
        %mul3A_596 = arith.constant 2 : i32
        %mul3A_597 = arith.muli %mul3A_596, %scan3A_67 : i32
        %swap3A_598 = arith.index_cast %mul3A_597 : i32 to index
        %swap3A_599 = arith.constant 176 : index
        %swap3A_600 = tpu.vector_load %arg4[%swap3A_598, %swap3A_599] {strides = array<i32>} : memref<224x224xf32, #tpu.memory_space<vmem>>, vector<1x16xf32>,
        %swap3A_601 = vector.shape_cast %swap3A_600 : vector<1x16xf32> to vector<16xf32>
        %swap3A_602 = vector.shape_cast %select_n3A_595 : vector<16xf32> to vector<1x16xf32>
        tpu.vector_store %arg4[%swap3A_598, %swap3A_599], %swap3A_602 {strides = array<i32>} : memref<224x224xf32, #tpu.memory_space<vmem>>, vector<1x16xf32>,
        %select_n3A_603 = arith.select %gt3A_592, %get3A_580, %broadcast_in_dim3A_594 : vector<16xi1>, vector<16xf32>
        %mul3A_604 = arith.constant 2 : i32
        %mul3A_605 = arith.muli %mul3A_604, %scan3A_67 : i32
        %add3A_606 = arith.constant 1 : i32
        %add3A_607 = arith.addi %mul3A_605, %add3A_606 : i32
        %swap3A_608 = arith.index_cast %add3A_607 : i32 to index
        %swap3A_609 = arith.constant 176 : index
        %swap3A_610 = tpu.vector_load %arg4[%swap3A_608, %swap3A_609] {strides = array<i32>} : memref<224x224xf32, #tpu.memory_space<vmem>>, vector<1x16xf32>,
        %swap3A_611 = vector.shape_cast %swap3A_610 : vector<1x16xf32> to vector<16xf32>
        %swap3A_612 = vector.shape_cast %select_n3A_603 : vector<16xf32> to vector<1x16xf32>
        tpu.vector_store %arg4[%swap3A_608, %swap3A_609], %swap3A_612 {strides = array<i32>} : memref<224x224xf32, #tpu.memory_space<vmem>>, vector<1x16xf32>,
        %mul3A_613 = arith.constant 2 : i32
        %mul3A_614 = arith.muli %mul3A_613, %scan3A_67 : i32
        %get3A_615 = arith.index_cast %mul3A_614 : i32 to index
        %get3A_616 = arith.constant 192 : index
        %get3A_617 = tpu.vector_load %arg4[%get3A_615, %get3A_616] {strides = array<i32>} : memref<224x224xf32, #tpu.memory_space<vmem>>, vector<1x16xf32>,
        %get3A_618 = vector.shape_cast %get3A_617 : vector<1x16xf32> to vector<16xf32>
        %mul3A_619 = arith.constant 2 : i32
        %mul3A_620 = arith.muli %mul3A_619, %scan3A_67 : i32
        %add3A_621 = arith.constant 1 : i32
        %add3A_622 = arith.addi %mul3A_620, %add3A_621 : i32
        %get3A_623 = arith.index_cast %add3A_622 : i32 to index
        %get3A_624 = arith.constant 192 : index
        %get3A_625 = tpu.vector_load %arg4[%get3A_623, %get3A_624] {strides = array<i32>} : memref<224x224xf32, #tpu.memory_space<vmem>>, vector<1x16xf32>,
        %get3A_626 = vector.shape_cast %get3A_625 : vector<1x16xf32> to vector<16xf32>
        %add3A_627 = arith.addf %get3A_618, %get3A_626 : vector<16xf32>
        %iota3A_628 = tpu.iota {dimensions = array<i32: 0>} : vector<16xi32>
        %xor3A_629 = arith.constant 1 : i32
        %xor3A_630 = vector.broadcast %xor3A_629 : i32 to vector<16xi32>
        %xor3A_631 = arith.xori %iota3A_628, %xor3A_630 : vector<16xi32>
        %broadcast_in_dim3A_632 = vector.shape_cast %xor3A_631 : vector<16xi32> to vector<16x1xi32>
        %gather3A_633 = vector.shape_cast %broadcast_in_dim3A_632 : vector<16x1xi32> to vector<16xi32>
        %gather3A_634 = tpu.dynamic_gather %add3A_627[%gather3A_633] in [0] : vector<16xf32>, vector<16xi32> -> vector<16xf32>
        %add3A_635 = arith.addf %add3A_627, %gather3A_634 : vector<16xf32>
        %gt3A_636 = arith.constant 0.000000e+00 : f32
        %gt3A_637 = vector.broadcast %gt3A_636 : f32 to vector<16xf32>
        %gt3A_638 = arith.cmpf ogt, %add3A_635, %gt3A_637 : vector<16xf32>
        %broadcast_in_dim3A_639 = arith.constant 0.000000e+00 : f32
        %broadcast_in_dim3A_640 = vector.broadcast %broadcast_in_dim3A_639 : f32 to vector<16xf32>
        %select_n3A_641 = arith.select %gt3A_638, %get3A_618, %broadcast_in_dim3A_640 : vector<16xi1>, vector<16xf32>
        %mul3A_642 = arith.constant 2 : i32
        %mul3A_643 = arith.muli %mul3A_642, %scan3A_67 : i32
        %swap3A_644 = arith.index_cast %mul3A_643 : i32 to index
        %swap3A_645 = arith.constant 192 : index
        %swap3A_646 = tpu.vector_load %arg4[%swap3A_644, %swap3A_645] {strides = array<i32>} : memref<224x224xf32, #tpu.memory_space<vmem>>, vector<1x16xf32>,
        %swap3A_647 = vector.shape_cast %swap3A_646 : vector<1x16xf32> to vector<16xf32>
        %swap3A_648 = vector.shape_cast %select_n3A_641 : vector<16xf32> to vector<1x16xf32>
        tpu.vector_store %arg4[%swap3A_644, %swap3A_645], %swap3A_648 {strides = array<i32>} : memref<224x224xf32, #tpu.memory_space<vmem>>, vector<1x16xf32>,
        %select_n3A_649 = arith.select %gt3A_638, %get3A_626, %broadcast_in_dim3A_640 : vector<16xi1>, vector<16xf32>
        %mul3A_650 = arith.constant 2 : i32
        %mul3A_651 = arith.muli %mul3A_650, %scan3A_67 : i32
        %add3A_652 = arith.constant 1 : i32
        %add3A_653 = arith.addi %mul3A_651, %add3A_652 : i32
        %swap3A_654 = arith.index_cast %add3A_653 : i32 to index
        %swap3A_655 = arith.constant 192 : index
        %swap3A_656 = tpu.vector_load %arg4[%swap3A_654, %swap3A_655] {strides = array<i32>} : memref<224x224xf32, #tpu.memory_space<vmem>>, vector<1x16xf32>,
        %swap3A_657 = vector.shape_cast %swap3A_656 : vector<1x16xf32> to vector<16xf32>
        %swap3A_658 = vector.shape_cast %select_n3A_649 : vector<16xf32> to vector<1x16xf32>
        tpu.vector_store %arg4[%swap3A_654, %swap3A_655], %swap3A_658 {strides = array<i32>} : memref<224x224xf32, #tpu.memory_space<vmem>>, vector<1x16xf32>,
        %mul3A_659 = arith.constant 2 : i32
        %mul3A_660 = arith.muli %mul3A_659, %scan3A_67 : i32
        %get3A_661 = arith.index_cast %mul3A_660 : i32 to index
        %get3A_662 = arith.constant 208 : index
        %get3A_663 = tpu.vector_load %arg4[%get3A_661, %get3A_662] {strides = array<i32>} : memref<224x224xf32, #tpu.memory_space<vmem>>, vector<1x16xf32>,
        %get3A_664 = vector.shape_cast %get3A_663 : vector<1x16xf32> to vector<16xf32>
        %mul3A_665 = arith.constant 2 : i32
        %mul3A_666 = arith.muli %mul3A_665, %scan3A_67 : i32
        %add3A_667 = arith.constant 1 : i32
        %add3A_668 = arith.addi %mul3A_666, %add3A_667 : i32
        %get3A_669 = arith.index_cast %add3A_668 : i32 to index
        %get3A_670 = arith.constant 208 : index
        %get3A_671 = tpu.vector_load %arg4[%get3A_669, %get3A_670] {strides = array<i32>} : memref<224x224xf32, #tpu.memory_space<vmem>>, vector<1x16xf32>,
        %get3A_672 = vector.shape_cast %get3A_671 : vector<1x16xf32> to vector<16xf32>
        %add3A_673 = arith.addf %get3A_664, %get3A_672 : vector<16xf32>
        %iota3A_674 = tpu.iota {dimensions = array<i32: 0>} : vector<16xi32>
        %xor3A_675 = arith.constant 1 : i32
        %xor3A_676 = vector.broadcast %xor3A_675 : i32 to vector<16xi32>
        %xor3A_677 = arith.xori %iota3A_674, %xor3A_676 : vector<16xi32>
        %broadcast_in_dim3A_678 = vector.shape_cast %xor3A_677 : vector<16xi32> to vector<16x1xi32>
        %gather3A_679 = vector.shape_cast %broadcast_in_dim3A_678 : vector<16x1xi32> to vector<16xi32>
        %gather3A_680 = tpu.dynamic_gather %add3A_673[%gather3A_679] in [0] : vector<16xf32>, vector<16xi32> -> vector<16xf32>
        %add3A_681 = arith.addf %add3A_673, %gather3A_680 : vector<16xf32>
        %gt3A_682 = arith.constant 0.000000e+00 : f32
        %gt3A_683 = vector.broadcast %gt3A_682 : f32 to vector<16xf32>
        %gt3A_684 = arith.cmpf ogt, %add3A_681, %gt3A_683 : vector<16xf32>
        %broadcast_in_dim3A_685 = arith.constant 0.000000e+00 : f32
        %broadcast_in_dim3A_686 = vector.broadcast %broadcast_in_dim3A_685 : f32 to vector<16xf32>
        %select_n3A_687 = arith.select %gt3A_684, %get3A_664, %broadcast_in_dim3A_686 : vector<16xi1>, vector<16xf32>
        %mul3A_688 = arith.constant 2 : i32
        %mul3A_689 = arith.muli %mul3A_688, %scan3A_67 : i32
        %swap3A_690 = arith.index_cast %mul3A_689 : i32 to index
        %swap3A_691 = arith.constant 208 : index
        %swap3A_692 = tpu.vector_load %arg4[%swap3A_690, %swap3A_691] {strides = array<i32>} : memref<224x224xf32, #tpu.memory_space<vmem>>, vector<1x16xf32>,
        %swap3A_693 = vector.shape_cast %swap3A_692 : vector<1x16xf32> to vector<16xf32>
        %swap3A_694 = vector.shape_cast %select_n3A_687 : vector<16xf32> to vector<1x16xf32>
        tpu.vector_store %arg4[%swap3A_690, %swap3A_691], %swap3A_694 {strides = array<i32>} : memref<224x224xf32, #tpu.memory_space<vmem>>, vector<1x16xf32>,
        %select_n3A_695 = arith.select %gt3A_684, %get3A_672, %broadcast_in_dim3A_686 : vector<16xi1>, vector<16xf32>
        %mul3A_696 = arith.constant 2 : i32
        %mul3A_697 = arith.muli %mul3A_696, %scan3A_67 : i32
        %add3A_698 = arith.constant 1 : i32
        %add3A_699 = arith.addi %mul3A_697, %add3A_698 : i32
        %swap3A_700 = arith.index_cast %add3A_699 : i32 to index
        %swap3A_701 = arith.constant 208 : index
        %swap3A_702 = tpu.vector_load %arg4[%swap3A_700, %swap3A_701] {strides = array<i32>} : memref<224x224xf32, #tpu.memory_space<vmem>>, vector<1x16xf32>,
        %swap3A_703 = vector.shape_cast %swap3A_702 : vector<1x16xf32> to vector<16xf32>
        %swap3A_704 = vector.shape_cast %select_n3A_695 : vector<16xf32> to vector<1x16xf32>
        tpu.vector_store %arg4[%swap3A_700, %swap3A_701], %swap3A_704 {strides = array<i32>} : memref<224x224xf32, #tpu.memory_space<vmem>>, vector<1x16xf32>,
      }
      %scan3A_66 = arith.constant 112 : i32
      "tpu.region"() ({
        %run_scoped3A = tpu.sem_alloc : memref<!tpu.dma_semaphore, #tpu.memory_space<semaphore_mem>>
        %dma_start3A = arith.constant 0 : i32
        %dma_start3A_67 = arith.constant 0 : i32
        %dma_start3A_68 = tpu.memref_slice %arg3[%add3A_60, %dma_start3A, %dma_start3A_67] : memref<768x224x224xf32, #tpu.memory_space<hbm>> -> memref<1x224x224xf32, #tpu.memory_space<hbm>>
        %dma_start3A_69 = tpu.memref_squeeze %dma_start3A_68 : memref<1x224x224xf32, #tpu.memory_space<hbm>> -> memref<224x224xf32, #tpu.memory_space<hbm>>
        %dma_start3A_70 = arith.constant 0 : i32
        %dma_start3A_71 = arith.constant 0 : i32
        %dma_start3A_72 = tpu.memref_slice %arg3[%add3A_60, %dma_start3A_70, %dma_start3A_71] : memref<768x224x224xf32, #tpu.memory_space<hbm>> -> memref<1x224x224xf32, #tpu.memory_space<hbm>>
        %dma_start3A_73 = tpu.memref_squeeze %dma_start3A_72 : memref<1x224x224xf32, #tpu.memory_space<hbm>> -> memref<224x224xf32, #tpu.memory_space<hbm>>
        tpu.enqueue_dma source(%arg4 : memref<224x224xf32, #tpu.memory_space<vmem>>) target(%dma_start3A_73 : memref<224x224xf32, #tpu.memory_space<hbm>>) target_semaphore(%run_scoped3A : memref<!tpu.dma_semaphore, #tpu.memory_space<semaphore_mem>>)
        %dma_wait3A = arith.constant 0 : i32
        %dma_wait3A_74 = arith.constant 0 : i32
        %dma_wait3A_75 = tpu.memref_slice %arg3[%add3A_60, %dma_wait3A, %dma_wait3A_74] : memref<768x224x224xf32, #tpu.memory_space<hbm>> -> memref<1x224x224xf32, #tpu.memory_space<hbm>>
        %dma_wait3A_76 = tpu.memref_squeeze %dma_wait3A_75 : memref<1x224x224xf32, #tpu.memory_space<hbm>> -> memref<224x224xf32, #tpu.memory_space<hbm>>
        %dma_wait3A_77 = arith.constant 0 : i32
        %dma_wait3A_78 = arith.constant 0 : i32
        %dma_wait3A_79 = tpu.memref_slice %arg3[%add3A_60, %dma_wait3A_77, %dma_wait3A_78] : memref<768x224x224xf32, #tpu.memory_space<hbm>> -> memref<1x224x224xf32, #tpu.memory_space<hbm>>
        %dma_wait3A_80 = tpu.memref_squeeze %dma_wait3A_79 : memref<1x224x224xf32, #tpu.memory_space<hbm>> -> memref<224x224xf32, #tpu.memory_space<hbm>>
        tpu.wait_dma2 semaphore(%run_scoped3A : memref<!tpu.dma_semaphore, #tpu.memory_space<semaphore_mem>>) src(%arg4 : memref<224x224xf32, #tpu.memory_space<vmem>>) dst(%dma_wait3A_80 : memref<224x224xf32, #tpu.memory_space<hbm>>)
        tpu.yield
      }) : () -> ()
    }
    %scan3A_5 = arith.constant 8 : i32
    %scan3A_6 = arith.constant 0 : i32
    %scan3A_7 = arith.constant 0 : i32
    %scan3A_8 = arith.constant 8 : i32
    %scan3A_9 = arith.addi %scan3A_7, %scan3A_8 : i32
    %scan3A_10 = arith.constant 1 : i32
    scf.for %scan3A_24 = %scan3A_7 to %scan3A_9 step %scan3A_10  : i32 {
      %mul3A_25 = arith.constant 8 : i32
      %mul3A_26 = arith.muli %add3A, %mul3A_25 : i32
      %add3A_27 = arith.addi %mul3A_26, %scan3A_24 : i32
      %jit3A = arith.constant 32 : i32
      %div3A = arith.divsi %add3A_27, %jit3A : i32
      %sign3A = arith.constant 0 : i32
      %sign3A_28 = arith.cmpi sgt, %add3A_27, %sign3A : i32
      %sign3A_29 = arith.extui %sign3A_28 : i1 to i32
      %sign3A_30 = arith.constant 0 : i32
      %sign3A_31 = arith.cmpi slt, %add3A_27, %sign3A_30 : i32
      %sign3A_32 = arith.extui %sign3A_31 : i1 to i32
      %sign3A_33 = arith.subi %sign3A_29, %sign3A_32 : i32
      %sign3A_34 = arith.constant 0 : i32
      %sign3A_35 = arith.cmpi sgt, %jit3A, %sign3A_34 : i32
      %sign3A_36 = arith.extui %sign3A_35 : i1 to i32
      %sign3A_37 = arith.constant 0 : i32
      %sign3A_38 = arith.cmpi slt, %jit3A, %sign3A_37 : i32
      %sign3A_39 = arith.extui %sign3A_38 : i1 to i32
      %sign3A_40 = arith.subi %sign3A_36, %sign3A_39 : i32
      %ne3A = arith.cmpi ne, %sign3A_33, %sign3A_40 : i32
      %rem3A = arith.remsi %add3A_27, %jit3A : i32
      %ne3A_41 = arith.constant 0 : i32
      %ne3A_42 = arith.cmpi ne, %rem3A, %ne3A_41 : i32
      %and3A = arith.andi %ne3A, %ne3A_42 : i1
      %sub3A = arith.constant 1 : i32
      %sub3A_43 = arith.subi %div3A, %sub3A : i32
      %select_n3A = arith.select %and3A, %sub3A_43, %div3A : i32
      %mul3A_44 = arith.constant 96 : i32
      %mul3A_45 = arith.muli %select_n3A, %mul3A_44 : i32
      %add3A_46 = arith.constant 32 : i32
      %add3A_47 = arith.addi %mul3A_45, %add3A_46 : i32
      %jit3A_48 = arith.constant 32 : i32
      %eq3A = arith.constant 0 : i32
      %eq3A_49 = arith.cmpi eq, %jit3A_48, %eq3A : i32
      %jit3A_50 = arith.constant 1 : i32
      %select_n3A_51 = arith.select %eq3A_49, %jit3A_50, %jit3A_48 : i32
      %rem3A_52 = arith.remsi %add3A_27, %select_n3A_51 : i32
      %ne3A_53 = arith.constant 0 : i32
      %ne3A_54 = arith.cmpi ne, %rem3A_52, %ne3A_53 : i32
      %lt3A = arith.constant 0 : i32
      %lt3A_55 = arith.cmpi slt, %rem3A_52, %lt3A : i32
      %lt3A_56 = arith.constant 0 : i32
      %lt3A_57 = arith.cmpi slt, %select_n3A_51, %lt3A_56 : i32
      %ne3A_58 = arith.xori %lt3A_55, %lt3A_57 : i1
      %and3A_59 = arith.andi %ne3A_58, %ne3A_54 : i1
      %add3A_60 = arith.addi %rem3A_52, %select_n3A_51 : i32
      %select_n3A_61 = arith.select %and3A_59, %add3A_60, %rem3A_52 : i32
      %add3A_62 = arith.addi %add3A_47, %select_n3A_61 : i32
      "tpu.region"() ({
        %run_scoped3A = tpu.sem_alloc : memref<!tpu.dma_semaphore, #tpu.memory_space<semaphore_mem>>
        %dma_start3A = arith.constant 0 : i32
        %dma_start3A_69 = arith.constant 0 : i32
        %dma_start3A_70 = tpu.memref_slice %arg2[%add3A_62, %dma_start3A, %dma_start3A_69] : memref<768x224x224xf32, #tpu.memory_space<hbm>> -> memref<1x224x224xf32, #tpu.memory_space<hbm>>
        %dma_start3A_71 = tpu.memref_squeeze %dma_start3A_70 : memref<1x224x224xf32, #tpu.memory_space<hbm>> -> memref<224x224xf32, #tpu.memory_space<hbm>>
        %dma_start3A_72 = arith.constant 0 : i32
        %dma_start3A_73 = arith.constant 0 : i32
        %dma_start3A_74 = tpu.memref_slice %arg2[%add3A_62, %dma_start3A_72, %dma_start3A_73] : memref<768x224x224xf32, #tpu.memory_space<hbm>> -> memref<1x224x224xf32, #tpu.memory_space<hbm>>
        %dma_start3A_75 = tpu.memref_squeeze %dma_start3A_74 : memref<1x224x224xf32, #tpu.memory_space<hbm>> -> memref<224x224xf32, #tpu.memory_space<hbm>>
        tpu.enqueue_dma source(%dma_start3A_75 : memref<224x224xf32, #tpu.memory_space<hbm>>) target(%arg4 : memref<224x224xf32, #tpu.memory_space<vmem>>) target_semaphore(%run_scoped3A : memref<!tpu.dma_semaphore, #tpu.memory_space<semaphore_mem>>)
        %dma_wait3A = arith.constant 0 : i32
        %dma_wait3A_76 = arith.constant 0 : i32
        %dma_wait3A_77 = tpu.memref_slice %arg2[%add3A_62, %dma_wait3A, %dma_wait3A_76] : memref<768x224x224xf32, #tpu.memory_space<hbm>> -> memref<1x224x224xf32, #tpu.memory_space<hbm>>
        %dma_wait3A_78 = tpu.memref_squeeze %dma_wait3A_77 : memref<1x224x224xf32, #tpu.memory_space<hbm>> -> memref<224x224xf32, #tpu.memory_space<hbm>>
        %dma_wait3A_79 = arith.constant 0 : i32
        %dma_wait3A_80 = arith.constant 0 : i32
        %dma_wait3A_81 = tpu.memref_slice %arg2[%add3A_62, %dma_wait3A_79, %dma_wait3A_80] : memref<768x224x224xf32, #tpu.memory_space<hbm>> -> memref<1x224x224xf32, #tpu.memory_space<hbm>>
        %dma_wait3A_82 = tpu.memref_squeeze %dma_wait3A_81 : memref<1x224x224xf32, #tpu.memory_space<hbm>> -> memref<224x224xf32, #tpu.memory_space<hbm>>
        tpu.wait_dma2 semaphore(%run_scoped3A : memref<!tpu.dma_semaphore, #tpu.memory_space<semaphore_mem>>) src(%dma_wait3A_82 : memref<224x224xf32, #tpu.memory_space<hbm>>) dst(%arg4 : memref<224x224xf32, #tpu.memory_space<vmem>>)
        tpu.yield
      }) : () -> ()
      %scan3A_63 = arith.constant 0 : i32
      %scan3A_64 = arith.constant 0 : i32
      %scan3A_65 = arith.constant 56 : i32
      %scan3A_66 = arith.addi %scan3A_64, %scan3A_65 : i32
      %scan3A_67 = arith.constant 1 : i32
      scf.for %scan3A_69 = %scan3A_64 to %scan3A_66 step %scan3A_67  : i32 {
        %mul3A_70 = arith.constant 4 : i32
        %mul3A_71 = arith.muli %mul3A_70, %scan3A_69 : i32
        %get3A = arith.index_cast %mul3A_71 : i32 to index
        %get3A_72 = arith.constant 0 : index
        %get3A_73 = tpu.vector_load %arg4[%get3A, %get3A_72] {strides = array<i32>} : memref<224x224xf32, #tpu.memory_space<vmem>>, vector<1x16xf32>,
        %get3A_74 = vector.shape_cast %get3A_73 : vector<1x16xf32> to vector<16xf32>
        %mul3A_75 = arith.constant 4 : i32
        %mul3A_76 = arith.muli %mul3A_75, %scan3A_69 : i32
        %add3A_77 = arith.constant 1 : i32
        %add3A_78 = arith.addi %mul3A_76, %add3A_77 : i32
        %get3A_79 = arith.index_cast %add3A_78 : i32 to index
        %get3A_80 = arith.constant 0 : index
        %get3A_81 = tpu.vector_load %arg4[%get3A_79, %get3A_80] {strides = array<i32>} : memref<224x224xf32, #tpu.memory_space<vmem>>, vector<1x16xf32>,
        %get3A_82 = vector.shape_cast %get3A_81 : vector<1x16xf32> to vector<16xf32>
        %mul3A_83 = arith.constant 4 : i32
        %mul3A_84 = arith.muli %mul3A_83, %scan3A_69 : i32
        %add3A_85 = arith.constant 2 : i32
        %add3A_86 = arith.addi %mul3A_84, %add3A_85 : i32
        %get3A_87 = arith.index_cast %add3A_86 : i32 to index
        %get3A_88 = arith.constant 0 : index
        %get3A_89 = tpu.vector_load %arg4[%get3A_87, %get3A_88] {strides = array<i32>} : memref<224x224xf32, #tpu.memory_space<vmem>>, vector<1x16xf32>,
        %get3A_90 = vector.shape_cast %get3A_89 : vector<1x16xf32> to vector<16xf32>
        %mul3A_91 = arith.constant 4 : i32
        %mul3A_92 = arith.muli %mul3A_91, %scan3A_69 : i32
        %add3A_93 = arith.constant 3 : i32
        %add3A_94 = arith.addi %mul3A_92, %add3A_93 : i32
        %get3A_95 = arith.index_cast %add3A_94 : i32 to index
        %get3A_96 = arith.constant 0 : index
        %get3A_97 = tpu.vector_load %arg4[%get3A_95, %get3A_96] {strides = array<i32>} : memref<224x224xf32, #tpu.memory_space<vmem>>, vector<1x16xf32>,
        %get3A_98 = vector.shape_cast %get3A_97 : vector<1x16xf32> to vector<16xf32>
        %add3A_99 = arith.addf %get3A_74, %get3A_82 : vector<16xf32>
        %add3A_100 = arith.addf %get3A_90, %get3A_98 : vector<16xf32>
        %add3A_101 = arith.addf %add3A_99, %add3A_100 : vector<16xf32>
        %iota3A = tpu.iota {dimensions = array<i32: 0>} : vector<16xi32>
        %xor3A = arith.constant 1 : i32
        %xor3A_102 = vector.broadcast %xor3A : i32 to vector<16xi32>
        %xor3A_103 = arith.xori %iota3A, %xor3A_102 : vector<16xi32>
        %broadcast_in_dim3A = vector.shape_cast %xor3A_103 : vector<16xi32> to vector<16x1xi32>
        %gather3A = vector.shape_cast %broadcast_in_dim3A : vector<16x1xi32> to vector<16xi32>
        %gather3A_104 = tpu.dynamic_gather %add3A_101[%gather3A] in [0] : vector<16xf32>, vector<16xi32> -> vector<16xf32>
        %add3A_105 = arith.addf %add3A_101, %gather3A_104 : vector<16xf32>
        %iota3A_106 = tpu.iota {dimensions = array<i32: 0>} : vector<16xi32>
        %xor3A_107 = arith.constant 2 : i32
        %xor3A_108 = vector.broadcast %xor3A_107 : i32 to vector<16xi32>
        %xor3A_109 = arith.xori %iota3A_106, %xor3A_108 : vector<16xi32>
        %broadcast_in_dim3A_110 = vector.shape_cast %xor3A_109 : vector<16xi32> to vector<16x1xi32>
        %gather3A_111 = vector.shape_cast %broadcast_in_dim3A_110 : vector<16x1xi32> to vector<16xi32>
        %gather3A_112 = tpu.dynamic_gather %add3A_105[%gather3A_111] in [0] : vector<16xf32>, vector<16xi32> -> vector<16xf32>
        %add3A_113 = arith.addf %add3A_105, %gather3A_112 : vector<16xf32>
        %gt3A = arith.constant 0.000000e+00 : f32
        %gt3A_114 = vector.broadcast %gt3A : f32 to vector<16xf32>
        %gt3A_115 = arith.cmpf ogt, %add3A_113, %gt3A_114 : vector<16xf32>
        %broadcast_in_dim3A_116 = arith.constant 0.000000e+00 : f32
        %broadcast_in_dim3A_117 = vector.broadcast %broadcast_in_dim3A_116 : f32 to vector<16xf32>
        %select_n3A_118 = arith.select %gt3A_115, %get3A_74, %broadcast_in_dim3A_117 : vector<16xi1>, vector<16xf32>
        %mul3A_119 = arith.constant 4 : i32
        %mul3A_120 = arith.muli %mul3A_119, %scan3A_69 : i32
        %swap3A = arith.index_cast %mul3A_120 : i32 to index
        %swap3A_121 = arith.constant 0 : index
        %swap3A_122 = tpu.vector_load %arg4[%swap3A, %swap3A_121] {strides = array<i32>} : memref<224x224xf32, #tpu.memory_space<vmem>>, vector<1x16xf32>,
        %swap3A_123 = vector.shape_cast %swap3A_122 : vector<1x16xf32> to vector<16xf32>
        %swap3A_124 = vector.shape_cast %select_n3A_118 : vector<16xf32> to vector<1x16xf32>
        tpu.vector_store %arg4[%swap3A, %swap3A_121], %swap3A_124 {strides = array<i32>} : memref<224x224xf32, #tpu.memory_space<vmem>>, vector<1x16xf32>,
        %select_n3A_125 = arith.select %gt3A_115, %get3A_82, %broadcast_in_dim3A_117 : vector<16xi1>, vector<16xf32>
        %mul3A_126 = arith.constant 4 : i32
        %mul3A_127 = arith.muli %mul3A_126, %scan3A_69 : i32
        %add3A_128 = arith.constant 1 : i32
        %add3A_129 = arith.addi %mul3A_127, %add3A_128 : i32
        %swap3A_130 = arith.index_cast %add3A_129 : i32 to index
        %swap3A_131 = arith.constant 0 : index
        %swap3A_132 = tpu.vector_load %arg4[%swap3A_130, %swap3A_131] {strides = array<i32>} : memref<224x224xf32, #tpu.memory_space<vmem>>, vector<1x16xf32>,
        %swap3A_133 = vector.shape_cast %swap3A_132 : vector<1x16xf32> to vector<16xf32>
        %swap3A_134 = vector.shape_cast %select_n3A_125 : vector<16xf32> to vector<1x16xf32>
        tpu.vector_store %arg4[%swap3A_130, %swap3A_131], %swap3A_134 {strides = array<i32>} : memref<224x224xf32, #tpu.memory_space<vmem>>, vector<1x16xf32>,
        %select_n3A_135 = arith.select %gt3A_115, %get3A_90, %broadcast_in_dim3A_117 : vector<16xi1>, vector<16xf32>
        %mul3A_136 = arith.constant 4 : i32
        %mul3A_137 = arith.muli %mul3A_136, %scan3A_69 : i32
        %add3A_138 = arith.constant 2 : i32
        %add3A_139 = arith.addi %mul3A_137, %add3A_138 : i32
        %swap3A_140 = arith.index_cast %add3A_139 : i32 to index
        %swap3A_141 = arith.constant 0 : index
        %swap3A_142 = tpu.vector_load %arg4[%swap3A_140, %swap3A_141] {strides = array<i32>} : memref<224x224xf32, #tpu.memory_space<vmem>>, vector<1x16xf32>,
        %swap3A_143 = vector.shape_cast %swap3A_142 : vector<1x16xf32> to vector<16xf32>
        %swap3A_144 = vector.shape_cast %select_n3A_135 : vector<16xf32> to vector<1x16xf32>
        tpu.vector_store %arg4[%swap3A_140, %swap3A_141], %swap3A_144 {strides = array<i32>} : memref<224x224xf32, #tpu.memory_space<vmem>>, vector<1x16xf32>,
        %select_n3A_145 = arith.select %gt3A_115, %get3A_98, %broadcast_in_dim3A_117 : vector<16xi1>, vector<16xf32>
        %mul3A_146 = arith.constant 4 : i32
        %mul3A_147 = arith.muli %mul3A_146, %scan3A_69 : i32
        %add3A_148 = arith.constant 3 : i32
        %add3A_149 = arith.addi %mul3A_147, %add3A_148 : i32
        %swap3A_150 = arith.index_cast %add3A_149 : i32 to index
        %swap3A_151 = arith.constant 0 : index
        %swap3A_152 = tpu.vector_load %arg4[%swap3A_150, %swap3A_151] {strides = array<i32>} : memref<224x224xf32, #tpu.memory_space<vmem>>, vector<1x16xf32>,
        %swap3A_153 = vector.shape_cast %swap3A_152 : vector<1x16xf32> to vector<16xf32>
        %swap3A_154 = vector.shape_cast %select_n3A_145 : vector<16xf32> to vector<1x16xf32>
        tpu.vector_store %arg4[%swap3A_150, %swap3A_151], %swap3A_154 {strides = array<i32>} : memref<224x224xf32, #tpu.memory_space<vmem>>, vector<1x16xf32>,
        %mul3A_155 = arith.constant 4 : i32
        %mul3A_156 = arith.muli %mul3A_155, %scan3A_69 : i32
        %get3A_157 = arith.index_cast %mul3A_156 : i32 to index
        %get3A_158 = arith.constant 16 : index
        %get3A_159 = tpu.vector_load %arg4[%get3A_157, %get3A_158] {strides = array<i32>} : memref<224x224xf32, #tpu.memory_space<vmem>>, vector<1x16xf32>,
        %get3A_160 = vector.shape_cast %get3A_159 : vector<1x16xf32> to vector<16xf32>
        %mul3A_161 = arith.constant 4 : i32
        %mul3A_162 = arith.muli %mul3A_161, %scan3A_69 : i32
        %add3A_163 = arith.constant 1 : i32
        %add3A_164 = arith.addi %mul3A_162, %add3A_163 : i32
        %get3A_165 = arith.index_cast %add3A_164 : i32 to index
        %get3A_166 = arith.constant 16 : index
        %get3A_167 = tpu.vector_load %arg4[%get3A_165, %get3A_166] {strides = array<i32>} : memref<224x224xf32, #tpu.memory_space<vmem>>, vector<1x16xf32>,
        %get3A_168 = vector.shape_cast %get3A_167 : vector<1x16xf32> to vector<16xf32>
        %mul3A_169 = arith.constant 4 : i32
        %mul3A_170 = arith.muli %mul3A_169, %scan3A_69 : i32
        %add3A_171 = arith.constant 2 : i32
        %add3A_172 = arith.addi %mul3A_170, %add3A_171 : i32
        %get3A_173 = arith.index_cast %add3A_172 : i32 to index
        %get3A_174 = arith.constant 16 : index
        %get3A_175 = tpu.vector_load %arg4[%get3A_173, %get3A_174] {strides = array<i32>} : memref<224x224xf32, #tpu.memory_space<vmem>>, vector<1x16xf32>,
        %get3A_176 = vector.shape_cast %get3A_175 : vector<1x16xf32> to vector<16xf32>
        %mul3A_177 = arith.constant 4 : i32
        %mul3A_178 = arith.muli %mul3A_177, %scan3A_69 : i32
        %add3A_179 = arith.constant 3 : i32
        %add3A_180 = arith.addi %mul3A_178, %add3A_179 : i32
        %get3A_181 = arith.index_cast %add3A_180 : i32 to index
        %get3A_182 = arith.constant 16 : index
        %get3A_183 = tpu.vector_load %arg4[%get3A_181, %get3A_182] {strides = array<i32>} : memref<224x224xf32, #tpu.memory_space<vmem>>, vector<1x16xf32>,
        %get3A_184 = vector.shape_cast %get3A_183 : vector<1x16xf32> to vector<16xf32>
        %add3A_185 = arith.addf %get3A_160, %get3A_168 : vector<16xf32>
        %add3A_186 = arith.addf %get3A_176, %get3A_184 : vector<16xf32>
        %add3A_187 = arith.addf %add3A_185, %add3A_186 : vector<16xf32>
        %iota3A_188 = tpu.iota {dimensions = array<i32: 0>} : vector<16xi32>
        %xor3A_189 = arith.constant 1 : i32
        %xor3A_190 = vector.broadcast %xor3A_189 : i32 to vector<16xi32>
        %xor3A_191 = arith.xori %iota3A_188, %xor3A_190 : vector<16xi32>
        %broadcast_in_dim3A_192 = vector.shape_cast %xor3A_191 : vector<16xi32> to vector<16x1xi32>
        %gather3A_193 = vector.shape_cast %broadcast_in_dim3A_192 : vector<16x1xi32> to vector<16xi32>
        %gather3A_194 = tpu.dynamic_gather %add3A_187[%gather3A_193] in [0] : vector<16xf32>, vector<16xi32> -> vector<16xf32>
        %add3A_195 = arith.addf %add3A_187, %gather3A_194 : vector<16xf32>
        %iota3A_196 = tpu.iota {dimensions = array<i32: 0>} : vector<16xi32>
        %xor3A_197 = arith.constant 2 : i32
        %xor3A_198 = vector.broadcast %xor3A_197 : i32 to vector<16xi32>
        %xor3A_199 = arith.xori %iota3A_196, %xor3A_198 : vector<16xi32>
        %broadcast_in_dim3A_200 = vector.shape_cast %xor3A_199 : vector<16xi32> to vector<16x1xi32>
        %gather3A_201 = vector.shape_cast %broadcast_in_dim3A_200 : vector<16x1xi32> to vector<16xi32>
        %gather3A_202 = tpu.dynamic_gather %add3A_195[%gather3A_201] in [0] : vector<16xf32>, vector<16xi32> -> vector<16xf32>
        %add3A_203 = arith.addf %add3A_195, %gather3A_202 : vector<16xf32>
        %gt3A_204 = arith.constant 0.000000e+00 : f32
        %gt3A_205 = vector.broadcast %gt3A_204 : f32 to vector<16xf32>
        %gt3A_206 = arith.cmpf ogt, %add3A_203, %gt3A_205 : vector<16xf32>
        %broadcast_in_dim3A_207 = arith.constant 0.000000e+00 : f32
        %broadcast_in_dim3A_208 = vector.broadcast %broadcast_in_dim3A_207 : f32 to vector<16xf32>
        %select_n3A_209 = arith.select %gt3A_206, %get3A_160, %broadcast_in_dim3A_208 : vector<16xi1>, vector<16xf32>
        %mul3A_210 = arith.constant 4 : i32
        %mul3A_211 = arith.muli %mul3A_210, %scan3A_69 : i32
        %swap3A_212 = arith.index_cast %mul3A_211 : i32 to index
        %swap3A_213 = arith.constant 16 : index
        %swap3A_214 = tpu.vector_load %arg4[%swap3A_212, %swap3A_213] {strides = array<i32>} : memref<224x224xf32, #tpu.memory_space<vmem>>, vector<1x16xf32>,
        %swap3A_215 = vector.shape_cast %swap3A_214 : vector<1x16xf32> to vector<16xf32>
        %swap3A_216 = vector.shape_cast %select_n3A_209 : vector<16xf32> to vector<1x16xf32>
        tpu.vector_store %arg4[%swap3A_212, %swap3A_213], %swap3A_216 {strides = array<i32>} : memref<224x224xf32, #tpu.memory_space<vmem>>, vector<1x16xf32>,
        %select_n3A_217 = arith.select %gt3A_206, %get3A_168, %broadcast_in_dim3A_208 : vector<16xi1>, vector<16xf32>
        %mul3A_218 = arith.constant 4 : i32
        %mul3A_219 = arith.muli %mul3A_218, %scan3A_69 : i32
        %add3A_220 = arith.constant 1 : i32
        %add3A_221 = arith.addi %mul3A_219, %add3A_220 : i32
        %swap3A_222 = arith.index_cast %add3A_221 : i32 to index
        %swap3A_223 = arith.constant 16 : index
        %swap3A_224 = tpu.vector_load %arg4[%swap3A_222, %swap3A_223] {strides = array<i32>} : memref<224x224xf32, #tpu.memory_space<vmem>>, vector<1x16xf32>,
        %swap3A_225 = vector.shape_cast %swap3A_224 : vector<1x16xf32> to vector<16xf32>
        %swap3A_226 = vector.shape_cast %select_n3A_217 : vector<16xf32> to vector<1x16xf32>
        tpu.vector_store %arg4[%swap3A_222, %swap3A_223], %swap3A_226 {strides = array<i32>} : memref<224x224xf32, #tpu.memory_space<vmem>>, vector<1x16xf32>,
        %select_n3A_227 = arith.select %gt3A_206, %get3A_176, %broadcast_in_dim3A_208 : vector<16xi1>, vector<16xf32>
        %mul3A_228 = arith.constant 4 : i32
        %mul3A_229 = arith.muli %mul3A_228, %scan3A_69 : i32
        %add3A_230 = arith.constant 2 : i32
        %add3A_231 = arith.addi %mul3A_229, %add3A_230 : i32
        %swap3A_232 = arith.index_cast %add3A_231 : i32 to index
        %swap3A_233 = arith.constant 16 : index
        %swap3A_234 = tpu.vector_load %arg4[%swap3A_232, %swap3A_233] {strides = array<i32>} : memref<224x224xf32, #tpu.memory_space<vmem>>, vector<1x16xf32>,
        %swap3A_235 = vector.shape_cast %swap3A_234 : vector<1x16xf32> to vector<16xf32>
        %swap3A_236 = vector.shape_cast %select_n3A_227 : vector<16xf32> to vector<1x16xf32>
        tpu.vector_store %arg4[%swap3A_232, %swap3A_233], %swap3A_236 {strides = array<i32>} : memref<224x224xf32, #tpu.memory_space<vmem>>, vector<1x16xf32>,
        %select_n3A_237 = arith.select %gt3A_206, %get3A_184, %broadcast_in_dim3A_208 : vector<16xi1>, vector<16xf32>
        %mul3A_238 = arith.constant 4 : i32
        %mul3A_239 = arith.muli %mul3A_238, %scan3A_69 : i32
        %add3A_240 = arith.constant 3 : i32
        %add3A_241 = arith.addi %mul3A_239, %add3A_240 : i32
        %swap3A_242 = arith.index_cast %add3A_241 : i32 to index
        %swap3A_243 = arith.constant 16 : index
        %swap3A_244 = tpu.vector_load %arg4[%swap3A_242, %swap3A_243] {strides = array<i32>} : memref<224x224xf32, #tpu.memory_space<vmem>>, vector<1x16xf32>,
        %swap3A_245 = vector.shape_cast %swap3A_244 : vector<1x16xf32> to vector<16xf32>
        %swap3A_246 = vector.shape_cast %select_n3A_237 : vector<16xf32> to vector<1x16xf32>
        tpu.vector_store %arg4[%swap3A_242, %swap3A_243], %swap3A_246 {strides = array<i32>} : memref<224x224xf32, #tpu.memory_space<vmem>>, vector<1x16xf32>,
        %mul3A_247 = arith.constant 4 : i32
        %mul3A_248 = arith.muli %mul3A_247, %scan3A_69 : i32
        %get3A_249 = arith.index_cast %mul3A_248 : i32 to index
        %get3A_250 = arith.constant 32 : index
        %get3A_251 = tpu.vector_load %arg4[%get3A_249, %get3A_250] {strides = array<i32>} : memref<224x224xf32, #tpu.memory_space<vmem>>, vector<1x16xf32>,
        %get3A_252 = vector.shape_cast %get3A_251 : vector<1x16xf32> to vector<16xf32>
        %mul3A_253 = arith.constant 4 : i32
        %mul3A_254 = arith.muli %mul3A_253, %scan3A_69 : i32
        %add3A_255 = arith.constant 1 : i32
        %add3A_256 = arith.addi %mul3A_254, %add3A_255 : i32
        %get3A_257 = arith.index_cast %add3A_256 : i32 to index
        %get3A_258 = arith.constant 32 : index
        %get3A_259 = tpu.vector_load %arg4[%get3A_257, %get3A_258] {strides = array<i32>} : memref<224x224xf32, #tpu.memory_space<vmem>>, vector<1x16xf32>,
        %get3A_260 = vector.shape_cast %get3A_259 : vector<1x16xf32> to vector<16xf32>
        %mul3A_261 = arith.constant 4 : i32
        %mul3A_262 = arith.muli %mul3A_261, %scan3A_69 : i32
        %add3A_263 = arith.constant 2 : i32
        %add3A_264 = arith.addi %mul3A_262, %add3A_263 : i32
        %get3A_265 = arith.index_cast %add3A_264 : i32 to index
        %get3A_266 = arith.constant 32 : index
        %get3A_267 = tpu.vector_load %arg4[%get3A_265, %get3A_266] {strides = array<i32>} : memref<224x224xf32, #tpu.memory_space<vmem>>, vector<1x16xf32>,
        %get3A_268 = vector.shape_cast %get3A_267 : vector<1x16xf32> to vector<16xf32>
        %mul3A_269 = arith.constant 4 : i32
        %mul3A_270 = arith.muli %mul3A_269, %scan3A_69 : i32
        %add3A_271 = arith.constant 3 : i32
        %add3A_272 = arith.addi %mul3A_270, %add3A_271 : i32
        %get3A_273 = arith.index_cast %add3A_272 : i32 to index
        %get3A_274 = arith.constant 32 : index
        %get3A_275 = tpu.vector_load %arg4[%get3A_273, %get3A_274] {strides = array<i32>} : memref<224x224xf32, #tpu.memory_space<vmem>>, vector<1x16xf32>,
        %get3A_276 = vector.shape_cast %get3A_275 : vector<1x16xf32> to vector<16xf32>
        %add3A_277 = arith.addf %get3A_252, %get3A_260 : vector<16xf32>
        %add3A_278 = arith.addf %get3A_268, %get3A_276 : vector<16xf32>
        %add3A_279 = arith.addf %add3A_277, %add3A_278 : vector<16xf32>
        %iota3A_280 = tpu.iota {dimensions = array<i32: 0>} : vector<16xi32>
        %xor3A_281 = arith.constant 1 : i32
        %xor3A_282 = vector.broadcast %xor3A_281 : i32 to vector<16xi32>
        %xor3A_283 = arith.xori %iota3A_280, %xor3A_282 : vector<16xi32>
        %broadcast_in_dim3A_284 = vector.shape_cast %xor3A_283 : vector<16xi32> to vector<16x1xi32>
        %gather3A_285 = vector.shape_cast %broadcast_in_dim3A_284 : vector<16x1xi32> to vector<16xi32>
        %gather3A_286 = tpu.dynamic_gather %add3A_279[%gather3A_285] in [0] : vector<16xf32>, vector<16xi32> -> vector<16xf32>
        %add3A_287 = arith.addf %add3A_279, %gather3A_286 : vector<16xf32>
        %iota3A_288 = tpu.iota {dimensions = array<i32: 0>} : vector<16xi32>
        %xor3A_289 = arith.constant 2 : i32
        %xor3A_290 = vector.broadcast %xor3A_289 : i32 to vector<16xi32>
        %xor3A_291 = arith.xori %iota3A_288, %xor3A_290 : vector<16xi32>
        %broadcast_in_dim3A_292 = vector.shape_cast %xor3A_291 : vector<16xi32> to vector<16x1xi32>
        %gather3A_293 = vector.shape_cast %broadcast_in_dim3A_292 : vector<16x1xi32> to vector<16xi32>
        %gather3A_294 = tpu.dynamic_gather %add3A_287[%gather3A_293] in [0] : vector<16xf32>, vector<16xi32> -> vector<16xf32>
        %add3A_295 = arith.addf %add3A_287, %gather3A_294 : vector<16xf32>
        %gt3A_296 = arith.constant 0.000000e+00 : f32
        %gt3A_297 = vector.broadcast %gt3A_296 : f32 to vector<16xf32>
        %gt3A_298 = arith.cmpf ogt, %add3A_295, %gt3A_297 : vector<16xf32>
        %broadcast_in_dim3A_299 = arith.constant 0.000000e+00 : f32
        %broadcast_in_dim3A_300 = vector.broadcast %broadcast_in_dim3A_299 : f32 to vector<16xf32>
        %select_n3A_301 = arith.select %gt3A_298, %get3A_252, %broadcast_in_dim3A_300 : vector<16xi1>, vector<16xf32>
        %mul3A_302 = arith.constant 4 : i32
        %mul3A_303 = arith.muli %mul3A_302, %scan3A_69 : i32
        %swap3A_304 = arith.index_cast %mul3A_303 : i32 to index
        %swap3A_305 = arith.constant 32 : index
        %swap3A_306 = tpu.vector_load %arg4[%swap3A_304, %swap3A_305] {strides = array<i32>} : memref<224x224xf32, #tpu.memory_space<vmem>>, vector<1x16xf32>,
        %swap3A_307 = vector.shape_cast %swap3A_306 : vector<1x16xf32> to vector<16xf32>
        %swap3A_308 = vector.shape_cast %select_n3A_301 : vector<16xf32> to vector<1x16xf32>
        tpu.vector_store %arg4[%swap3A_304, %swap3A_305], %swap3A_308 {strides = array<i32>} : memref<224x224xf32, #tpu.memory_space<vmem>>, vector<1x16xf32>,
        %select_n3A_309 = arith.select %gt3A_298, %get3A_260, %broadcast_in_dim3A_300 : vector<16xi1>, vector<16xf32>
        %mul3A_310 = arith.constant 4 : i32
        %mul3A_311 = arith.muli %mul3A_310, %scan3A_69 : i32
        %add3A_312 = arith.constant 1 : i32
        %add3A_313 = arith.addi %mul3A_311, %add3A_312 : i32
        %swap3A_314 = arith.index_cast %add3A_313 : i32 to index
        %swap3A_315 = arith.constant 32 : index
        %swap3A_316 = tpu.vector_load %arg4[%swap3A_314, %swap3A_315] {strides = array<i32>} : memref<224x224xf32, #tpu.memory_space<vmem>>, vector<1x16xf32>,
        %swap3A_317 = vector.shape_cast %swap3A_316 : vector<1x16xf32> to vector<16xf32>
        %swap3A_318 = vector.shape_cast %select_n3A_309 : vector<16xf32> to vector<1x16xf32>
        tpu.vector_store %arg4[%swap3A_314, %swap3A_315], %swap3A_318 {strides = array<i32>} : memref<224x224xf32, #tpu.memory_space<vmem>>, vector<1x16xf32>,
        %select_n3A_319 = arith.select %gt3A_298, %get3A_268, %broadcast_in_dim3A_300 : vector<16xi1>, vector<16xf32>
        %mul3A_320 = arith.constant 4 : i32
        %mul3A_321 = arith.muli %mul3A_320, %scan3A_69 : i32
        %add3A_322 = arith.constant 2 : i32
        %add3A_323 = arith.addi %mul3A_321, %add3A_322 : i32
        %swap3A_324 = arith.index_cast %add3A_323 : i32 to index
        %swap3A_325 = arith.constant 32 : index
        %swap3A_326 = tpu.vector_load %arg4[%swap3A_324, %swap3A_325] {strides = array<i32>} : memref<224x224xf32, #tpu.memory_space<vmem>>, vector<1x16xf32>,
        %swap3A_327 = vector.shape_cast %swap3A_326 : vector<1x16xf32> to vector<16xf32>
        %swap3A_328 = vector.shape_cast %select_n3A_319 : vector<16xf32> to vector<1x16xf32>
        tpu.vector_store %arg4[%swap3A_324, %swap3A_325], %swap3A_328 {strides = array<i32>} : memref<224x224xf32, #tpu.memory_space<vmem>>, vector<1x16xf32>,
        %select_n3A_329 = arith.select %gt3A_298, %get3A_276, %broadcast_in_dim3A_300 : vector<16xi1>, vector<16xf32>
        %mul3A_330 = arith.constant 4 : i32
        %mul3A_331 = arith.muli %mul3A_330, %scan3A_69 : i32
        %add3A_332 = arith.constant 3 : i32
        %add3A_333 = arith.addi %mul3A_331, %add3A_332 : i32
        %swap3A_334 = arith.index_cast %add3A_333 : i32 to index
        %swap3A_335 = arith.constant 32 : index
        %swap3A_336 = tpu.vector_load %arg4[%swap3A_334, %swap3A_335] {strides = array<i32>} : memref<224x224xf32, #tpu.memory_space<vmem>>, vector<1x16xf32>,
        %swap3A_337 = vector.shape_cast %swap3A_336 : vector<1x16xf32> to vector<16xf32>
        %swap3A_338 = vector.shape_cast %select_n3A_329 : vector<16xf32> to vector<1x16xf32>
        tpu.vector_store %arg4[%swap3A_334, %swap3A_335], %swap3A_338 {strides = array<i32>} : memref<224x224xf32, #tpu.memory_space<vmem>>, vector<1x16xf32>,
        %mul3A_339 = arith.constant 4 : i32
        %mul3A_340 = arith.muli %mul3A_339, %scan3A_69 : i32
        %get3A_341 = arith.index_cast %mul3A_340 : i32 to index
        %get3A_342 = arith.constant 48 : index
        %get3A_343 = tpu.vector_load %arg4[%get3A_341, %get3A_342] {strides = array<i32>} : memref<224x224xf32, #tpu.memory_space<vmem>>, vector<1x16xf32>,
        %get3A_344 = vector.shape_cast %get3A_343 : vector<1x16xf32> to vector<16xf32>
        %mul3A_345 = arith.constant 4 : i32
        %mul3A_346 = arith.muli %mul3A_345, %scan3A_69 : i32
        %add3A_347 = arith.constant 1 : i32
        %add3A_348 = arith.addi %mul3A_346, %add3A_347 : i32
        %get3A_349 = arith.index_cast %add3A_348 : i32 to index
        %get3A_350 = arith.constant 48 : index
        %get3A_351 = tpu.vector_load %arg4[%get3A_349, %get3A_350] {strides = array<i32>} : memref<224x224xf32, #tpu.memory_space<vmem>>, vector<1x16xf32>,
        %get3A_352 = vector.shape_cast %get3A_351 : vector<1x16xf32> to vector<16xf32>
        %mul3A_353 = arith.constant 4 : i32
        %mul3A_354 = arith.muli %mul3A_353, %scan3A_69 : i32
        %add3A_355 = arith.constant 2 : i32
        %add3A_356 = arith.addi %mul3A_354, %add3A_355 : i32
        %get3A_357 = arith.index_cast %add3A_356 : i32 to index
        %get3A_358 = arith.constant 48 : index
        %get3A_359 = tpu.vector_load %arg4[%get3A_357, %get3A_358] {strides = array<i32>} : memref<224x224xf32, #tpu.memory_space<vmem>>, vector<1x16xf32>,
        %get3A_360 = vector.shape_cast %get3A_359 : vector<1x16xf32> to vector<16xf32>
        %mul3A_361 = arith.constant 4 : i32
        %mul3A_362 = arith.muli %mul3A_361, %scan3A_69 : i32
        %add3A_363 = arith.constant 3 : i32
        %add3A_364 = arith.addi %mul3A_362, %add3A_363 : i32
        %get3A_365 = arith.index_cast %add3A_364 : i32 to index
        %get3A_366 = arith.constant 48 : index
        %get3A_367 = tpu.vector_load %arg4[%get3A_365, %get3A_366] {strides = array<i32>} : memref<224x224xf32, #tpu.memory_space<vmem>>, vector<1x16xf32>,
        %get3A_368 = vector.shape_cast %get3A_367 : vector<1x16xf32> to vector<16xf32>
        %add3A_369 = arith.addf %get3A_344, %get3A_352 : vector<16xf32>
        %add3A_370 = arith.addf %get3A_360, %get3A_368 : vector<16xf32>
        %add3A_371 = arith.addf %add3A_369, %add3A_370 : vector<16xf32>
        %iota3A_372 = tpu.iota {dimensions = array<i32: 0>} : vector<16xi32>
        %xor3A_373 = arith.constant 1 : i32
        %xor3A_374 = vector.broadcast %xor3A_373 : i32 to vector<16xi32>
        %xor3A_375 = arith.xori %iota3A_372, %xor3A_374 : vector<16xi32>
        %broadcast_in_dim3A_376 = vector.shape_cast %xor3A_375 : vector<16xi32> to vector<16x1xi32>
        %gather3A_377 = vector.shape_cast %broadcast_in_dim3A_376 : vector<16x1xi32> to vector<16xi32>
        %gather3A_378 = tpu.dynamic_gather %add3A_371[%gather3A_377] in [0] : vector<16xf32>, vector<16xi32> -> vector<16xf32>
        %add3A_379 = arith.addf %add3A_371, %gather3A_378 : vector<16xf32>
        %iota3A_380 = tpu.iota {dimensions = array<i32: 0>} : vector<16xi32>
        %xor3A_381 = arith.constant 2 : i32
        %xor3A_382 = vector.broadcast %xor3A_381 : i32 to vector<16xi32>
        %xor3A_383 = arith.xori %iota3A_380, %xor3A_382 : vector<16xi32>
        %broadcast_in_dim3A_384 = vector.shape_cast %xor3A_383 : vector<16xi32> to vector<16x1xi32>
        %gather3A_385 = vector.shape_cast %broadcast_in_dim3A_384 : vector<16x1xi32> to vector<16xi32>
        %gather3A_386 = tpu.dynamic_gather %add3A_379[%gather3A_385] in [0] : vector<16xf32>, vector<16xi32> -> vector<16xf32>
        %add3A_387 = arith.addf %add3A_379, %gather3A_386 : vector<16xf32>
        %gt3A_388 = arith.constant 0.000000e+00 : f32
        %gt3A_389 = vector.broadcast %gt3A_388 : f32 to vector<16xf32>
        %gt3A_390 = arith.cmpf ogt, %add3A_387, %gt3A_389 : vector<16xf32>
        %broadcast_in_dim3A_391 = arith.constant 0.000000e+00 : f32
        %broadcast_in_dim3A_392 = vector.broadcast %broadcast_in_dim3A_391 : f32 to vector<16xf32>
        %select_n3A_393 = arith.select %gt3A_390, %get3A_344, %broadcast_in_dim3A_392 : vector<16xi1>, vector<16xf32>
        %mul3A_394 = arith.constant 4 : i32
        %mul3A_395 = arith.muli %mul3A_394, %scan3A_69 : i32
        %swap3A_396 = arith.index_cast %mul3A_395 : i32 to index
        %swap3A_397 = arith.constant 48 : index
        %swap3A_398 = tpu.vector_load %arg4[%swap3A_396, %swap3A_397] {strides = array<i32>} : memref<224x224xf32, #tpu.memory_space<vmem>>, vector<1x16xf32>,
        %swap3A_399 = vector.shape_cast %swap3A_398 : vector<1x16xf32> to vector<16xf32>
        %swap3A_400 = vector.shape_cast %select_n3A_393 : vector<16xf32> to vector<1x16xf32>
        tpu.vector_store %arg4[%swap3A_396, %swap3A_397], %swap3A_400 {strides = array<i32>} : memref<224x224xf32, #tpu.memory_space<vmem>>, vector<1x16xf32>,
        %select_n3A_401 = arith.select %gt3A_390, %get3A_352, %broadcast_in_dim3A_392 : vector<16xi1>, vector<16xf32>
        %mul3A_402 = arith.constant 4 : i32
        %mul3A_403 = arith.muli %mul3A_402, %scan3A_69 : i32
        %add3A_404 = arith.constant 1 : i32
        %add3A_405 = arith.addi %mul3A_403, %add3A_404 : i32
        %swap3A_406 = arith.index_cast %add3A_405 : i32 to index
        %swap3A_407 = arith.constant 48 : index
        %swap3A_408 = tpu.vector_load %arg4[%swap3A_406, %swap3A_407] {strides = array<i32>} : memref<224x224xf32, #tpu.memory_space<vmem>>, vector<1x16xf32>,
        %swap3A_409 = vector.shape_cast %swap3A_408 : vector<1x16xf32> to vector<16xf32>
        %swap3A_410 = vector.shape_cast %select_n3A_401 : vector<16xf32> to vector<1x16xf32>
        tpu.vector_store %arg4[%swap3A_406, %swap3A_407], %swap3A_410 {strides = array<i32>} : memref<224x224xf32, #tpu.memory_space<vmem>>, vector<1x16xf32>,
        %select_n3A_411 = arith.select %gt3A_390, %get3A_360, %broadcast_in_dim3A_392 : vector<16xi1>, vector<16xf32>
        %mul3A_412 = arith.constant 4 : i32
        %mul3A_413 = arith.muli %mul3A_412, %scan3A_69 : i32
        %add3A_414 = arith.constant 2 : i32
        %add3A_415 = arith.addi %mul3A_413, %add3A_414 : i32
        %swap3A_416 = arith.index_cast %add3A_415 : i32 to index
        %swap3A_417 = arith.constant 48 : index
        %swap3A_418 = tpu.vector_load %arg4[%swap3A_416, %swap3A_417] {strides = array<i32>} : memref<224x224xf32, #tpu.memory_space<vmem>>, vector<1x16xf32>,
        %swap3A_419 = vector.shape_cast %swap3A_418 : vector<1x16xf32> to vector<16xf32>
        %swap3A_420 = vector.shape_cast %select_n3A_411 : vector<16xf32> to vector<1x16xf32>
        tpu.vector_store %arg4[%swap3A_416, %swap3A_417], %swap3A_420 {strides = array<i32>} : memref<224x224xf32, #tpu.memory_space<vmem>>, vector<1x16xf32>,
        %select_n3A_421 = arith.select %gt3A_390, %get3A_368, %broadcast_in_dim3A_392 : vector<16xi1>, vector<16xf32>
        %mul3A_422 = arith.constant 4 : i32
        %mul3A_423 = arith.muli %mul3A_422, %scan3A_69 : i32
        %add3A_424 = arith.constant 3 : i32
        %add3A_425 = arith.addi %mul3A_423, %add3A_424 : i32
        %swap3A_426 = arith.index_cast %add3A_425 : i32 to index
        %swap3A_427 = arith.constant 48 : index
        %swap3A_428 = tpu.vector_load %arg4[%swap3A_426, %swap3A_427] {strides = array<i32>} : memref<224x224xf32, #tpu.memory_space<vmem>>, vector<1x16xf32>,
        %swap3A_429 = vector.shape_cast %swap3A_428 : vector<1x16xf32> to vector<16xf32>
        %swap3A_430 = vector.shape_cast %select_n3A_421 : vector<16xf32> to vector<1x16xf32>
        tpu.vector_store %arg4[%swap3A_426, %swap3A_427], %swap3A_430 {strides = array<i32>} : memref<224x224xf32, #tpu.memory_space<vmem>>, vector<1x16xf32>,
        %mul3A_431 = arith.constant 4 : i32
        %mul3A_432 = arith.muli %mul3A_431, %scan3A_69 : i32
        %get3A_433 = arith.index_cast %mul3A_432 : i32 to index
        %get3A_434 = arith.constant 64 : index
        %get3A_435 = tpu.vector_load %arg4[%get3A_433, %get3A_434] {strides = array<i32>} : memref<224x224xf32, #tpu.memory_space<vmem>>, vector<1x16xf32>,
        %get3A_436 = vector.shape_cast %get3A_435 : vector<1x16xf32> to vector<16xf32>
        %mul3A_437 = arith.constant 4 : i32
        %mul3A_438 = arith.muli %mul3A_437, %scan3A_69 : i32
        %add3A_439 = arith.constant 1 : i32
        %add3A_440 = arith.addi %mul3A_438, %add3A_439 : i32
        %get3A_441 = arith.index_cast %add3A_440 : i32 to index
        %get3A_442 = arith.constant 64 : index
        %get3A_443 = tpu.vector_load %arg4[%get3A_441, %get3A_442] {strides = array<i32>} : memref<224x224xf32, #tpu.memory_space<vmem>>, vector<1x16xf32>,
        %get3A_444 = vector.shape_cast %get3A_443 : vector<1x16xf32> to vector<16xf32>
        %mul3A_445 = arith.constant 4 : i32
        %mul3A_446 = arith.muli %mul3A_445, %scan3A_69 : i32
        %add3A_447 = arith.constant 2 : i32
        %add3A_448 = arith.addi %mul3A_446, %add3A_447 : i32
        %get3A_449 = arith.index_cast %add3A_448 : i32 to index
        %get3A_450 = arith.constant 64 : index
        %get3A_451 = tpu.vector_load %arg4[%get3A_449, %get3A_450] {strides = array<i32>} : memref<224x224xf32, #tpu.memory_space<vmem>>, vector<1x16xf32>,
        %get3A_452 = vector.shape_cast %get3A_451 : vector<1x16xf32> to vector<16xf32>
        %mul3A_453 = arith.constant 4 : i32
        %mul3A_454 = arith.muli %mul3A_453, %scan3A_69 : i32
        %add3A_455 = arith.constant 3 : i32
        %add3A_456 = arith.addi %mul3A_454, %add3A_455 : i32
        %get3A_457 = arith.index_cast %add3A_456 : i32 to index
        %get3A_458 = arith.constant 64 : index
        %get3A_459 = tpu.vector_load %arg4[%get3A_457, %get3A_458] {strides = array<i32>} : memref<224x224xf32, #tpu.memory_space<vmem>>, vector<1x16xf32>,
        %get3A_460 = vector.shape_cast %get3A_459 : vector<1x16xf32> to vector<16xf32>
        %add3A_461 = arith.addf %get3A_436, %get3A_444 : vector<16xf32>
        %add3A_462 = arith.addf %get3A_452, %get3A_460 : vector<16xf32>
        %add3A_463 = arith.addf %add3A_461, %add3A_462 : vector<16xf32>
        %iota3A_464 = tpu.iota {dimensions = array<i32: 0>} : vector<16xi32>
        %xor3A_465 = arith.constant 1 : i32
        %xor3A_466 = vector.broadcast %xor3A_465 : i32 to vector<16xi32>
        %xor3A_467 = arith.xori %iota3A_464, %xor3A_466 : vector<16xi32>
        %broadcast_in_dim3A_468 = vector.shape_cast %xor3A_467 : vector<16xi32> to vector<16x1xi32>
        %gather3A_469 = vector.shape_cast %broadcast_in_dim3A_468 : vector<16x1xi32> to vector<16xi32>
        %gather3A_470 = tpu.dynamic_gather %add3A_463[%gather3A_469] in [0] : vector<16xf32>, vector<16xi32> -> vector<16xf32>
        %add3A_471 = arith.addf %add3A_463, %gather3A_470 : vector<16xf32>
        %iota3A_472 = tpu.iota {dimensions = array<i32: 0>} : vector<16xi32>
        %xor3A_473 = arith.constant 2 : i32
        %xor3A_474 = vector.broadcast %xor3A_473 : i32 to vector<16xi32>
        %xor3A_475 = arith.xori %iota3A_472, %xor3A_474 : vector<16xi32>
        %broadcast_in_dim3A_476 = vector.shape_cast %xor3A_475 : vector<16xi32> to vector<16x1xi32>
        %gather3A_477 = vector.shape_cast %broadcast_in_dim3A_476 : vector<16x1xi32> to vector<16xi32>
        %gather3A_478 = tpu.dynamic_gather %add3A_471[%gather3A_477] in [0] : vector<16xf32>, vector<16xi32> -> vector<16xf32>
        %add3A_479 = arith.addf %add3A_471, %gather3A_478 : vector<16xf32>
        %gt3A_480 = arith.constant 0.000000e+00 : f32
        %gt3A_481 = vector.broadcast %gt3A_480 : f32 to vector<16xf32>
        %gt3A_482 = arith.cmpf ogt, %add3A_479, %gt3A_481 : vector<16xf32>
        %broadcast_in_dim3A_483 = arith.constant 0.000000e+00 : f32
        %broadcast_in_dim3A_484 = vector.broadcast %broadcast_in_dim3A_483 : f32 to vector<16xf32>
        %select_n3A_485 = arith.select %gt3A_482, %get3A_436, %broadcast_in_dim3A_484 : vector<16xi1>, vector<16xf32>
        %mul3A_486 = arith.constant 4 : i32
        %mul3A_487 = arith.muli %mul3A_486, %scan3A_69 : i32
        %swap3A_488 = arith.index_cast %mul3A_487 : i32 to index
        %swap3A_489 = arith.constant 64 : index
        %swap3A_490 = tpu.vector_load %arg4[%swap3A_488, %swap3A_489] {strides = array<i32>} : memref<224x224xf32, #tpu.memory_space<vmem>>, vector<1x16xf32>,
        %swap3A_491 = vector.shape_cast %swap3A_490 : vector<1x16xf32> to vector<16xf32>
        %swap3A_492 = vector.shape_cast %select_n3A_485 : vector<16xf32> to vector<1x16xf32>
        tpu.vector_store %arg4[%swap3A_488, %swap3A_489], %swap3A_492 {strides = array<i32>} : memref<224x224xf32, #tpu.memory_space<vmem>>, vector<1x16xf32>,
        %select_n3A_493 = arith.select %gt3A_482, %get3A_444, %broadcast_in_dim3A_484 : vector<16xi1>, vector<16xf32>
        %mul3A_494 = arith.constant 4 : i32
        %mul3A_495 = arith.muli %mul3A_494, %scan3A_69 : i32
        %add3A_496 = arith.constant 1 : i32
        %add3A_497 = arith.addi %mul3A_495, %add3A_496 : i32
        %swap3A_498 = arith.index_cast %add3A_497 : i32 to index
        %swap3A_499 = arith.constant 64 : index
        %swap3A_500 = tpu.vector_load %arg4[%swap3A_498, %swap3A_499] {strides = array<i32>} : memref<224x224xf32, #tpu.memory_space<vmem>>, vector<1x16xf32>,
        %swap3A_501 = vector.shape_cast %swap3A_500 : vector<1x16xf32> to vector<16xf32>
        %swap3A_502 = vector.shape_cast %select_n3A_493 : vector<16xf32> to vector<1x16xf32>
        tpu.vector_store %arg4[%swap3A_498, %swap3A_499], %swap3A_502 {strides = array<i32>} : memref<224x224xf32, #tpu.memory_space<vmem>>, vector<1x16xf32>,
        %select_n3A_503 = arith.select %gt3A_482, %get3A_452, %broadcast_in_dim3A_484 : vector<16xi1>, vector<16xf32>
        %mul3A_504 = arith.constant 4 : i32
        %mul3A_505 = arith.muli %mul3A_504, %scan3A_69 : i32
        %add3A_506 = arith.constant 2 : i32
        %add3A_507 = arith.addi %mul3A_505, %add3A_506 : i32
        %swap3A_508 = arith.index_cast %add3A_507 : i32 to index
        %swap3A_509 = arith.constant 64 : index
        %swap3A_510 = tpu.vector_load %arg4[%swap3A_508, %swap3A_509] {strides = array<i32>} : memref<224x224xf32, #tpu.memory_space<vmem>>, vector<1x16xf32>,
        %swap3A_511 = vector.shape_cast %swap3A_510 : vector<1x16xf32> to vector<16xf32>
        %swap3A_512 = vector.shape_cast %select_n3A_503 : vector<16xf32> to vector<1x16xf32>
        tpu.vector_store %arg4[%swap3A_508, %swap3A_509], %swap3A_512 {strides = array<i32>} : memref<224x224xf32, #tpu.memory_space<vmem>>, vector<1x16xf32>,
        %select_n3A_513 = arith.select %gt3A_482, %get3A_460, %broadcast_in_dim3A_484 : vector<16xi1>, vector<16xf32>
        %mul3A_514 = arith.constant 4 : i32
        %mul3A_515 = arith.muli %mul3A_514, %scan3A_69 : i32
        %add3A_516 = arith.constant 3 : i32
        %add3A_517 = arith.addi %mul3A_515, %add3A_516 : i32
        %swap3A_518 = arith.index_cast %add3A_517 : i32 to index
        %swap3A_519 = arith.constant 64 : index
        %swap3A_520 = tpu.vector_load %arg4[%swap3A_518, %swap3A_519] {strides = array<i32>} : memref<224x224xf32, #tpu.memory_space<vmem>>, vector<1x16xf32>,
        %swap3A_521 = vector.shape_cast %swap3A_520 : vector<1x16xf32> to vector<16xf32>
        %swap3A_522 = vector.shape_cast %select_n3A_513 : vector<16xf32> to vector<1x16xf32>
        tpu.vector_store %arg4[%swap3A_518, %swap3A_519], %swap3A_522 {strides = array<i32>} : memref<224x224xf32, #tpu.memory_space<vmem>>, vector<1x16xf32>,
        %mul3A_523 = arith.constant 4 : i32
        %mul3A_524 = arith.muli %mul3A_523, %scan3A_69 : i32
        %get3A_525 = arith.index_cast %mul3A_524 : i32 to index
        %get3A_526 = arith.constant 80 : index
        %get3A_527 = tpu.vector_load %arg4[%get3A_525, %get3A_526] {strides = array<i32>} : memref<224x224xf32, #tpu.memory_space<vmem>>, vector<1x16xf32>,
        %get3A_528 = vector.shape_cast %get3A_527 : vector<1x16xf32> to vector<16xf32>
        %mul3A_529 = arith.constant 4 : i32
        %mul3A_530 = arith.muli %mul3A_529, %scan3A_69 : i32
        %add3A_531 = arith.constant 1 : i32
        %add3A_532 = arith.addi %mul3A_530, %add3A_531 : i32
        %get3A_533 = arith.index_cast %add3A_532 : i32 to index
        %get3A_534 = arith.constant 80 : index
        %get3A_535 = tpu.vector_load %arg4[%get3A_533, %get3A_534] {strides = array<i32>} : memref<224x224xf32, #tpu.memory_space<vmem>>, vector<1x16xf32>,
        %get3A_536 = vector.shape_cast %get3A_535 : vector<1x16xf32> to vector<16xf32>
        %mul3A_537 = arith.constant 4 : i32
        %mul3A_538 = arith.muli %mul3A_537, %scan3A_69 : i32
        %add3A_539 = arith.constant 2 : i32
        %add3A_540 = arith.addi %mul3A_538, %add3A_539 : i32
        %get3A_541 = arith.index_cast %add3A_540 : i32 to index
        %get3A_542 = arith.constant 80 : index
        %get3A_543 = tpu.vector_load %arg4[%get3A_541, %get3A_542] {strides = array<i32>} : memref<224x224xf32, #tpu.memory_space<vmem>>, vector<1x16xf32>,
        %get3A_544 = vector.shape_cast %get3A_543 : vector<1x16xf32> to vector<16xf32>
        %mul3A_545 = arith.constant 4 : i32
        %mul3A_546 = arith.muli %mul3A_545, %scan3A_69 : i32
        %add3A_547 = arith.constant 3 : i32
        %add3A_548 = arith.addi %mul3A_546, %add3A_547 : i32
        %get3A_549 = arith.index_cast %add3A_548 : i32 to index
        %get3A_550 = arith.constant 80 : index
        %get3A_551 = tpu.vector_load %arg4[%get3A_549, %get3A_550] {strides = array<i32>} : memref<224x224xf32, #tpu.memory_space<vmem>>, vector<1x16xf32>,
        %get3A_552 = vector.shape_cast %get3A_551 : vector<1x16xf32> to vector<16xf32>
        %add3A_553 = arith.addf %get3A_528, %get3A_536 : vector<16xf32>
        %add3A_554 = arith.addf %get3A_544, %get3A_552 : vector<16xf32>
        %add3A_555 = arith.addf %add3A_553, %add3A_554 : vector<16xf32>
        %iota3A_556 = tpu.iota {dimensions = array<i32: 0>} : vector<16xi32>
        %xor3A_557 = arith.constant 1 : i32
        %xor3A_558 = vector.broadcast %xor3A_557 : i32 to vector<16xi32>
        %xor3A_559 = arith.xori %iota3A_556, %xor3A_558 : vector<16xi32>
        %broadcast_in_dim3A_560 = vector.shape_cast %xor3A_559 : vector<16xi32> to vector<16x1xi32>
        %gather3A_561 = vector.shape_cast %broadcast_in_dim3A_560 : vector<16x1xi32> to vector<16xi32>
        %gather3A_562 = tpu.dynamic_gather %add3A_555[%gather3A_561] in [0] : vector<16xf32>, vector<16xi32> -> vector<16xf32>
        %add3A_563 = arith.addf %add3A_555, %gather3A_562 : vector<16xf32>
        %iota3A_564 = tpu.iota {dimensions = array<i32: 0>} : vector<16xi32>
        %xor3A_565 = arith.constant 2 : i32
        %xor3A_566 = vector.broadcast %xor3A_565 : i32 to vector<16xi32>
        %xor3A_567 = arith.xori %iota3A_564, %xor3A_566 : vector<16xi32>
        %broadcast_in_dim3A_568 = vector.shape_cast %xor3A_567 : vector<16xi32> to vector<16x1xi32>
        %gather3A_569 = vector.shape_cast %broadcast_in_dim3A_568 : vector<16x1xi32> to vector<16xi32>
        %gather3A_570 = tpu.dynamic_gather %add3A_563[%gather3A_569] in [0] : vector<16xf32>, vector<16xi32> -> vector<16xf32>
        %add3A_571 = arith.addf %add3A_563, %gather3A_570 : vector<16xf32>
        %gt3A_572 = arith.constant 0.000000e+00 : f32
        %gt3A_573 = vector.broadcast %gt3A_572 : f32 to vector<16xf32>
        %gt3A_574 = arith.cmpf ogt, %add3A_571, %gt3A_573 : vector<16xf32>
        %broadcast_in_dim3A_575 = arith.constant 0.000000e+00 : f32
        %broadcast_in_dim3A_576 = vector.broadcast %broadcast_in_dim3A_575 : f32 to vector<16xf32>
        %select_n3A_577 = arith.select %gt3A_574, %get3A_528, %broadcast_in_dim3A_576 : vector<16xi1>, vector<16xf32>
        %mul3A_578 = arith.constant 4 : i32
        %mul3A_579 = arith.muli %mul3A_578, %scan3A_69 : i32
        %swap3A_580 = arith.index_cast %mul3A_579 : i32 to index
        %swap3A_581 = arith.constant 80 : index
        %swap3A_582 = tpu.vector_load %arg4[%swap3A_580, %swap3A_581] {strides = array<i32>} : memref<224x224xf32, #tpu.memory_space<vmem>>, vector<1x16xf32>,
        %swap3A_583 = vector.shape_cast %swap3A_582 : vector<1x16xf32> to vector<16xf32>
        %swap3A_584 = vector.shape_cast %select_n3A_577 : vector<16xf32> to vector<1x16xf32>
        tpu.vector_store %arg4[%swap3A_580, %swap3A_581], %swap3A_584 {strides = array<i32>} : memref<224x224xf32, #tpu.memory_space<vmem>>, vector<1x16xf32>,
        %select_n3A_585 = arith.select %gt3A_574, %get3A_536, %broadcast_in_dim3A_576 : vector<16xi1>, vector<16xf32>
        %mul3A_586 = arith.constant 4 : i32
        %mul3A_587 = arith.muli %mul3A_586, %scan3A_69 : i32
        %add3A_588 = arith.constant 1 : i32
        %add3A_589 = arith.addi %mul3A_587, %add3A_588 : i32
        %swap3A_590 = arith.index_cast %add3A_589 : i32 to index
        %swap3A_591 = arith.constant 80 : index
        %swap3A_592 = tpu.vector_load %arg4[%swap3A_590, %swap3A_591] {strides = array<i32>} : memref<224x224xf32, #tpu.memory_space<vmem>>, vector<1x16xf32>,
        %swap3A_593 = vector.shape_cast %swap3A_592 : vector<1x16xf32> to vector<16xf32>
        %swap3A_594 = vector.shape_cast %select_n3A_585 : vector<16xf32> to vector<1x16xf32>
        tpu.vector_store %arg4[%swap3A_590, %swap3A_591], %swap3A_594 {strides = array<i32>} : memref<224x224xf32, #tpu.memory_space<vmem>>, vector<1x16xf32>,
        %select_n3A_595 = arith.select %gt3A_574, %get3A_544, %broadcast_in_dim3A_576 : vector<16xi1>, vector<16xf32>
        %mul3A_596 = arith.constant 4 : i32
        %mul3A_597 = arith.muli %mul3A_596, %scan3A_69 : i32
        %add3A_598 = arith.constant 2 : i32
        %add3A_599 = arith.addi %mul3A_597, %add3A_598 : i32
        %swap3A_600 = arith.index_cast %add3A_599 : i32 to index
        %swap3A_601 = arith.constant 80 : index
        %swap3A_602 = tpu.vector_load %arg4[%swap3A_600, %swap3A_601] {strides = array<i32>} : memref<224x224xf32, #tpu.memory_space<vmem>>, vector<1x16xf32>,
        %swap3A_603 = vector.shape_cast %swap3A_602 : vector<1x16xf32> to vector<16xf32>
        %swap3A_604 = vector.shape_cast %select_n3A_595 : vector<16xf32> to vector<1x16xf32>
        tpu.vector_store %arg4[%swap3A_600, %swap3A_601], %swap3A_604 {strides = array<i32>} : memref<224x224xf32, #tpu.memory_space<vmem>>, vector<1x16xf32>,
        %select_n3A_605 = arith.select %gt3A_574, %get3A_552, %broadcast_in_dim3A_576 : vector<16xi1>, vector<16xf32>
        %mul3A_606 = arith.constant 4 : i32
        %mul3A_607 = arith.muli %mul3A_606, %scan3A_69 : i32
        %add3A_608 = arith.constant 3 : i32
        %add3A_609 = arith.addi %mul3A_607, %add3A_608 : i32
        %swap3A_610 = arith.index_cast %add3A_609 : i32 to index
        %swap3A_611 = arith.constant 80 : index
        %swap3A_612 = tpu.vector_load %arg4[%swap3A_610, %swap3A_611] {strides = array<i32>} : memref<224x224xf32, #tpu.memory_space<vmem>>, vector<1x16xf32>,
        %swap3A_613 = vector.shape_cast %swap3A_612 : vector<1x16xf32> to vector<16xf32>
        %swap3A_614 = vector.shape_cast %select_n3A_605 : vector<16xf32> to vector<1x16xf32>
        tpu.vector_store %arg4[%swap3A_610, %swap3A_611], %swap3A_614 {strides = array<i32>} : memref<224x224xf32, #tpu.memory_space<vmem>>, vector<1x16xf32>,
        %mul3A_615 = arith.constant 4 : i32
        %mul3A_616 = arith.muli %mul3A_615, %scan3A_69 : i32
        %get3A_617 = arith.index_cast %mul3A_616 : i32 to index
        %get3A_618 = arith.constant 96 : index
        %get3A_619 = tpu.vector_load %arg4[%get3A_617, %get3A_618] {strides = array<i32>} : memref<224x224xf32, #tpu.memory_space<vmem>>, vector<1x16xf32>,
        %get3A_620 = vector.shape_cast %get3A_619 : vector<1x16xf32> to vector<16xf32>
        %mul3A_621 = arith.constant 4 : i32
        %mul3A_622 = arith.muli %mul3A_621, %scan3A_69 : i32
        %add3A_623 = arith.constant 1 : i32
        %add3A_624 = arith.addi %mul3A_622, %add3A_623 : i32
        %get3A_625 = arith.index_cast %add3A_624 : i32 to index
        %get3A_626 = arith.constant 96 : index
        %get3A_627 = tpu.vector_load %arg4[%get3A_625, %get3A_626] {strides = array<i32>} : memref<224x224xf32, #tpu.memory_space<vmem>>, vector<1x16xf32>,
        %get3A_628 = vector.shape_cast %get3A_627 : vector<1x16xf32> to vector<16xf32>
        %mul3A_629 = arith.constant 4 : i32
        %mul3A_630 = arith.muli %mul3A_629, %scan3A_69 : i32
        %add3A_631 = arith.constant 2 : i32
        %add3A_632 = arith.addi %mul3A_630, %add3A_631 : i32
        %get3A_633 = arith.index_cast %add3A_632 : i32 to index
        %get3A_634 = arith.constant 96 : index
        %get3A_635 = tpu.vector_load %arg4[%get3A_633, %get3A_634] {strides = array<i32>} : memref<224x224xf32, #tpu.memory_space<vmem>>, vector<1x16xf32>,
        %get3A_636 = vector.shape_cast %get3A_635 : vector<1x16xf32> to vector<16xf32>
        %mul3A_637 = arith.constant 4 : i32
        %mul3A_638 = arith.muli %mul3A_637, %scan3A_69 : i32
        %add3A_639 = arith.constant 3 : i32
        %add3A_640 = arith.addi %mul3A_638, %add3A_639 : i32
        %get3A_641 = arith.index_cast %add3A_640 : i32 to index
        %get3A_642 = arith.constant 96 : index
        %get3A_643 = tpu.vector_load %arg4[%get3A_641, %get3A_642] {strides = array<i32>} : memref<224x224xf32, #tpu.memory_space<vmem>>, vector<1x16xf32>,
        %get3A_644 = vector.shape_cast %get3A_643 : vector<1x16xf32> to vector<16xf32>
        %add3A_645 = arith.addf %get3A_620, %get3A_628 : vector<16xf32>
        %add3A_646 = arith.addf %get3A_636, %get3A_644 : vector<16xf32>
        %add3A_647 = arith.addf %add3A_645, %add3A_646 : vector<16xf32>
        %iota3A_648 = tpu.iota {dimensions = array<i32: 0>} : vector<16xi32>
        %xor3A_649 = arith.constant 1 : i32
        %xor3A_650 = vector.broadcast %xor3A_649 : i32 to vector<16xi32>
        %xor3A_651 = arith.xori %iota3A_648, %xor3A_650 : vector<16xi32>
        %broadcast_in_dim3A_652 = vector.shape_cast %xor3A_651 : vector<16xi32> to vector<16x1xi32>
        %gather3A_653 = vector.shape_cast %broadcast_in_dim3A_652 : vector<16x1xi32> to vector<16xi32>
        %gather3A_654 = tpu.dynamic_gather %add3A_647[%gather3A_653] in [0] : vector<16xf32>, vector<16xi32> -> vector<16xf32>
        %add3A_655 = arith.addf %add3A_647, %gather3A_654 : vector<16xf32>
        %iota3A_656 = tpu.iota {dimensions = array<i32: 0>} : vector<16xi32>
        %xor3A_657 = arith.constant 2 : i32
        %xor3A_658 = vector.broadcast %xor3A_657 : i32 to vector<16xi32>
        %xor3A_659 = arith.xori %iota3A_656, %xor3A_658 : vector<16xi32>
        %broadcast_in_dim3A_660 = vector.shape_cast %xor3A_659 : vector<16xi32> to vector<16x1xi32>
        %gather3A_661 = vector.shape_cast %broadcast_in_dim3A_660 : vector<16x1xi32> to vector<16xi32>
        %gather3A_662 = tpu.dynamic_gather %add3A_655[%gather3A_661] in [0] : vector<16xf32>, vector<16xi32> -> vector<16xf32>
        %add3A_663 = arith.addf %add3A_655, %gather3A_662 : vector<16xf32>
        %gt3A_664 = arith.constant 0.000000e+00 : f32
        %gt3A_665 = vector.broadcast %gt3A_664 : f32 to vector<16xf32>
        %gt3A_666 = arith.cmpf ogt, %add3A_663, %gt3A_665 : vector<16xf32>
        %broadcast_in_dim3A_667 = arith.constant 0.000000e+00 : f32
        %broadcast_in_dim3A_668 = vector.broadcast %broadcast_in_dim3A_667 : f32 to vector<16xf32>
        %select_n3A_669 = arith.select %gt3A_666, %get3A_620, %broadcast_in_dim3A_668 : vector<16xi1>, vector<16xf32>
        %mul3A_670 = arith.constant 4 : i32
        %mul3A_671 = arith.muli %mul3A_670, %scan3A_69 : i32
        %swap3A_672 = arith.index_cast %mul3A_671 : i32 to index
        %swap3A_673 = arith.constant 96 : index
        %swap3A_674 = tpu.vector_load %arg4[%swap3A_672, %swap3A_673] {strides = array<i32>} : memref<224x224xf32, #tpu.memory_space<vmem>>, vector<1x16xf32>,
        %swap3A_675 = vector.shape_cast %swap3A_674 : vector<1x16xf32> to vector<16xf32>
        %swap3A_676 = vector.shape_cast %select_n3A_669 : vector<16xf32> to vector<1x16xf32>
        tpu.vector_store %arg4[%swap3A_672, %swap3A_673], %swap3A_676 {strides = array<i32>} : memref<224x224xf32, #tpu.memory_space<vmem>>, vector<1x16xf32>,
        %select_n3A_677 = arith.select %gt3A_666, %get3A_628, %broadcast_in_dim3A_668 : vector<16xi1>, vector<16xf32>
        %mul3A_678 = arith.constant 4 : i32
        %mul3A_679 = arith.muli %mul3A_678, %scan3A_69 : i32
        %add3A_680 = arith.constant 1 : i32
        %add3A_681 = arith.addi %mul3A_679, %add3A_680 : i32
        %swap3A_682 = arith.index_cast %add3A_681 : i32 to index
        %swap3A_683 = arith.constant 96 : index
        %swap3A_684 = tpu.vector_load %arg4[%swap3A_682, %swap3A_683] {strides = array<i32>} : memref<224x224xf32, #tpu.memory_space<vmem>>, vector<1x16xf32>,
        %swap3A_685 = vector.shape_cast %swap3A_684 : vector<1x16xf32> to vector<16xf32>
        %swap3A_686 = vector.shape_cast %select_n3A_677 : vector<16xf32> to vector<1x16xf32>
        tpu.vector_store %arg4[%swap3A_682, %swap3A_683], %swap3A_686 {strides = array<i32>} : memref<224x224xf32, #tpu.memory_space<vmem>>, vector<1x16xf32>,
        %select_n3A_687 = arith.select %gt3A_666, %get3A_636, %broadcast_in_dim3A_668 : vector<16xi1>, vector<16xf32>
        %mul3A_688 = arith.constant 4 : i32
        %mul3A_689 = arith.muli %mul3A_688, %scan3A_69 : i32
        %add3A_690 = arith.constant 2 : i32
        %add3A_691 = arith.addi %mul3A_689, %add3A_690 : i32
        %swap3A_692 = arith.index_cast %add3A_691 : i32 to index
        %swap3A_693 = arith.constant 96 : index
        %swap3A_694 = tpu.vector_load %arg4[%swap3A_692, %swap3A_693] {strides = array<i32>} : memref<224x224xf32, #tpu.memory_space<vmem>>, vector<1x16xf32>,
        %swap3A_695 = vector.shape_cast %swap3A_694 : vector<1x16xf32> to vector<16xf32>
        %swap3A_696 = vector.shape_cast %select_n3A_687 : vector<16xf32> to vector<1x16xf32>
        tpu.vector_store %arg4[%swap3A_692, %swap3A_693], %swap3A_696 {strides = array<i32>} : memref<224x224xf32, #tpu.memory_space<vmem>>, vector<1x16xf32>,
        %select_n3A_697 = arith.select %gt3A_666, %get3A_644, %broadcast_in_dim3A_668 : vector<16xi1>, vector<16xf32>
        %mul3A_698 = arith.constant 4 : i32
        %mul3A_699 = arith.muli %mul3A_698, %scan3A_69 : i32
        %add3A_700 = arith.constant 3 : i32
        %add3A_701 = arith.addi %mul3A_699, %add3A_700 : i32
        %swap3A_702 = arith.index_cast %add3A_701 : i32 to index
        %swap3A_703 = arith.constant 96 : index
        %swap3A_704 = tpu.vector_load %arg4[%swap3A_702, %swap3A_703] {strides = array<i32>} : memref<224x224xf32, #tpu.memory_space<vmem>>, vector<1x16xf32>,
        %swap3A_705 = vector.shape_cast %swap3A_704 : vector<1x16xf32> to vector<16xf32>
        %swap3A_706 = vector.shape_cast %select_n3A_697 : vector<16xf32> to vector<1x16xf32>
        tpu.vector_store %arg4[%swap3A_702, %swap3A_703], %swap3A_706 {strides = array<i32>} : memref<224x224xf32, #tpu.memory_space<vmem>>, vector<1x16xf32>,
        %mul3A_707 = arith.constant 4 : i32
        %mul3A_708 = arith.muli %mul3A_707, %scan3A_69 : i32
        %get3A_709 = arith.index_cast %mul3A_708 : i32 to index
        %get3A_710 = arith.constant 112 : index
        %get3A_711 = tpu.vector_load %arg4[%get3A_709, %get3A_710] {strides = array<i32>} : memref<224x224xf32, #tpu.memory_space<vmem>>, vector<1x16xf32>,
        %get3A_712 = vector.shape_cast %get3A_711 : vector<1x16xf32> to vector<16xf32>
        %mul3A_713 = arith.constant 4 : i32
        %mul3A_714 = arith.muli %mul3A_713, %scan3A_69 : i32
        %add3A_715 = arith.constant 1 : i32
        %add3A_716 = arith.addi %mul3A_714, %add3A_715 : i32
        %get3A_717 = arith.index_cast %add3A_716 : i32 to index
        %get3A_718 = arith.constant 112 : index
        %get3A_719 = tpu.vector_load %arg4[%get3A_717, %get3A_718] {strides = array<i32>} : memref<224x224xf32, #tpu.memory_space<vmem>>, vector<1x16xf32>,
        %get3A_720 = vector.shape_cast %get3A_719 : vector<1x16xf32> to vector<16xf32>
        %mul3A_721 = arith.constant 4 : i32
        %mul3A_722 = arith.muli %mul3A_721, %scan3A_69 : i32
        %add3A_723 = arith.constant 2 : i32
        %add3A_724 = arith.addi %mul3A_722, %add3A_723 : i32
        %get3A_725 = arith.index_cast %add3A_724 : i32 to index
        %get3A_726 = arith.constant 112 : index
        %get3A_727 = tpu.vector_load %arg4[%get3A_725, %get3A_726] {strides = array<i32>} : memref<224x224xf32, #tpu.memory_space<vmem>>, vector<1x16xf32>,
        %get3A_728 = vector.shape_cast %get3A_727 : vector<1x16xf32> to vector<16xf32>
        %mul3A_729 = arith.constant 4 : i32
        %mul3A_730 = arith.muli %mul3A_729, %scan3A_69 : i32
        %add3A_731 = arith.constant 3 : i32
        %add3A_732 = arith.addi %mul3A_730, %add3A_731 : i32
        %get3A_733 = arith.index_cast %add3A_732 : i32 to index
        %get3A_734 = arith.constant 112 : index
        %get3A_735 = tpu.vector_load %arg4[%get3A_733, %get3A_734] {strides = array<i32>} : memref<224x224xf32, #tpu.memory_space<vmem>>, vector<1x16xf32>,
        %get3A_736 = vector.shape_cast %get3A_735 : vector<1x16xf32> to vector<16xf32>
        %add3A_737 = arith.addf %get3A_712, %get3A_720 : vector<16xf32>
        %add3A_738 = arith.addf %get3A_728, %get3A_736 : vector<16xf32>
        %add3A_739 = arith.addf %add3A_737, %add3A_738 : vector<16xf32>
        %iota3A_740 = tpu.iota {dimensions = array<i32: 0>} : vector<16xi32>
        %xor3A_741 = arith.constant 1 : i32
        %xor3A_742 = vector.broadcast %xor3A_741 : i32 to vector<16xi32>
        %xor3A_743 = arith.xori %iota3A_740, %xor3A_742 : vector<16xi32>
        %broadcast_in_dim3A_744 = vector.shape_cast %xor3A_743 : vector<16xi32> to vector<16x1xi32>
        %gather3A_745 = vector.shape_cast %broadcast_in_dim3A_744 : vector<16x1xi32> to vector<16xi32>
        %gather3A_746 = tpu.dynamic_gather %add3A_739[%gather3A_745] in [0] : vector<16xf32>, vector<16xi32> -> vector<16xf32>
        %add3A_747 = arith.addf %add3A_739, %gather3A_746 : vector<16xf32>
        %iota3A_748 = tpu.iota {dimensions = array<i32: 0>} : vector<16xi32>
        %xor3A_749 = arith.constant 2 : i32
        %xor3A_750 = vector.broadcast %xor3A_749 : i32 to vector<16xi32>
        %xor3A_751 = arith.xori %iota3A_748, %xor3A_750 : vector<16xi32>
        %broadcast_in_dim3A_752 = vector.shape_cast %xor3A_751 : vector<16xi32> to vector<16x1xi32>
        %gather3A_753 = vector.shape_cast %broadcast_in_dim3A_752 : vector<16x1xi32> to vector<16xi32>
        %gather3A_754 = tpu.dynamic_gather %add3A_747[%gather3A_753] in [0] : vector<16xf32>, vector<16xi32> -> vector<16xf32>
        %add3A_755 = arith.addf %add3A_747, %gather3A_754 : vector<16xf32>
        %gt3A_756 = arith.constant 0.000000e+00 : f32
        %gt3A_757 = vector.broadcast %gt3A_756 : f32 to vector<16xf32>
        %gt3A_758 = arith.cmpf ogt, %add3A_755, %gt3A_757 : vector<16xf32>
        %broadcast_in_dim3A_759 = arith.constant 0.000000e+00 : f32
        %broadcast_in_dim3A_760 = vector.broadcast %broadcast_in_dim3A_759 : f32 to vector<16xf32>
        %select_n3A_761 = arith.select %gt3A_758, %get3A_712, %broadcast_in_dim3A_760 : vector<16xi1>, vector<16xf32>
        %mul3A_762 = arith.constant 4 : i32
        %mul3A_763 = arith.muli %mul3A_762, %scan3A_69 : i32
        %swap3A_764 = arith.index_cast %mul3A_763 : i32 to index
        %swap3A_765 = arith.constant 112 : index
        %swap3A_766 = tpu.vector_load %arg4[%swap3A_764, %swap3A_765] {strides = array<i32>} : memref<224x224xf32, #tpu.memory_space<vmem>>, vector<1x16xf32>,
        %swap3A_767 = vector.shape_cast %swap3A_766 : vector<1x16xf32> to vector<16xf32>
        %swap3A_768 = vector.shape_cast %select_n3A_761 : vector<16xf32> to vector<1x16xf32>
        tpu.vector_store %arg4[%swap3A_764, %swap3A_765], %swap3A_768 {strides = array<i32>} : memref<224x224xf32, #tpu.memory_space<vmem>>, vector<1x16xf32>,
        %select_n3A_769 = arith.select %gt3A_758, %get3A_720, %broadcast_in_dim3A_760 : vector<16xi1>, vector<16xf32>
        %mul3A_770 = arith.constant 4 : i32
        %mul3A_771 = arith.muli %mul3A_770, %scan3A_69 : i32
        %add3A_772 = arith.constant 1 : i32
        %add3A_773 = arith.addi %mul3A_771, %add3A_772 : i32
        %swap3A_774 = arith.index_cast %add3A_773 : i32 to index
        %swap3A_775 = arith.constant 112 : index
        %swap3A_776 = tpu.vector_load %arg4[%swap3A_774, %swap3A_775] {strides = array<i32>} : memref<224x224xf32, #tpu.memory_space<vmem>>, vector<1x16xf32>,
        %swap3A_777 = vector.shape_cast %swap3A_776 : vector<1x16xf32> to vector<16xf32>
        %swap3A_778 = vector.shape_cast %select_n3A_769 : vector<16xf32> to vector<1x16xf32>
        tpu.vector_store %arg4[%swap3A_774, %swap3A_775], %swap3A_778 {strides = array<i32>} : memref<224x224xf32, #tpu.memory_space<vmem>>, vector<1x16xf32>,
        %select_n3A_779 = arith.select %gt3A_758, %get3A_728, %broadcast_in_dim3A_760 : vector<16xi1>, vector<16xf32>
        %mul3A_780 = arith.constant 4 : i32
        %mul3A_781 = arith.muli %mul3A_780, %scan3A_69 : i32
        %add3A_782 = arith.constant 2 : i32
        %add3A_783 = arith.addi %mul3A_781, %add3A_782 : i32
        %swap3A_784 = arith.index_cast %add3A_783 : i32 to index
        %swap3A_785 = arith.constant 112 : index
        %swap3A_786 = tpu.vector_load %arg4[%swap3A_784, %swap3A_785] {strides = array<i32>} : memref<224x224xf32, #tpu.memory_space<vmem>>, vector<1x16xf32>,
        %swap3A_787 = vector.shape_cast %swap3A_786 : vector<1x16xf32> to vector<16xf32>
        %swap3A_788 = vector.shape_cast %select_n3A_779 : vector<16xf32> to vector<1x16xf32>
        tpu.vector_store %arg4[%swap3A_784, %swap3A_785], %swap3A_788 {strides = array<i32>} : memref<224x224xf32, #tpu.memory_space<vmem>>, vector<1x16xf32>,
        %select_n3A_789 = arith.select %gt3A_758, %get3A_736, %broadcast_in_dim3A_760 : vector<16xi1>, vector<16xf32>
        %mul3A_790 = arith.constant 4 : i32
        %mul3A_791 = arith.muli %mul3A_790, %scan3A_69 : i32
        %add3A_792 = arith.constant 3 : i32
        %add3A_793 = arith.addi %mul3A_791, %add3A_792 : i32
        %swap3A_794 = arith.index_cast %add3A_793 : i32 to index
        %swap3A_795 = arith.constant 112 : index
        %swap3A_796 = tpu.vector_load %arg4[%swap3A_794, %swap3A_795] {strides = array<i32>} : memref<224x224xf32, #tpu.memory_space<vmem>>, vector<1x16xf32>,
        %swap3A_797 = vector.shape_cast %swap3A_796 : vector<1x16xf32> to vector<16xf32>
        %swap3A_798 = vector.shape_cast %select_n3A_789 : vector<16xf32> to vector<1x16xf32>
        tpu.vector_store %arg4[%swap3A_794, %swap3A_795], %swap3A_798 {strides = array<i32>} : memref<224x224xf32, #tpu.memory_space<vmem>>, vector<1x16xf32>,
        %mul3A_799 = arith.constant 4 : i32
        %mul3A_800 = arith.muli %mul3A_799, %scan3A_69 : i32
        %get3A_801 = arith.index_cast %mul3A_800 : i32 to index
        %get3A_802 = arith.constant 128 : index
        %get3A_803 = tpu.vector_load %arg4[%get3A_801, %get3A_802] {strides = array<i32>} : memref<224x224xf32, #tpu.memory_space<vmem>>, vector<1x16xf32>,
        %get3A_804 = vector.shape_cast %get3A_803 : vector<1x16xf32> to vector<16xf32>
        %mul3A_805 = arith.constant 4 : i32
        %mul3A_806 = arith.muli %mul3A_805, %scan3A_69 : i32
        %add3A_807 = arith.constant 1 : i32
        %add3A_808 = arith.addi %mul3A_806, %add3A_807 : i32
        %get3A_809 = arith.index_cast %add3A_808 : i32 to index
        %get3A_810 = arith.constant 128 : index
        %get3A_811 = tpu.vector_load %arg4[%get3A_809, %get3A_810] {strides = array<i32>} : memref<224x224xf32, #tpu.memory_space<vmem>>, vector<1x16xf32>,
        %get3A_812 = vector.shape_cast %get3A_811 : vector<1x16xf32> to vector<16xf32>
        %mul3A_813 = arith.constant 4 : i32
        %mul3A_814 = arith.muli %mul3A_813, %scan3A_69 : i32
        %add3A_815 = arith.constant 2 : i32
        %add3A_816 = arith.addi %mul3A_814, %add3A_815 : i32
        %get3A_817 = arith.index_cast %add3A_816 : i32 to index
        %get3A_818 = arith.constant 128 : index
        %get3A_819 = tpu.vector_load %arg4[%get3A_817, %get3A_818] {strides = array<i32>} : memref<224x224xf32, #tpu.memory_space<vmem>>, vector<1x16xf32>,
        %get3A_820 = vector.shape_cast %get3A_819 : vector<1x16xf32> to vector<16xf32>
        %mul3A_821 = arith.constant 4 : i32
        %mul3A_822 = arith.muli %mul3A_821, %scan3A_69 : i32
        %add3A_823 = arith.constant 3 : i32
        %add3A_824 = arith.addi %mul3A_822, %add3A_823 : i32
        %get3A_825 = arith.index_cast %add3A_824 : i32 to index
        %get3A_826 = arith.constant 128 : index
        %get3A_827 = tpu.vector_load %arg4[%get3A_825, %get3A_826] {strides = array<i32>} : memref<224x224xf32, #tpu.memory_space<vmem>>, vector<1x16xf32>,
        %get3A_828 = vector.shape_cast %get3A_827 : vector<1x16xf32> to vector<16xf32>
        %add3A_829 = arith.addf %get3A_804, %get3A_812 : vector<16xf32>
        %add3A_830 = arith.addf %get3A_820, %get3A_828 : vector<16xf32>
        %add3A_831 = arith.addf %add3A_829, %add3A_830 : vector<16xf32>
        %iota3A_832 = tpu.iota {dimensions = array<i32: 0>} : vector<16xi32>
        %xor3A_833 = arith.constant 1 : i32
        %xor3A_834 = vector.broadcast %xor3A_833 : i32 to vector<16xi32>
        %xor3A_835 = arith.xori %iota3A_832, %xor3A_834 : vector<16xi32>
        %broadcast_in_dim3A_836 = vector.shape_cast %xor3A_835 : vector<16xi32> to vector<16x1xi32>
        %gather3A_837 = vector.shape_cast %broadcast_in_dim3A_836 : vector<16x1xi32> to vector<16xi32>
        %gather3A_838 = tpu.dynamic_gather %add3A_831[%gather3A_837] in [0] : vector<16xf32>, vector<16xi32> -> vector<16xf32>
        %add3A_839 = arith.addf %add3A_831, %gather3A_838 : vector<16xf32>
        %iota3A_840 = tpu.iota {dimensions = array<i32: 0>} : vector<16xi32>
        %xor3A_841 = arith.constant 2 : i32
        %xor3A_842 = vector.broadcast %xor3A_841 : i32 to vector<16xi32>
        %xor3A_843 = arith.xori %iota3A_840, %xor3A_842 : vector<16xi32>
        %broadcast_in_dim3A_844 = vector.shape_cast %xor3A_843 : vector<16xi32> to vector<16x1xi32>
        %gather3A_845 = vector.shape_cast %broadcast_in_dim3A_844 : vector<16x1xi32> to vector<16xi32>
        %gather3A_846 = tpu.dynamic_gather %add3A_839[%gather3A_845] in [0] : vector<16xf32>, vector<16xi32> -> vector<16xf32>
        %add3A_847 = arith.addf %add3A_839, %gather3A_846 : vector<16xf32>
        %gt3A_848 = arith.constant 0.000000e+00 : f32
        %gt3A_849 = vector.broadcast %gt3A_848 : f32 to vector<16xf32>
        %gt3A_850 = arith.cmpf ogt, %add3A_847, %gt3A_849 : vector<16xf32>
        %broadcast_in_dim3A_851 = arith.constant 0.000000e+00 : f32
        %broadcast_in_dim3A_852 = vector.broadcast %broadcast_in_dim3A_851 : f32 to vector<16xf32>
        %select_n3A_853 = arith.select %gt3A_850, %get3A_804, %broadcast_in_dim3A_852 : vector<16xi1>, vector<16xf32>
        %mul3A_854 = arith.constant 4 : i32
        %mul3A_855 = arith.muli %mul3A_854, %scan3A_69 : i32
        %swap3A_856 = arith.index_cast %mul3A_855 : i32 to index
        %swap3A_857 = arith.constant 128 : index
        %swap3A_858 = tpu.vector_load %arg4[%swap3A_856, %swap3A_857] {strides = array<i32>} : memref<224x224xf32, #tpu.memory_space<vmem>>, vector<1x16xf32>,
        %swap3A_859 = vector.shape_cast %swap3A_858 : vector<1x16xf32> to vector<16xf32>
        %swap3A_860 = vector.shape_cast %select_n3A_853 : vector<16xf32> to vector<1x16xf32>
        tpu.vector_store %arg4[%swap3A_856, %swap3A_857], %swap3A_860 {strides = array<i32>} : memref<224x224xf32, #tpu.memory_space<vmem>>, vector<1x16xf32>,
        %select_n3A_861 = arith.select %gt3A_850, %get3A_812, %broadcast_in_dim3A_852 : vector<16xi1>, vector<16xf32>
        %mul3A_862 = arith.constant 4 : i32
        %mul3A_863 = arith.muli %mul3A_862, %scan3A_69 : i32
        %add3A_864 = arith.constant 1 : i32
        %add3A_865 = arith.addi %mul3A_863, %add3A_864 : i32
        %swap3A_866 = arith.index_cast %add3A_865 : i32 to index
        %swap3A_867 = arith.constant 128 : index
        %swap3A_868 = tpu.vector_load %arg4[%swap3A_866, %swap3A_867] {strides = array<i32>} : memref<224x224xf32, #tpu.memory_space<vmem>>, vector<1x16xf32>,
        %swap3A_869 = vector.shape_cast %swap3A_868 : vector<1x16xf32> to vector<16xf32>
        %swap3A_870 = vector.shape_cast %select_n3A_861 : vector<16xf32> to vector<1x16xf32>
        tpu.vector_store %arg4[%swap3A_866, %swap3A_867], %swap3A_870 {strides = array<i32>} : memref<224x224xf32, #tpu.memory_space<vmem>>, vector<1x16xf32>,
        %select_n3A_871 = arith.select %gt3A_850, %get3A_820, %broadcast_in_dim3A_852 : vector<16xi1>, vector<16xf32>
        %mul3A_872 = arith.constant 4 : i32
        %mul3A_873 = arith.muli %mul3A_872, %scan3A_69 : i32
        %add3A_874 = arith.constant 2 : i32
        %add3A_875 = arith.addi %mul3A_873, %add3A_874 : i32
        %swap3A_876 = arith.index_cast %add3A_875 : i32 to index
        %swap3A_877 = arith.constant 128 : index
        %swap3A_878 = tpu.vector_load %arg4[%swap3A_876, %swap3A_877] {strides = array<i32>} : memref<224x224xf32, #tpu.memory_space<vmem>>, vector<1x16xf32>,
        %swap3A_879 = vector.shape_cast %swap3A_878 : vector<1x16xf32> to vector<16xf32>
        %swap3A_880 = vector.shape_cast %select_n3A_871 : vector<16xf32> to vector<1x16xf32>
        tpu.vector_store %arg4[%swap3A_876, %swap3A_877], %swap3A_880 {strides = array<i32>} : memref<224x224xf32, #tpu.memory_space<vmem>>, vector<1x16xf32>,
        %select_n3A_881 = arith.select %gt3A_850, %get3A_828, %broadcast_in_dim3A_852 : vector<16xi1>, vector<16xf32>
        %mul3A_882 = arith.constant 4 : i32
        %mul3A_883 = arith.muli %mul3A_882, %scan3A_69 : i32
        %add3A_884 = arith.constant 3 : i32
        %add3A_885 = arith.addi %mul3A_883, %add3A_884 : i32
        %swap3A_886 = arith.index_cast %add3A_885 : i32 to index
        %swap3A_887 = arith.constant 128 : index
        %swap3A_888 = tpu.vector_load %arg4[%swap3A_886, %swap3A_887] {strides = array<i32>} : memref<224x224xf32, #tpu.memory_space<vmem>>, vector<1x16xf32>,
        %swap3A_889 = vector.shape_cast %swap3A_888 : vector<1x16xf32> to vector<16xf32>
        %swap3A_890 = vector.shape_cast %select_n3A_881 : vector<16xf32> to vector<1x16xf32>
        tpu.vector_store %arg4[%swap3A_886, %swap3A_887], %swap3A_890 {strides = array<i32>} : memref<224x224xf32, #tpu.memory_space<vmem>>, vector<1x16xf32>,
        %mul3A_891 = arith.constant 4 : i32
        %mul3A_892 = arith.muli %mul3A_891, %scan3A_69 : i32
        %get3A_893 = arith.index_cast %mul3A_892 : i32 to index
        %get3A_894 = arith.constant 144 : index
        %get3A_895 = tpu.vector_load %arg4[%get3A_893, %get3A_894] {strides = array<i32>} : memref<224x224xf32, #tpu.memory_space<vmem>>, vector<1x16xf32>,
        %get3A_896 = vector.shape_cast %get3A_895 : vector<1x16xf32> to vector<16xf32>
        %mul3A_897 = arith.constant 4 : i32
        %mul3A_898 = arith.muli %mul3A_897, %scan3A_69 : i32
        %add3A_899 = arith.constant 1 : i32
        %add3A_900 = arith.addi %mul3A_898, %add3A_899 : i32
        %get3A_901 = arith.index_cast %add3A_900 : i32 to index
        %get3A_902 = arith.constant 144 : index
        %get3A_903 = tpu.vector_load %arg4[%get3A_901, %get3A_902] {strides = array<i32>} : memref<224x224xf32, #tpu.memory_space<vmem>>, vector<1x16xf32>,
        %get3A_904 = vector.shape_cast %get3A_903 : vector<1x16xf32> to vector<16xf32>
        %mul3A_905 = arith.constant 4 : i32
        %mul3A_906 = arith.muli %mul3A_905, %scan3A_69 : i32
        %add3A_907 = arith.constant 2 : i32
        %add3A_908 = arith.addi %mul3A_906, %add3A_907 : i32
        %get3A_909 = arith.index_cast %add3A_908 : i32 to index
        %get3A_910 = arith.constant 144 : index
        %get3A_911 = tpu.vector_load %arg4[%get3A_909, %get3A_910] {strides = array<i32>} : memref<224x224xf32, #tpu.memory_space<vmem>>, vector<1x16xf32>,
        %get3A_912 = vector.shape_cast %get3A_911 : vector<1x16xf32> to vector<16xf32>
        %mul3A_913 = arith.constant 4 : i32
        %mul3A_914 = arith.muli %mul3A_913, %scan3A_69 : i32
        %add3A_915 = arith.constant 3 : i32
        %add3A_916 = arith.addi %mul3A_914, %add3A_915 : i32
        %get3A_917 = arith.index_cast %add3A_916 : i32 to index
        %get3A_918 = arith.constant 144 : index
        %get3A_919 = tpu.vector_load %arg4[%get3A_917, %get3A_918] {strides = array<i32>} : memref<224x224xf32, #tpu.memory_space<vmem>>, vector<1x16xf32>,
        %get3A_920 = vector.shape_cast %get3A_919 : vector<1x16xf32> to vector<16xf32>
        %add3A_921 = arith.addf %get3A_896, %get3A_904 : vector<16xf32>
        %add3A_922 = arith.addf %get3A_912, %get3A_920 : vector<16xf32>
        %add3A_923 = arith.addf %add3A_921, %add3A_922 : vector<16xf32>
        %iota3A_924 = tpu.iota {dimensions = array<i32: 0>} : vector<16xi32>
        %xor3A_925 = arith.constant 1 : i32
        %xor3A_926 = vector.broadcast %xor3A_925 : i32 to vector<16xi32>
        %xor3A_927 = arith.xori %iota3A_924, %xor3A_926 : vector<16xi32>
        %broadcast_in_dim3A_928 = vector.shape_cast %xor3A_927 : vector<16xi32> to vector<16x1xi32>
        %gather3A_929 = vector.shape_cast %broadcast_in_dim3A_928 : vector<16x1xi32> to vector<16xi32>
        %gather3A_930 = tpu.dynamic_gather %add3A_923[%gather3A_929] in [0] : vector<16xf32>, vector<16xi32> -> vector<16xf32>
        %add3A_931 = arith.addf %add3A_923, %gather3A_930 : vector<16xf32>
        %iota3A_932 = tpu.iota {dimensions = array<i32: 0>} : vector<16xi32>
        %xor3A_933 = arith.constant 2 : i32
        %xor3A_934 = vector.broadcast %xor3A_933 : i32 to vector<16xi32>
        %xor3A_935 = arith.xori %iota3A_932, %xor3A_934 : vector<16xi32>
        %broadcast_in_dim3A_936 = vector.shape_cast %xor3A_935 : vector<16xi32> to vector<16x1xi32>
        %gather3A_937 = vector.shape_cast %broadcast_in_dim3A_936 : vector<16x1xi32> to vector<16xi32>
        %gather3A_938 = tpu.dynamic_gather %add3A_931[%gather3A_937] in [0] : vector<16xf32>, vector<16xi32> -> vector<16xf32>
        %add3A_939 = arith.addf %add3A_931, %gather3A_938 : vector<16xf32>
        %gt3A_940 = arith.constant 0.000000e+00 : f32
        %gt3A_941 = vector.broadcast %gt3A_940 : f32 to vector<16xf32>
        %gt3A_942 = arith.cmpf ogt, %add3A_939, %gt3A_941 : vector<16xf32>
        %broadcast_in_dim3A_943 = arith.constant 0.000000e+00 : f32
        %broadcast_in_dim3A_944 = vector.broadcast %broadcast_in_dim3A_943 : f32 to vector<16xf32>
        %select_n3A_945 = arith.select %gt3A_942, %get3A_896, %broadcast_in_dim3A_944 : vector<16xi1>, vector<16xf32>
        %mul3A_946 = arith.constant 4 : i32
        %mul3A_947 = arith.muli %mul3A_946, %scan3A_69 : i32
        %swap3A_948 = arith.index_cast %mul3A_947 : i32 to index
        %swap3A_949 = arith.constant 144 : index
        %swap3A_950 = tpu.vector_load %arg4[%swap3A_948, %swap3A_949] {strides = array<i32>} : memref<224x224xf32, #tpu.memory_space<vmem>>, vector<1x16xf32>,
        %swap3A_951 = vector.shape_cast %swap3A_950 : vector<1x16xf32> to vector<16xf32>
        %swap3A_952 = vector.shape_cast %select_n3A_945 : vector<16xf32> to vector<1x16xf32>
        tpu.vector_store %arg4[%swap3A_948, %swap3A_949], %swap3A_952 {strides = array<i32>} : memref<224x224xf32, #tpu.memory_space<vmem>>, vector<1x16xf32>,
        %select_n3A_953 = arith.select %gt3A_942, %get3A_904, %broadcast_in_dim3A_944 : vector<16xi1>, vector<16xf32>
        %mul3A_954 = arith.constant 4 : i32
        %mul3A_955 = arith.muli %mul3A_954, %scan3A_69 : i32
        %add3A_956 = arith.constant 1 : i32
        %add3A_957 = arith.addi %mul3A_955, %add3A_956 : i32
        %swap3A_958 = arith.index_cast %add3A_957 : i32 to index
        %swap3A_959 = arith.constant 144 : index
        %swap3A_960 = tpu.vector_load %arg4[%swap3A_958, %swap3A_959] {strides = array<i32>} : memref<224x224xf32, #tpu.memory_space<vmem>>, vector<1x16xf32>,
        %swap3A_961 = vector.shape_cast %swap3A_960 : vector<1x16xf32> to vector<16xf32>
        %swap3A_962 = vector.shape_cast %select_n3A_953 : vector<16xf32> to vector<1x16xf32>
        tpu.vector_store %arg4[%swap3A_958, %swap3A_959], %swap3A_962 {strides = array<i32>} : memref<224x224xf32, #tpu.memory_space<vmem>>, vector<1x16xf32>,
        %select_n3A_963 = arith.select %gt3A_942, %get3A_912, %broadcast_in_dim3A_944 : vector<16xi1>, vector<16xf32>
        %mul3A_964 = arith.constant 4 : i32
        %mul3A_965 = arith.muli %mul3A_964, %scan3A_69 : i32
        %add3A_966 = arith.constant 2 : i32
        %add3A_967 = arith.addi %mul3A_965, %add3A_966 : i32
        %swap3A_968 = arith.index_cast %add3A_967 : i32 to index
        %swap3A_969 = arith.constant 144 : index
        %swap3A_970 = tpu.vector_load %arg4[%swap3A_968, %swap3A_969] {strides = array<i32>} : memref<224x224xf32, #tpu.memory_space<vmem>>, vector<1x16xf32>,
        %swap3A_971 = vector.shape_cast %swap3A_970 : vector<1x16xf32> to vector<16xf32>
        %swap3A_972 = vector.shape_cast %select_n3A_963 : vector<16xf32> to vector<1x16xf32>
        tpu.vector_store %arg4[%swap3A_968, %swap3A_969], %swap3A_972 {strides = array<i32>} : memref<224x224xf32, #tpu.memory_space<vmem>>, vector<1x16xf32>,
        %select_n3A_973 = arith.select %gt3A_942, %get3A_920, %broadcast_in_dim3A_944 : vector<16xi1>, vector<16xf32>
        %mul3A_974 = arith.constant 4 : i32
        %mul3A_975 = arith.muli %mul3A_974, %scan3A_69 : i32
        %add3A_976 = arith.constant 3 : i32
        %add3A_977 = arith.addi %mul3A_975, %add3A_976 : i32
        %swap3A_978 = arith.index_cast %add3A_977 : i32 to index
        %swap3A_979 = arith.constant 144 : index
        %swap3A_980 = tpu.vector_load %arg4[%swap3A_978, %swap3A_979] {strides = array<i32>} : memref<224x224xf32, #tpu.memory_space<vmem>>, vector<1x16xf32>,
        %swap3A_981 = vector.shape_cast %swap3A_980 : vector<1x16xf32> to vector<16xf32>
        %swap3A_982 = vector.shape_cast %select_n3A_973 : vector<16xf32> to vector<1x16xf32>
        tpu.vector_store %arg4[%swap3A_978, %swap3A_979], %swap3A_982 {strides = array<i32>} : memref<224x224xf32, #tpu.memory_space<vmem>>, vector<1x16xf32>,
        %mul3A_983 = arith.constant 4 : i32
        %mul3A_984 = arith.muli %mul3A_983, %scan3A_69 : i32
        %get3A_985 = arith.index_cast %mul3A_984 : i32 to index
        %get3A_986 = arith.constant 160 : index
        %get3A_987 = tpu.vector_load %arg4[%get3A_985, %get3A_986] {strides = array<i32>} : memref<224x224xf32, #tpu.memory_space<vmem>>, vector<1x16xf32>,
        %get3A_988 = vector.shape_cast %get3A_987 : vector<1x16xf32> to vector<16xf32>
        %mul3A_989 = arith.constant 4 : i32
        %mul3A_990 = arith.muli %mul3A_989, %scan3A_69 : i32
        %add3A_991 = arith.constant 1 : i32
        %add3A_992 = arith.addi %mul3A_990, %add3A_991 : i32
        %get3A_993 = arith.index_cast %add3A_992 : i32 to index
        %get3A_994 = arith.constant 160 : index
        %get3A_995 = tpu.vector_load %arg4[%get3A_993, %get3A_994] {strides = array<i32>} : memref<224x224xf32, #tpu.memory_space<vmem>>, vector<1x16xf32>,
        %get3A_996 = vector.shape_cast %get3A_995 : vector<1x16xf32> to vector<16xf32>
        %mul3A_997 = arith.constant 4 : i32
        %mul3A_998 = arith.muli %mul3A_997, %scan3A_69 : i32
        %add3A_999 = arith.constant 2 : i32
        %add3A_1000 = arith.addi %mul3A_998, %add3A_999 : i32
        %get3A_1001 = arith.index_cast %add3A_1000 : i32 to index
        %get3A_1002 = arith.constant 160 : index
        %get3A_1003 = tpu.vector_load %arg4[%get3A_1001, %get3A_1002] {strides = array<i32>} : memref<224x224xf32, #tpu.memory_space<vmem>>, vector<1x16xf32>,
        %get3A_1004 = vector.shape_cast %get3A_1003 : vector<1x16xf32> to vector<16xf32>
        %mul3A_1005 = arith.constant 4 : i32
        %mul3A_1006 = arith.muli %mul3A_1005, %scan3A_69 : i32
        %add3A_1007 = arith.constant 3 : i32
        %add3A_1008 = arith.addi %mul3A_1006, %add3A_1007 : i32
        %get3A_1009 = arith.index_cast %add3A_1008 : i32 to index
        %get3A_1010 = arith.constant 160 : index
        %get3A_1011 = tpu.vector_load %arg4[%get3A_1009, %get3A_1010] {strides = array<i32>} : memref<224x224xf32, #tpu.memory_space<vmem>>, vector<1x16xf32>,
        %get3A_1012 = vector.shape_cast %get3A_1011 : vector<1x16xf32> to vector<16xf32>
        %add3A_1013 = arith.addf %get3A_988, %get3A_996 : vector<16xf32>
        %add3A_1014 = arith.addf %get3A_1004, %get3A_1012 : vector<16xf32>
        %add3A_1015 = arith.addf %add3A_1013, %add3A_1014 : vector<16xf32>
        %iota3A_1016 = tpu.iota {dimensions = array<i32: 0>} : vector<16xi32>
        %xor3A_1017 = arith.constant 1 : i32
        %xor3A_1018 = vector.broadcast %xor3A_1017 : i32 to vector<16xi32>
        %xor3A_1019 = arith.xori %iota3A_1016, %xor3A_1018 : vector<16xi32>
        %broadcast_in_dim3A_1020 = vector.shape_cast %xor3A_1019 : vector<16xi32> to vector<16x1xi32>
        %gather3A_1021 = vector.shape_cast %broadcast_in_dim3A_1020 : vector<16x1xi32> to vector<16xi32>
        %gather3A_1022 = tpu.dynamic_gather %add3A_1015[%gather3A_1021] in [0] : vector<16xf32>, vector<16xi32> -> vector<16xf32>
        %add3A_1023 = arith.addf %add3A_1015, %gather3A_1022 : vector<16xf32>
        %iota3A_1024 = tpu.iota {dimensions = array<i32: 0>} : vector<16xi32>
        %xor3A_1025 = arith.constant 2 : i32
        %xor3A_1026 = vector.broadcast %xor3A_1025 : i32 to vector<16xi32>
        %xor3A_1027 = arith.xori %iota3A_1024, %xor3A_1026 : vector<16xi32>
        %broadcast_in_dim3A_1028 = vector.shape_cast %xor3A_1027 : vector<16xi32> to vector<16x1xi32>
        %gather3A_1029 = vector.shape_cast %broadcast_in_dim3A_1028 : vector<16x1xi32> to vector<16xi32>
        %gather3A_1030 = tpu.dynamic_gather %add3A_1023[%gather3A_1029] in [0] : vector<16xf32>, vector<16xi32> -> vector<16xf32>
        %add3A_1031 = arith.addf %add3A_1023, %gather3A_1030 : vector<16xf32>
        %gt3A_1032 = arith.constant 0.000000e+00 : f32
        %gt3A_1033 = vector.broadcast %gt3A_1032 : f32 to vector<16xf32>
        %gt3A_1034 = arith.cmpf ogt, %add3A_1031, %gt3A_1033 : vector<16xf32>
        %broadcast_in_dim3A_1035 = arith.constant 0.000000e+00 : f32
        %broadcast_in_dim3A_1036 = vector.broadcast %broadcast_in_dim3A_1035 : f32 to vector<16xf32>
        %select_n3A_1037 = arith.select %gt3A_1034, %get3A_988, %broadcast_in_dim3A_1036 : vector<16xi1>, vector<16xf32>
        %mul3A_1038 = arith.constant 4 : i32
        %mul3A_1039 = arith.muli %mul3A_1038, %scan3A_69 : i32
        %swap3A_1040 = arith.index_cast %mul3A_1039 : i32 to index
        %swap3A_1041 = arith.constant 160 : index
        %swap3A_1042 = tpu.vector_load %arg4[%swap3A_1040, %swap3A_1041] {strides = array<i32>} : memref<224x224xf32, #tpu.memory_space<vmem>>, vector<1x16xf32>,
        %swap3A_1043 = vector.shape_cast %swap3A_1042 : vector<1x16xf32> to vector<16xf32>
        %swap3A_1044 = vector.shape_cast %select_n3A_1037 : vector<16xf32> to vector<1x16xf32>
        tpu.vector_store %arg4[%swap3A_1040, %swap3A_1041], %swap3A_1044 {strides = array<i32>} : memref<224x224xf32, #tpu.memory_space<vmem>>, vector<1x16xf32>,
        %select_n3A_1045 = arith.select %gt3A_1034, %get3A_996, %broadcast_in_dim3A_1036 : vector<16xi1>, vector<16xf32>
        %mul3A_1046 = arith.constant 4 : i32
        %mul3A_1047 = arith.muli %mul3A_1046, %scan3A_69 : i32
        %add3A_1048 = arith.constant 1 : i32
        %add3A_1049 = arith.addi %mul3A_1047, %add3A_1048 : i32
        %swap3A_1050 = arith.index_cast %add3A_1049 : i32 to index
        %swap3A_1051 = arith.constant 160 : index
        %swap3A_1052 = tpu.vector_load %arg4[%swap3A_1050, %swap3A_1051] {strides = array<i32>} : memref<224x224xf32, #tpu.memory_space<vmem>>, vector<1x16xf32>,
        %swap3A_1053 = vector.shape_cast %swap3A_1052 : vector<1x16xf32> to vector<16xf32>
        %swap3A_1054 = vector.shape_cast %select_n3A_1045 : vector<16xf32> to vector<1x16xf32>
        tpu.vector_store %arg4[%swap3A_1050, %swap3A_1051], %swap3A_1054 {strides = array<i32>} : memref<224x224xf32, #tpu.memory_space<vmem>>, vector<1x16xf32>,
        %select_n3A_1055 = arith.select %gt3A_1034, %get3A_1004, %broadcast_in_dim3A_1036 : vector<16xi1>, vector<16xf32>
        %mul3A_1056 = arith.constant 4 : i32
        %mul3A_1057 = arith.muli %mul3A_1056, %scan3A_69 : i32
        %add3A_1058 = arith.constant 2 : i32
        %add3A_1059 = arith.addi %mul3A_1057, %add3A_1058 : i32
        %swap3A_1060 = arith.index_cast %add3A_1059 : i32 to index
        %swap3A_1061 = arith.constant 160 : index
        %swap3A_1062 = tpu.vector_load %arg4[%swap3A_1060, %swap3A_1061] {strides = array<i32>} : memref<224x224xf32, #tpu.memory_space<vmem>>, vector<1x16xf32>,
        %swap3A_1063 = vector.shape_cast %swap3A_1062 : vector<1x16xf32> to vector<16xf32>
        %swap3A_1064 = vector.shape_cast %select_n3A_1055 : vector<16xf32> to vector<1x16xf32>
        tpu.vector_store %arg4[%swap3A_1060, %swap3A_1061], %swap3A_1064 {strides = array<i32>} : memref<224x224xf32, #tpu.memory_space<vmem>>, vector<1x16xf32>,
        %select_n3A_1065 = arith.select %gt3A_1034, %get3A_1012, %broadcast_in_dim3A_1036 : vector<16xi1>, vector<16xf32>
        %mul3A_1066 = arith.constant 4 : i32
        %mul3A_1067 = arith.muli %mul3A_1066, %scan3A_69 : i32
        %add3A_1068 = arith.constant 3 : i32
        %add3A_1069 = arith.addi %mul3A_1067, %add3A_1068 : i32
        %swap3A_1070 = arith.index_cast %add3A_1069 : i32 to index
        %swap3A_1071 = arith.constant 160 : index
        %swap3A_1072 = tpu.vector_load %arg4[%swap3A_1070, %swap3A_1071] {strides = array<i32>} : memref<224x224xf32, #tpu.memory_space<vmem>>, vector<1x16xf32>,
        %swap3A_1073 = vector.shape_cast %swap3A_1072 : vector<1x16xf32> to vector<16xf32>
        %swap3A_1074 = vector.shape_cast %select_n3A_1065 : vector<16xf32> to vector<1x16xf32>
        tpu.vector_store %arg4[%swap3A_1070, %swap3A_1071], %swap3A_1074 {strides = array<i32>} : memref<224x224xf32, #tpu.memory_space<vmem>>, vector<1x16xf32>,
        %mul3A_1075 = arith.constant 4 : i32
        %mul3A_1076 = arith.muli %mul3A_1075, %scan3A_69 : i32
        %get3A_1077 = arith.index_cast %mul3A_1076 : i32 to index
        %get3A_1078 = arith.constant 176 : index
        %get3A_1079 = tpu.vector_load %arg4[%get3A_1077, %get3A_1078] {strides = array<i32>} : memref<224x224xf32, #tpu.memory_space<vmem>>, vector<1x16xf32>,
        %get3A_1080 = vector.shape_cast %get3A_1079 : vector<1x16xf32> to vector<16xf32>
        %mul3A_1081 = arith.constant 4 : i32
        %mul3A_1082 = arith.muli %mul3A_1081, %scan3A_69 : i32
        %add3A_1083 = arith.constant 1 : i32
        %add3A_1084 = arith.addi %mul3A_1082, %add3A_1083 : i32
        %get3A_1085 = arith.index_cast %add3A_1084 : i32 to index
        %get3A_1086 = arith.constant 176 : index
        %get3A_1087 = tpu.vector_load %arg4[%get3A_1085, %get3A_1086] {strides = array<i32>} : memref<224x224xf32, #tpu.memory_space<vmem>>, vector<1x16xf32>,
        %get3A_1088 = vector.shape_cast %get3A_1087 : vector<1x16xf32> to vector<16xf32>
        %mul3A_1089 = arith.constant 4 : i32
        %mul3A_1090 = arith.muli %mul3A_1089, %scan3A_69 : i32
        %add3A_1091 = arith.constant 2 : i32
        %add3A_1092 = arith.addi %mul3A_1090, %add3A_1091 : i32
        %get3A_1093 = arith.index_cast %add3A_1092 : i32 to index
        %get3A_1094 = arith.constant 176 : index
        %get3A_1095 = tpu.vector_load %arg4[%get3A_1093, %get3A_1094] {strides = array<i32>} : memref<224x224xf32, #tpu.memory_space<vmem>>, vector<1x16xf32>,
        %get3A_1096 = vector.shape_cast %get3A_1095 : vector<1x16xf32> to vector<16xf32>
        %mul3A_1097 = arith.constant 4 : i32
        %mul3A_1098 = arith.muli %mul3A_1097, %scan3A_69 : i32
        %add3A_1099 = arith.constant 3 : i32
        %add3A_1100 = arith.addi %mul3A_1098, %add3A_1099 : i32
        %get3A_1101 = arith.index_cast %add3A_1100 : i32 to index
        %get3A_1102 = arith.constant 176 : index
        %get3A_1103 = tpu.vector_load %arg4[%get3A_1101, %get3A_1102] {strides = array<i32>} : memref<224x224xf32, #tpu.memory_space<vmem>>, vector<1x16xf32>,
        %get3A_1104 = vector.shape_cast %get3A_1103 : vector<1x16xf32> to vector<16xf32>
        %add3A_1105 = arith.addf %get3A_1080, %get3A_1088 : vector<16xf32>
        %add3A_1106 = arith.addf %get3A_1096, %get3A_1104 : vector<16xf32>
        %add3A_1107 = arith.addf %add3A_1105, %add3A_1106 : vector<16xf32>
        %iota3A_1108 = tpu.iota {dimensions = array<i32: 0>} : vector<16xi32>
        %xor3A_1109 = arith.constant 1 : i32
        %xor3A_1110 = vector.broadcast %xor3A_1109 : i32 to vector<16xi32>
        %xor3A_1111 = arith.xori %iota3A_1108, %xor3A_1110 : vector<16xi32>
        %broadcast_in_dim3A_1112 = vector.shape_cast %xor3A_1111 : vector<16xi32> to vector<16x1xi32>
        %gather3A_1113 = vector.shape_cast %broadcast_in_dim3A_1112 : vector<16x1xi32> to vector<16xi32>
        %gather3A_1114 = tpu.dynamic_gather %add3A_1107[%gather3A_1113] in [0] : vector<16xf32>, vector<16xi32> -> vector<16xf32>
        %add3A_1115 = arith.addf %add3A_1107, %gather3A_1114 : vector<16xf32>
        %iota3A_1116 = tpu.iota {dimensions = array<i32: 0>} : vector<16xi32>
        %xor3A_1117 = arith.constant 2 : i32
        %xor3A_1118 = vector.broadcast %xor3A_1117 : i32 to vector<16xi32>
        %xor3A_1119 = arith.xori %iota3A_1116, %xor3A_1118 : vector<16xi32>
        %broadcast_in_dim3A_1120 = vector.shape_cast %xor3A_1119 : vector<16xi32> to vector<16x1xi32>
        %gather3A_1121 = vector.shape_cast %broadcast_in_dim3A_1120 : vector<16x1xi32> to vector<16xi32>
        %gather3A_1122 = tpu.dynamic_gather %add3A_1115[%gather3A_1121] in [0] : vector<16xf32>, vector<16xi32> -> vector<16xf32>
        %add3A_1123 = arith.addf %add3A_1115, %gather3A_1122 : vector<16xf32>
        %gt3A_1124 = arith.constant 0.000000e+00 : f32
        %gt3A_1125 = vector.broadcast %gt3A_1124 : f32 to vector<16xf32>
        %gt3A_1126 = arith.cmpf ogt, %add3A_1123, %gt3A_1125 : vector<16xf32>
        %broadcast_in_dim3A_1127 = arith.constant 0.000000e+00 : f32
        %broadcast_in_dim3A_1128 = vector.broadcast %broadcast_in_dim3A_1127 : f32 to vector<16xf32>
        %select_n3A_1129 = arith.select %gt3A_1126, %get3A_1080, %broadcast_in_dim3A_1128 : vector<16xi1>, vector<16xf32>
        %mul3A_1130 = arith.constant 4 : i32
        %mul3A_1131 = arith.muli %mul3A_1130, %scan3A_69 : i32
        %swap3A_1132 = arith.index_cast %mul3A_1131 : i32 to index
        %swap3A_1133 = arith.constant 176 : index
        %swap3A_1134 = tpu.vector_load %arg4[%swap3A_1132, %swap3A_1133] {strides = array<i32>} : memref<224x224xf32, #tpu.memory_space<vmem>>, vector<1x16xf32>,
        %swap3A_1135 = vector.shape_cast %swap3A_1134 : vector<1x16xf32> to vector<16xf32>
        %swap3A_1136 = vector.shape_cast %select_n3A_1129 : vector<16xf32> to vector<1x16xf32>
        tpu.vector_store %arg4[%swap3A_1132, %swap3A_1133], %swap3A_1136 {strides = array<i32>} : memref<224x224xf32, #tpu.memory_space<vmem>>, vector<1x16xf32>,
        %select_n3A_1137 = arith.select %gt3A_1126, %get3A_1088, %broadcast_in_dim3A_1128 : vector<16xi1>, vector<16xf32>
        %mul3A_1138 = arith.constant 4 : i32
        %mul3A_1139 = arith.muli %mul3A_1138, %scan3A_69 : i32
        %add3A_1140 = arith.constant 1 : i32
        %add3A_1141 = arith.addi %mul3A_1139, %add3A_1140 : i32
        %swap3A_1142 = arith.index_cast %add3A_1141 : i32 to index
        %swap3A_1143 = arith.constant 176 : index
        %swap3A_1144 = tpu.vector_load %arg4[%swap3A_1142, %swap3A_1143] {strides = array<i32>} : memref<224x224xf32, #tpu.memory_space<vmem>>, vector<1x16xf32>,
        %swap3A_1145 = vector.shape_cast %swap3A_1144 : vector<1x16xf32> to vector<16xf32>
        %swap3A_1146 = vector.shape_cast %select_n3A_1137 : vector<16xf32> to vector<1x16xf32>
        tpu.vector_store %arg4[%swap3A_1142, %swap3A_1143], %swap3A_1146 {strides = array<i32>} : memref<224x224xf32, #tpu.memory_space<vmem>>, vector<1x16xf32>,
        %select_n3A_1147 = arith.select %gt3A_1126, %get3A_1096, %broadcast_in_dim3A_1128 : vector<16xi1>, vector<16xf32>
        %mul3A_1148 = arith.constant 4 : i32
        %mul3A_1149 = arith.muli %mul3A_1148, %scan3A_69 : i32
        %add3A_1150 = arith.constant 2 : i32
        %add3A_1151 = arith.addi %mul3A_1149, %add3A_1150 : i32
        %swap3A_1152 = arith.index_cast %add3A_1151 : i32 to index
        %swap3A_1153 = arith.constant 176 : index
        %swap3A_1154 = tpu.vector_load %arg4[%swap3A_1152, %swap3A_1153] {strides = array<i32>} : memref<224x224xf32, #tpu.memory_space<vmem>>, vector<1x16xf32>,
        %swap3A_1155 = vector.shape_cast %swap3A_1154 : vector<1x16xf32> to vector<16xf32>
        %swap3A_1156 = vector.shape_cast %select_n3A_1147 : vector<16xf32> to vector<1x16xf32>
        tpu.vector_store %arg4[%swap3A_1152, %swap3A_1153], %swap3A_1156 {strides = array<i32>} : memref<224x224xf32, #tpu.memory_space<vmem>>, vector<1x16xf32>,
        %select_n3A_1157 = arith.select %gt3A_1126, %get3A_1104, %broadcast_in_dim3A_1128 : vector<16xi1>, vector<16xf32>
        %mul3A_1158 = arith.constant 4 : i32
        %mul3A_1159 = arith.muli %mul3A_1158, %scan3A_69 : i32
        %add3A_1160 = arith.constant 3 : i32
        %add3A_1161 = arith.addi %mul3A_1159, %add3A_1160 : i32
        %swap3A_1162 = arith.index_cast %add3A_1161 : i32 to index
        %swap3A_1163 = arith.constant 176 : index
        %swap3A_1164 = tpu.vector_load %arg4[%swap3A_1162, %swap3A_1163] {strides = array<i32>} : memref<224x224xf32, #tpu.memory_space<vmem>>, vector<1x16xf32>,
        %swap3A_1165 = vector.shape_cast %swap3A_1164 : vector<1x16xf32> to vector<16xf32>
        %swap3A_1166 = vector.shape_cast %select_n3A_1157 : vector<16xf32> to vector<1x16xf32>
        tpu.vector_store %arg4[%swap3A_1162, %swap3A_1163], %swap3A_1166 {strides = array<i32>} : memref<224x224xf32, #tpu.memory_space<vmem>>, vector<1x16xf32>,
        %mul3A_1167 = arith.constant 4 : i32
        %mul3A_1168 = arith.muli %mul3A_1167, %scan3A_69 : i32
        %get3A_1169 = arith.index_cast %mul3A_1168 : i32 to index
        %get3A_1170 = arith.constant 192 : index
        %get3A_1171 = tpu.vector_load %arg4[%get3A_1169, %get3A_1170] {strides = array<i32>} : memref<224x224xf32, #tpu.memory_space<vmem>>, vector<1x16xf32>,
        %get3A_1172 = vector.shape_cast %get3A_1171 : vector<1x16xf32> to vector<16xf32>
        %mul3A_1173 = arith.constant 4 : i32
        %mul3A_1174 = arith.muli %mul3A_1173, %scan3A_69 : i32
        %add3A_1175 = arith.constant 1 : i32
        %add3A_1176 = arith.addi %mul3A_1174, %add3A_1175 : i32
        %get3A_1177 = arith.index_cast %add3A_1176 : i32 to index
        %get3A_1178 = arith.constant 192 : index
        %get3A_1179 = tpu.vector_load %arg4[%get3A_1177, %get3A_1178] {strides = array<i32>} : memref<224x224xf32, #tpu.memory_space<vmem>>, vector<1x16xf32>,
        %get3A_1180 = vector.shape_cast %get3A_1179 : vector<1x16xf32> to vector<16xf32>
        %mul3A_1181 = arith.constant 4 : i32
        %mul3A_1182 = arith.muli %mul3A_1181, %scan3A_69 : i32
        %add3A_1183 = arith.constant 2 : i32
        %add3A_1184 = arith.addi %mul3A_1182, %add3A_1183 : i32
        %get3A_1185 = arith.index_cast %add3A_1184 : i32 to index
        %get3A_1186 = arith.constant 192 : index
        %get3A_1187 = tpu.vector_load %arg4[%get3A_1185, %get3A_1186] {strides = array<i32>} : memref<224x224xf32, #tpu.memory_space<vmem>>, vector<1x16xf32>,
        %get3A_1188 = vector.shape_cast %get3A_1187 : vector<1x16xf32> to vector<16xf32>
        %mul3A_1189 = arith.constant 4 : i32
        %mul3A_1190 = arith.muli %mul3A_1189, %scan3A_69 : i32
        %add3A_1191 = arith.constant 3 : i32
        %add3A_1192 = arith.addi %mul3A_1190, %add3A_1191 : i32
        %get3A_1193 = arith.index_cast %add3A_1192 : i32 to index
        %get3A_1194 = arith.constant 192 : index
        %get3A_1195 = tpu.vector_load %arg4[%get3A_1193, %get3A_1194] {strides = array<i32>} : memref<224x224xf32, #tpu.memory_space<vmem>>, vector<1x16xf32>,
        %get3A_1196 = vector.shape_cast %get3A_1195 : vector<1x16xf32> to vector<16xf32>
        %add3A_1197 = arith.addf %get3A_1172, %get3A_1180 : vector<16xf32>
        %add3A_1198 = arith.addf %get3A_1188, %get3A_1196 : vector<16xf32>
        %add3A_1199 = arith.addf %add3A_1197, %add3A_1198 : vector<16xf32>
        %iota3A_1200 = tpu.iota {dimensions = array<i32: 0>} : vector<16xi32>
        %xor3A_1201 = arith.constant 1 : i32
        %xor3A_1202 = vector.broadcast %xor3A_1201 : i32 to vector<16xi32>
        %xor3A_1203 = arith.xori %iota3A_1200, %xor3A_1202 : vector<16xi32>
        %broadcast_in_dim3A_1204 = vector.shape_cast %xor3A_1203 : vector<16xi32> to vector<16x1xi32>
        %gather3A_1205 = vector.shape_cast %broadcast_in_dim3A_1204 : vector<16x1xi32> to vector<16xi32>
        %gather3A_1206 = tpu.dynamic_gather %add3A_1199[%gather3A_1205] in [0] : vector<16xf32>, vector<16xi32> -> vector<16xf32>
        %add3A_1207 = arith.addf %add3A_1199, %gather3A_1206 : vector<16xf32>
        %iota3A_1208 = tpu.iota {dimensions = array<i32: 0>} : vector<16xi32>
        %xor3A_1209 = arith.constant 2 : i32
        %xor3A_1210 = vector.broadcast %xor3A_1209 : i32 to vector<16xi32>
        %xor3A_1211 = arith.xori %iota3A_1208, %xor3A_1210 : vector<16xi32>
        %broadcast_in_dim3A_1212 = vector.shape_cast %xor3A_1211 : vector<16xi32> to vector<16x1xi32>
        %gather3A_1213 = vector.shape_cast %broadcast_in_dim3A_1212 : vector<16x1xi32> to vector<16xi32>
        %gather3A_1214 = tpu.dynamic_gather %add3A_1207[%gather3A_1213] in [0] : vector<16xf32>, vector<16xi32> -> vector<16xf32>
        %add3A_1215 = arith.addf %add3A_1207, %gather3A_1214 : vector<16xf32>
        %gt3A_1216 = arith.constant 0.000000e+00 : f32
        %gt3A_1217 = vector.broadcast %gt3A_1216 : f32 to vector<16xf32>
        %gt3A_1218 = arith.cmpf ogt, %add3A_1215, %gt3A_1217 : vector<16xf32>
        %broadcast_in_dim3A_1219 = arith.constant 0.000000e+00 : f32
        %broadcast_in_dim3A_1220 = vector.broadcast %broadcast_in_dim3A_1219 : f32 to vector<16xf32>
        %select_n3A_1221 = arith.select %gt3A_1218, %get3A_1172, %broadcast_in_dim3A_1220 : vector<16xi1>, vector<16xf32>
        %mul3A_1222 = arith.constant 4 : i32
        %mul3A_1223 = arith.muli %mul3A_1222, %scan3A_69 : i32
        %swap3A_1224 = arith.index_cast %mul3A_1223 : i32 to index
        %swap3A_1225 = arith.constant 192 : index
        %swap3A_1226 = tpu.vector_load %arg4[%swap3A_1224, %swap3A_1225] {strides = array<i32>} : memref<224x224xf32, #tpu.memory_space<vmem>>, vector<1x16xf32>,
        %swap3A_1227 = vector.shape_cast %swap3A_1226 : vector<1x16xf32> to vector<16xf32>
        %swap3A_1228 = vector.shape_cast %select_n3A_1221 : vector<16xf32> to vector<1x16xf32>
        tpu.vector_store %arg4[%swap3A_1224, %swap3A_1225], %swap3A_1228 {strides = array<i32>} : memref<224x224xf32, #tpu.memory_space<vmem>>, vector<1x16xf32>,
        %select_n3A_1229 = arith.select %gt3A_1218, %get3A_1180, %broadcast_in_dim3A_1220 : vector<16xi1>, vector<16xf32>
        %mul3A_1230 = arith.constant 4 : i32
        %mul3A_1231 = arith.muli %mul3A_1230, %scan3A_69 : i32
        %add3A_1232 = arith.constant 1 : i32
        %add3A_1233 = arith.addi %mul3A_1231, %add3A_1232 : i32
        %swap3A_1234 = arith.index_cast %add3A_1233 : i32 to index
        %swap3A_1235 = arith.constant 192 : index
        %swap3A_1236 = tpu.vector_load %arg4[%swap3A_1234, %swap3A_1235] {strides = array<i32>} : memref<224x224xf32, #tpu.memory_space<vmem>>, vector<1x16xf32>,
        %swap3A_1237 = vector.shape_cast %swap3A_1236 : vector<1x16xf32> to vector<16xf32>
        %swap3A_1238 = vector.shape_cast %select_n3A_1229 : vector<16xf32> to vector<1x16xf32>
        tpu.vector_store %arg4[%swap3A_1234, %swap3A_1235], %swap3A_1238 {strides = array<i32>} : memref<224x224xf32, #tpu.memory_space<vmem>>, vector<1x16xf32>,
        %select_n3A_1239 = arith.select %gt3A_1218, %get3A_1188, %broadcast_in_dim3A_1220 : vector<16xi1>, vector<16xf32>
        %mul3A_1240 = arith.constant 4 : i32
        %mul3A_1241 = arith.muli %mul3A_1240, %scan3A_69 : i32
        %add3A_1242 = arith.constant 2 : i32
        %add3A_1243 = arith.addi %mul3A_1241, %add3A_1242 : i32
        %swap3A_1244 = arith.index_cast %add3A_1243 : i32 to index
        %swap3A_1245 = arith.constant 192 : index
        %swap3A_1246 = tpu.vector_load %arg4[%swap3A_1244, %swap3A_1245] {strides = array<i32>} : memref<224x224xf32, #tpu.memory_space<vmem>>, vector<1x16xf32>,
        %swap3A_1247 = vector.shape_cast %swap3A_1246 : vector<1x16xf32> to vector<16xf32>
        %swap3A_1248 = vector.shape_cast %select_n3A_1239 : vector<16xf32> to vector<1x16xf32>
        tpu.vector_store %arg4[%swap3A_1244, %swap3A_1245], %swap3A_1248 {strides = array<i32>} : memref<224x224xf32, #tpu.memory_space<vmem>>, vector<1x16xf32>,
        %select_n3A_1249 = arith.select %gt3A_1218, %get3A_1196, %broadcast_in_dim3A_1220 : vector<16xi1>, vector<16xf32>
        %mul3A_1250 = arith.constant 4 : i32
        %mul3A_1251 = arith.muli %mul3A_1250, %scan3A_69 : i32
        %add3A_1252 = arith.constant 3 : i32
        %add3A_1253 = arith.addi %mul3A_1251, %add3A_1252 : i32
        %swap3A_1254 = arith.index_cast %add3A_1253 : i32 to index
        %swap3A_1255 = arith.constant 192 : index
        %swap3A_1256 = tpu.vector_load %arg4[%swap3A_1254, %swap3A_1255] {strides = array<i32>} : memref<224x224xf32, #tpu.memory_space<vmem>>, vector<1x16xf32>,
        %swap3A_1257 = vector.shape_cast %swap3A_1256 : vector<1x16xf32> to vector<16xf32>
        %swap3A_1258 = vector.shape_cast %select_n3A_1249 : vector<16xf32> to vector<1x16xf32>
        tpu.vector_store %arg4[%swap3A_1254, %swap3A_1255], %swap3A_1258 {strides = array<i32>} : memref<224x224xf32, #tpu.memory_space<vmem>>, vector<1x16xf32>,
        %mul3A_1259 = arith.constant 4 : i32
        %mul3A_1260 = arith.muli %mul3A_1259, %scan3A_69 : i32
        %get3A_1261 = arith.index_cast %mul3A_1260 : i32 to index
        %get3A_1262 = arith.constant 208 : index
        %get3A_1263 = tpu.vector_load %arg4[%get3A_1261, %get3A_1262] {strides = array<i32>} : memref<224x224xf32, #tpu.memory_space<vmem>>, vector<1x16xf32>,
        %get3A_1264 = vector.shape_cast %get3A_1263 : vector<1x16xf32> to vector<16xf32>
        %mul3A_1265 = arith.constant 4 : i32
        %mul3A_1266 = arith.muli %mul3A_1265, %scan3A_69 : i32
        %add3A_1267 = arith.constant 1 : i32
        %add3A_1268 = arith.addi %mul3A_1266, %add3A_1267 : i32
        %get3A_1269 = arith.index_cast %add3A_1268 : i32 to index
        %get3A_1270 = arith.constant 208 : index
        %get3A_1271 = tpu.vector_load %arg4[%get3A_1269, %get3A_1270] {strides = array<i32>} : memref<224x224xf32, #tpu.memory_space<vmem>>, vector<1x16xf32>,
        %get3A_1272 = vector.shape_cast %get3A_1271 : vector<1x16xf32> to vector<16xf32>
        %mul3A_1273 = arith.constant 4 : i32
        %mul3A_1274 = arith.muli %mul3A_1273, %scan3A_69 : i32
        %add3A_1275 = arith.constant 2 : i32
        %add3A_1276 = arith.addi %mul3A_1274, %add3A_1275 : i32
        %get3A_1277 = arith.index_cast %add3A_1276 : i32 to index
        %get3A_1278 = arith.constant 208 : index
        %get3A_1279 = tpu.vector_load %arg4[%get3A_1277, %get3A_1278] {strides = array<i32>} : memref<224x224xf32, #tpu.memory_space<vmem>>, vector<1x16xf32>,
        %get3A_1280 = vector.shape_cast %get3A_1279 : vector<1x16xf32> to vector<16xf32>
        %mul3A_1281 = arith.constant 4 : i32
        %mul3A_1282 = arith.muli %mul3A_1281, %scan3A_69 : i32
        %add3A_1283 = arith.constant 3 : i32
        %add3A_1284 = arith.addi %mul3A_1282, %add3A_1283 : i32
        %get3A_1285 = arith.index_cast %add3A_1284 : i32 to index
        %get3A_1286 = arith.constant 208 : index
        %get3A_1287 = tpu.vector_load %arg4[%get3A_1285, %get3A_1286] {strides = array<i32>} : memref<224x224xf32, #tpu.memory_space<vmem>>, vector<1x16xf32>,
        %get3A_1288 = vector.shape_cast %get3A_1287 : vector<1x16xf32> to vector<16xf32>
        %add3A_1289 = arith.addf %get3A_1264, %get3A_1272 : vector<16xf32>
        %add3A_1290 = arith.addf %get3A_1280, %get3A_1288 : vector<16xf32>
        %add3A_1291 = arith.addf %add3A_1289, %add3A_1290 : vector<16xf32>
        %iota3A_1292 = tpu.iota {dimensions = array<i32: 0>} : vector<16xi32>
        %xor3A_1293 = arith.constant 1 : i32
        %xor3A_1294 = vector.broadcast %xor3A_1293 : i32 to vector<16xi32>
        %xor3A_1295 = arith.xori %iota3A_1292, %xor3A_1294 : vector<16xi32>
        %broadcast_in_dim3A_1296 = vector.shape_cast %xor3A_1295 : vector<16xi32> to vector<16x1xi32>
        %gather3A_1297 = vector.shape_cast %broadcast_in_dim3A_1296 : vector<16x1xi32> to vector<16xi32>
        %gather3A_1298 = tpu.dynamic_gather %add3A_1291[%gather3A_1297] in [0] : vector<16xf32>, vector<16xi32> -> vector<16xf32>
        %add3A_1299 = arith.addf %add3A_1291, %gather3A_1298 : vector<16xf32>
        %iota3A_1300 = tpu.iota {dimensions = array<i32: 0>} : vector<16xi32>
        %xor3A_1301 = arith.constant 2 : i32
        %xor3A_1302 = vector.broadcast %xor3A_1301 : i32 to vector<16xi32>
        %xor3A_1303 = arith.xori %iota3A_1300, %xor3A_1302 : vector<16xi32>
        %broadcast_in_dim3A_1304 = vector.shape_cast %xor3A_1303 : vector<16xi32> to vector<16x1xi32>
        %gather3A_1305 = vector.shape_cast %broadcast_in_dim3A_1304 : vector<16x1xi32> to vector<16xi32>
        %gather3A_1306 = tpu.dynamic_gather %add3A_1299[%gather3A_1305] in [0] : vector<16xf32>, vector<16xi32> -> vector<16xf32>
        %add3A_1307 = arith.addf %add3A_1299, %gather3A_1306 : vector<16xf32>
        %gt3A_1308 = arith.constant 0.000000e+00 : f32
        %gt3A_1309 = vector.broadcast %gt3A_1308 : f32 to vector<16xf32>
        %gt3A_1310 = arith.cmpf ogt, %add3A_1307, %gt3A_1309 : vector<16xf32>
        %broadcast_in_dim3A_1311 = arith.constant 0.000000e+00 : f32
        %broadcast_in_dim3A_1312 = vector.broadcast %broadcast_in_dim3A_1311 : f32 to vector<16xf32>
        %select_n3A_1313 = arith.select %gt3A_1310, %get3A_1264, %broadcast_in_dim3A_1312 : vector<16xi1>, vector<16xf32>
        %mul3A_1314 = arith.constant 4 : i32
        %mul3A_1315 = arith.muli %mul3A_1314, %scan3A_69 : i32
        %swap3A_1316 = arith.index_cast %mul3A_1315 : i32 to index
        %swap3A_1317 = arith.constant 208 : index
        %swap3A_1318 = tpu.vector_load %arg4[%swap3A_1316, %swap3A_1317] {strides = array<i32>} : memref<224x224xf32, #tpu.memory_space<vmem>>, vector<1x16xf32>,
        %swap3A_1319 = vector.shape_cast %swap3A_1318 : vector<1x16xf32> to vector<16xf32>
        %swap3A_1320 = vector.shape_cast %select_n3A_1313 : vector<16xf32> to vector<1x16xf32>
        tpu.vector_store %arg4[%swap3A_1316, %swap3A_1317], %swap3A_1320 {strides = array<i32>} : memref<224x224xf32, #tpu.memory_space<vmem>>, vector<1x16xf32>,
        %select_n3A_1321 = arith.select %gt3A_1310, %get3A_1272, %broadcast_in_dim3A_1312 : vector<16xi1>, vector<16xf32>
        %mul3A_1322 = arith.constant 4 : i32
        %mul3A_1323 = arith.muli %mul3A_1322, %scan3A_69 : i32
        %add3A_1324 = arith.constant 1 : i32
        %add3A_1325 = arith.addi %mul3A_1323, %add3A_1324 : i32
        %swap3A_1326 = arith.index_cast %add3A_1325 : i32 to index
        %swap3A_1327 = arith.constant 208 : index
        %swap3A_1328 = tpu.vector_load %arg4[%swap3A_1326, %swap3A_1327] {strides = array<i32>} : memref<224x224xf32, #tpu.memory_space<vmem>>, vector<1x16xf32>,
        %swap3A_1329 = vector.shape_cast %swap3A_1328 : vector<1x16xf32> to vector<16xf32>
        %swap3A_1330 = vector.shape_cast %select_n3A_1321 : vector<16xf32> to vector<1x16xf32>
        tpu.vector_store %arg4[%swap3A_1326, %swap3A_1327], %swap3A_1330 {strides = array<i32>} : memref<224x224xf32, #tpu.memory_space<vmem>>, vector<1x16xf32>,
        %select_n3A_1331 = arith.select %gt3A_1310, %get3A_1280, %broadcast_in_dim3A_1312 : vector<16xi1>, vector<16xf32>
        %mul3A_1332 = arith.constant 4 : i32
        %mul3A_1333 = arith.muli %mul3A_1332, %scan3A_69 : i32
        %add3A_1334 = arith.constant 2 : i32
        %add3A_1335 = arith.addi %mul3A_1333, %add3A_1334 : i32
        %swap3A_1336 = arith.index_cast %add3A_1335 : i32 to index
        %swap3A_1337 = arith.constant 208 : index
        %swap3A_1338 = tpu.vector_load %arg4[%swap3A_1336, %swap3A_1337] {strides = array<i32>} : memref<224x224xf32, #tpu.memory_space<vmem>>, vector<1x16xf32>,
        %swap3A_1339 = vector.shape_cast %swap3A_1338 : vector<1x16xf32> to vector<16xf32>
        %swap3A_1340 = vector.shape_cast %select_n3A_1331 : vector<16xf32> to vector<1x16xf32>
        tpu.vector_store %arg4[%swap3A_1336, %swap3A_1337], %swap3A_1340 {strides = array<i32>} : memref<224x224xf32, #tpu.memory_space<vmem>>, vector<1x16xf32>,
        %select_n3A_1341 = arith.select %gt3A_1310, %get3A_1288, %broadcast_in_dim3A_1312 : vector<16xi1>, vector<16xf32>
        %mul3A_1342 = arith.constant 4 : i32
        %mul3A_1343 = arith.muli %mul3A_1342, %scan3A_69 : i32
        %add3A_1344 = arith.constant 3 : i32
        %add3A_1345 = arith.addi %mul3A_1343, %add3A_1344 : i32
        %swap3A_1346 = arith.index_cast %add3A_1345 : i32 to index
        %swap3A_1347 = arith.constant 208 : index
        %swap3A_1348 = tpu.vector_load %arg4[%swap3A_1346, %swap3A_1347] {strides = array<i32>} : memref<224x224xf32, #tpu.memory_space<vmem>>, vector<1x16xf32>,
        %swap3A_1349 = vector.shape_cast %swap3A_1348 : vector<1x16xf32> to vector<16xf32>
        %swap3A_1350 = vector.shape_cast %select_n3A_1341 : vector<16xf32> to vector<1x16xf32>
        tpu.vector_store %arg4[%swap3A_1346, %swap3A_1347], %swap3A_1350 {strides = array<i32>} : memref<224x224xf32, #tpu.memory_space<vmem>>, vector<1x16xf32>,
      }
      %scan3A_68 = arith.constant 56 : i32
      "tpu.region"() ({
        %run_scoped3A = tpu.sem_alloc : memref<!tpu.dma_semaphore, #tpu.memory_space<semaphore_mem>>
        %dma_start3A = arith.constant 0 : i32
        %dma_start3A_69 = arith.constant 0 : i32
        %dma_start3A_70 = tpu.memref_slice %arg3[%add3A_62, %dma_start3A, %dma_start3A_69] : memref<768x224x224xf32, #tpu.memory_space<hbm>> -> memref<1x224x224xf32, #tpu.memory_space<hbm>>
        %dma_start3A_71 = tpu.memref_squeeze %dma_start3A_70 : memref<1x224x224xf32, #tpu.memory_space<hbm>> -> memref<224x224xf32, #tpu.memory_space<hbm>>
        %dma_start3A_72 = arith.constant 0 : i32
        %dma_start3A_73 = arith.constant 0 : i32
        %dma_start3A_74 = tpu.memref_slice %arg3[%add3A_62, %dma_start3A_72, %dma_start3A_73] : memref<768x224x224xf32, #tpu.memory_space<hbm>> -> memref<1x224x224xf32, #tpu.memory_space<hbm>>
        %dma_start3A_75 = tpu.memref_squeeze %dma_start3A_74 : memref<1x224x224xf32, #tpu.memory_space<hbm>> -> memref<224x224xf32, #tpu.memory_space<hbm>>
        tpu.enqueue_dma source(%arg4 : memref<224x224xf32, #tpu.memory_space<vmem>>) target(%dma_start3A_75 : memref<224x224xf32, #tpu.memory_space<hbm>>) target_semaphore(%run_scoped3A : memref<!tpu.dma_semaphore, #tpu.memory_space<semaphore_mem>>)
        %dma_wait3A = arith.constant 0 : i32
        %dma_wait3A_76 = arith.constant 0 : i32
        %dma_wait3A_77 = tpu.memref_slice %arg3[%add3A_62, %dma_wait3A, %dma_wait3A_76] : memref<768x224x224xf32, #tpu.memory_space<hbm>> -> memref<1x224x224xf32, #tpu.memory_space<hbm>>
        %dma_wait3A_78 = tpu.memref_squeeze %dma_wait3A_77 : memref<1x224x224xf32, #tpu.memory_space<hbm>> -> memref<224x224xf32, #tpu.memory_space<hbm>>
        %dma_wait3A_79 = arith.constant 0 : i32
        %dma_wait3A_80 = arith.constant 0 : i32
        %dma_wait3A_81 = tpu.memref_slice %arg3[%add3A_62, %dma_wait3A_79, %dma_wait3A_80] : memref<768x224x224xf32, #tpu.memory_space<hbm>> -> memref<1x224x224xf32, #tpu.memory_space<hbm>>
        %dma_wait3A_82 = tpu.memref_squeeze %dma_wait3A_81 : memref<1x224x224xf32, #tpu.memory_space<hbm>> -> memref<224x224xf32, #tpu.memory_space<hbm>>
        tpu.wait_dma2 semaphore(%run_scoped3A : memref<!tpu.dma_semaphore, #tpu.memory_space<semaphore_mem>>) src(%arg4 : memref<224x224xf32, #tpu.memory_space<vmem>>) dst(%dma_wait3A_82 : memref<224x224xf32, #tpu.memory_space<hbm>>)
        tpu.yield
      }) : () -> ()
    }
    %scan3A_11 = arith.constant 8 : i32
    %scan3A_12 = arith.constant 0 : i32
    %scan3A_13 = arith.constant 0 : i32
    %scan3A_14 = arith.constant 4 : i32
    %scan3A_15 = arith.addi %scan3A_13, %scan3A_14 : i32
    %scan3A_16 = arith.constant 1 : i32
    scf.for %scan3A_24 = %scan3A_13 to %scan3A_15 step %scan3A_16  : i32 {
      %mul3A_25 = arith.constant 4 : i32
      %mul3A_26 = arith.muli %add3A, %mul3A_25 : i32
      %add3A_27 = arith.addi %mul3A_26, %scan3A_24 : i32
      %jit3A = arith.constant 16 : i32
      %div3A = arith.divsi %add3A_27, %jit3A : i32
      %sign3A = arith.constant 0 : i32
      %sign3A_28 = arith.cmpi sgt, %add3A_27, %sign3A : i32
      %sign3A_29 = arith.extui %sign3A_28 : i1 to i32
      %sign3A_30 = arith.constant 0 : i32
      %sign3A_31 = arith.cmpi slt, %add3A_27, %sign3A_30 : i32
      %sign3A_32 = arith.extui %sign3A_31 : i1 to i32
      %sign3A_33 = arith.subi %sign3A_29, %sign3A_32 : i32
      %sign3A_34 = arith.constant 0 : i32
      %sign3A_35 = arith.cmpi sgt, %jit3A, %sign3A_34 : i32
      %sign3A_36 = arith.extui %sign3A_35 : i1 to i32
      %sign3A_37 = arith.constant 0 : i32
      %sign3A_38 = arith.cmpi slt, %jit3A, %sign3A_37 : i32
      %sign3A_39 = arith.extui %sign3A_38 : i1 to i32
      %sign3A_40 = arith.subi %sign3A_36, %sign3A_39 : i32
      %ne3A = arith.cmpi ne, %sign3A_33, %sign3A_40 : i32
      %rem3A = arith.remsi %add3A_27, %jit3A : i32
      %ne3A_41 = arith.constant 0 : i32
      %ne3A_42 = arith.cmpi ne, %rem3A, %ne3A_41 : i32
      %and3A = arith.andi %ne3A, %ne3A_42 : i1
      %sub3A = arith.constant 1 : i32
      %sub3A_43 = arith.subi %div3A, %sub3A : i32
      %select_n3A = arith.select %and3A, %sub3A_43, %div3A : i32
      %mul3A_44 = arith.constant 96 : i32
      %mul3A_45 = arith.muli %select_n3A, %mul3A_44 : i32
      %add3A_46 = arith.constant 64 : i32
      %add3A_47 = arith.addi %mul3A_45, %add3A_46 : i32
      %jit3A_48 = arith.constant 16 : i32
      %eq3A = arith.constant 0 : i32
      %eq3A_49 = arith.cmpi eq, %jit3A_48, %eq3A : i32
      %jit3A_50 = arith.constant 1 : i32
      %select_n3A_51 = arith.select %eq3A_49, %jit3A_50, %jit3A_48 : i32
      %rem3A_52 = arith.remsi %add3A_27, %select_n3A_51 : i32
      %ne3A_53 = arith.constant 0 : i32
      %ne3A_54 = arith.cmpi ne, %rem3A_52, %ne3A_53 : i32
      %lt3A = arith.constant 0 : i32
      %lt3A_55 = arith.cmpi slt, %rem3A_52, %lt3A : i32
      %lt3A_56 = arith.constant 0 : i32
      %lt3A_57 = arith.cmpi slt, %select_n3A_51, %lt3A_56 : i32
      %ne3A_58 = arith.xori %lt3A_55, %lt3A_57 : i1
      %and3A_59 = arith.andi %ne3A_58, %ne3A_54 : i1
      %add3A_60 = arith.addi %rem3A_52, %select_n3A_51 : i32
      %select_n3A_61 = arith.select %and3A_59, %add3A_60, %rem3A_52 : i32
      %add3A_62 = arith.addi %add3A_47, %select_n3A_61 : i32
      "tpu.region"() ({
        %run_scoped3A = tpu.sem_alloc : memref<!tpu.dma_semaphore, #tpu.memory_space<semaphore_mem>>
        %dma_start3A = arith.constant 0 : i32
        %dma_start3A_69 = arith.constant 0 : i32
        %dma_start3A_70 = tpu.memref_slice %arg2[%add3A_62, %dma_start3A, %dma_start3A_69] : memref<768x224x224xf32, #tpu.memory_space<hbm>> -> memref<1x224x224xf32, #tpu.memory_space<hbm>>
        %dma_start3A_71 = tpu.memref_squeeze %dma_start3A_70 : memref<1x224x224xf32, #tpu.memory_space<hbm>> -> memref<224x224xf32, #tpu.memory_space<hbm>>
        %dma_start3A_72 = arith.constant 0 : i32
        %dma_start3A_73 = arith.constant 0 : i32
        %dma_start3A_74 = tpu.memref_slice %arg2[%add3A_62, %dma_start3A_72, %dma_start3A_73] : memref<768x224x224xf32, #tpu.memory_space<hbm>> -> memref<1x224x224xf32, #tpu.memory_space<hbm>>
        %dma_start3A_75 = tpu.memref_squeeze %dma_start3A_74 : memref<1x224x224xf32, #tpu.memory_space<hbm>> -> memref<224x224xf32, #tpu.memory_space<hbm>>
        tpu.enqueue_dma source(%dma_start3A_75 : memref<224x224xf32, #tpu.memory_space<hbm>>) target(%arg4 : memref<224x224xf32, #tpu.memory_space<vmem>>) target_semaphore(%run_scoped3A : memref<!tpu.dma_semaphore, #tpu.memory_space<semaphore_mem>>)
        %dma_wait3A = arith.constant 0 : i32
        %dma_wait3A_76 = arith.constant 0 : i32
        %dma_wait3A_77 = tpu.memref_slice %arg2[%add3A_62, %dma_wait3A, %dma_wait3A_76] : memref<768x224x224xf32, #tpu.memory_space<hbm>> -> memref<1x224x224xf32, #tpu.memory_space<hbm>>
        %dma_wait3A_78 = tpu.memref_squeeze %dma_wait3A_77 : memref<1x224x224xf32, #tpu.memory_space<hbm>> -> memref<224x224xf32, #tpu.memory_space<hbm>>
        %dma_wait3A_79 = arith.constant 0 : i32
        %dma_wait3A_80 = arith.constant 0 : i32
        %dma_wait3A_81 = tpu.memref_slice %arg2[%add3A_62, %dma_wait3A_79, %dma_wait3A_80] : memref<768x224x224xf32, #tpu.memory_space<hbm>> -> memref<1x224x224xf32, #tpu.memory_space<hbm>>
        %dma_wait3A_82 = tpu.memref_squeeze %dma_wait3A_81 : memref<1x224x224xf32, #tpu.memory_space<hbm>> -> memref<224x224xf32, #tpu.memory_space<hbm>>
        tpu.wait_dma2 semaphore(%run_scoped3A : memref<!tpu.dma_semaphore, #tpu.memory_space<semaphore_mem>>) src(%dma_wait3A_82 : memref<224x224xf32, #tpu.memory_space<hbm>>) dst(%arg4 : memref<224x224xf32, #tpu.memory_space<vmem>>)
        tpu.yield
      }) : () -> ()
      %scan3A_63 = arith.constant 0 : i32
      %scan3A_64 = arith.constant 0 : i32
      %scan3A_65 = arith.constant 224 : i32
      %scan3A_66 = arith.addi %scan3A_64, %scan3A_65 : i32
      %scan3A_67 = arith.constant 1 : i32
      scf.for %scan3A_69 = %scan3A_64 to %scan3A_66 step %scan3A_67  : i32 {
        %get3A = arith.index_cast %scan3A_69 : i32 to index
        %get3A_70 = arith.constant 0 : index
        %get3A_71 = tpu.vector_load %arg4[%get3A, %get3A_70] {strides = array<i32>} : memref<224x224xf32, #tpu.memory_space<vmem>>, vector<1x16xf32>,
        %get3A_72 = vector.shape_cast %get3A_71 : vector<1x16xf32> to vector<16xf32>
        %iota3A = tpu.iota {dimensions = array<i32: 0>} : vector<16xi32>
        %xor3A = arith.constant 1 : i32
        %xor3A_73 = vector.broadcast %xor3A : i32 to vector<16xi32>
        %xor3A_74 = arith.xori %iota3A, %xor3A_73 : vector<16xi32>
        %broadcast_in_dim3A = vector.shape_cast %xor3A_74 : vector<16xi32> to vector<16x1xi32>
        %gather3A = vector.shape_cast %broadcast_in_dim3A : vector<16x1xi32> to vector<16xi32>
        %gather3A_75 = tpu.dynamic_gather %get3A_72[%gather3A] in [0] : vector<16xf32>, vector<16xi32> -> vector<16xf32>
        %add3A_76 = arith.addf %get3A_72, %gather3A_75 : vector<16xf32>
        %broadcast_in_dim3A_77 = arith.constant 0.000000e+00 : f32
        %broadcast_in_dim3A_78 = vector.broadcast %broadcast_in_dim3A_77 : f32 to vector<16xf32>
        %gt3A = arith.constant 0.000000e+00 : f32
        %gt3A_79 = vector.broadcast %gt3A : f32 to vector<16xf32>
        %gt3A_80 = arith.cmpf ogt, %add3A_76, %gt3A_79 : vector<16xf32>
        %select_n3A_81 = arith.select %gt3A_80, %get3A_72, %broadcast_in_dim3A_78 : vector<16xi1>, vector<16xf32>
        %swap3A = arith.index_cast %scan3A_69 : i32 to index
        %swap3A_82 = arith.constant 0 : index
        %swap3A_83 = tpu.vector_load %arg4[%swap3A, %swap3A_82] {strides = array<i32>} : memref<224x224xf32, #tpu.memory_space<vmem>>, vector<1x16xf32>,
        %swap3A_84 = vector.shape_cast %swap3A_83 : vector<1x16xf32> to vector<16xf32>
        %swap3A_85 = vector.shape_cast %select_n3A_81 : vector<16xf32> to vector<1x16xf32>
        tpu.vector_store %arg4[%swap3A, %swap3A_82], %swap3A_85 {strides = array<i32>} : memref<224x224xf32, #tpu.memory_space<vmem>>, vector<1x16xf32>,
        %get3A_86 = arith.index_cast %scan3A_69 : i32 to index
        %get3A_87 = arith.constant 16 : index
        %get3A_88 = tpu.vector_load %arg4[%get3A_86, %get3A_87] {strides = array<i32>} : memref<224x224xf32, #tpu.memory_space<vmem>>, vector<1x16xf32>,
        %get3A_89 = vector.shape_cast %get3A_88 : vector<1x16xf32> to vector<16xf32>
        %iota3A_90 = tpu.iota {dimensions = array<i32: 0>} : vector<16xi32>
        %xor3A_91 = arith.constant 1 : i32
        %xor3A_92 = vector.broadcast %xor3A_91 : i32 to vector<16xi32>
        %xor3A_93 = arith.xori %iota3A_90, %xor3A_92 : vector<16xi32>
        %broadcast_in_dim3A_94 = vector.shape_cast %xor3A_93 : vector<16xi32> to vector<16x1xi32>
        %gather3A_95 = vector.shape_cast %broadcast_in_dim3A_94 : vector<16x1xi32> to vector<16xi32>
        %gather3A_96 = tpu.dynamic_gather %get3A_89[%gather3A_95] in [0] : vector<16xf32>, vector<16xi32> -> vector<16xf32>
        %add3A_97 = arith.addf %get3A_89, %gather3A_96 : vector<16xf32>
        %broadcast_in_dim3A_98 = arith.constant 0.000000e+00 : f32
        %broadcast_in_dim3A_99 = vector.broadcast %broadcast_in_dim3A_98 : f32 to vector<16xf32>
        %gt3A_100 = arith.constant 0.000000e+00 : f32
        %gt3A_101 = vector.broadcast %gt3A_100 : f32 to vector<16xf32>
        %gt3A_102 = arith.cmpf ogt, %add3A_97, %gt3A_101 : vector<16xf32>
        %select_n3A_103 = arith.select %gt3A_102, %get3A_89, %broadcast_in_dim3A_99 : vector<16xi1>, vector<16xf32>
        %swap3A_104 = arith.index_cast %scan3A_69 : i32 to index
        %swap3A_105 = arith.constant 16 : index
        %swap3A_106 = tpu.vector_load %arg4[%swap3A_104, %swap3A_105] {strides = array<i32>} : memref<224x224xf32, #tpu.memory_space<vmem>>, vector<1x16xf32>,
        %swap3A_107 = vector.shape_cast %swap3A_106 : vector<1x16xf32> to vector<16xf32>
        %swap3A_108 = vector.shape_cast %select_n3A_103 : vector<16xf32> to vector<1x16xf32>
        tpu.vector_store %arg4[%swap3A_104, %swap3A_105], %swap3A_108 {strides = array<i32>} : memref<224x224xf32, #tpu.memory_space<vmem>>, vector<1x16xf32>,
        %get3A_109 = arith.index_cast %scan3A_69 : i32 to index
        %get3A_110 = arith.constant 32 : index
        %get3A_111 = tpu.vector_load %arg4[%get3A_109, %get3A_110] {strides = array<i32>} : memref<224x224xf32, #tpu.memory_space<vmem>>, vector<1x16xf32>,
        %get3A_112 = vector.shape_cast %get3A_111 : vector<1x16xf32> to vector<16xf32>
        %iota3A_113 = tpu.iota {dimensions = array<i32: 0>} : vector<16xi32>
        %xor3A_114 = arith.constant 1 : i32
        %xor3A_115 = vector.broadcast %xor3A_114 : i32 to vector<16xi32>
        %xor3A_116 = arith.xori %iota3A_113, %xor3A_115 : vector<16xi32>
        %broadcast_in_dim3A_117 = vector.shape_cast %xor3A_116 : vector<16xi32> to vector<16x1xi32>
        %gather3A_118 = vector.shape_cast %broadcast_in_dim3A_117 : vector<16x1xi32> to vector<16xi32>
        %gather3A_119 = tpu.dynamic_gather %get3A_112[%gather3A_118] in [0] : vector<16xf32>, vector<16xi32> -> vector<16xf32>
        %add3A_120 = arith.addf %get3A_112, %gather3A_119 : vector<16xf32>
        %broadcast_in_dim3A_121 = arith.constant 0.000000e+00 : f32
        %broadcast_in_dim3A_122 = vector.broadcast %broadcast_in_dim3A_121 : f32 to vector<16xf32>
        %gt3A_123 = arith.constant 0.000000e+00 : f32
        %gt3A_124 = vector.broadcast %gt3A_123 : f32 to vector<16xf32>
        %gt3A_125 = arith.cmpf ogt, %add3A_120, %gt3A_124 : vector<16xf32>
        %select_n3A_126 = arith.select %gt3A_125, %get3A_112, %broadcast_in_dim3A_122 : vector<16xi1>, vector<16xf32>
        %swap3A_127 = arith.index_cast %scan3A_69 : i32 to index
        %swap3A_128 = arith.constant 32 : index
        %swap3A_129 = tpu.vector_load %arg4[%swap3A_127, %swap3A_128] {strides = array<i32>} : memref<224x224xf32, #tpu.memory_space<vmem>>, vector<1x16xf32>,
        %swap3A_130 = vector.shape_cast %swap3A_129 : vector<1x16xf32> to vector<16xf32>
        %swap3A_131 = vector.shape_cast %select_n3A_126 : vector<16xf32> to vector<1x16xf32>
        tpu.vector_store %arg4[%swap3A_127, %swap3A_128], %swap3A_131 {strides = array<i32>} : memref<224x224xf32, #tpu.memory_space<vmem>>, vector<1x16xf32>,
        %get3A_132 = arith.index_cast %scan3A_69 : i32 to index
        %get3A_133 = arith.constant 48 : index
        %get3A_134 = tpu.vector_load %arg4[%get3A_132, %get3A_133] {strides = array<i32>} : memref<224x224xf32, #tpu.memory_space<vmem>>, vector<1x16xf32>,
        %get3A_135 = vector.shape_cast %get3A_134 : vector<1x16xf32> to vector<16xf32>
        %iota3A_136 = tpu.iota {dimensions = array<i32: 0>} : vector<16xi32>
        %xor3A_137 = arith.constant 1 : i32
        %xor3A_138 = vector.broadcast %xor3A_137 : i32 to vector<16xi32>
        %xor3A_139 = arith.xori %iota3A_136, %xor3A_138 : vector<16xi32>
        %broadcast_in_dim3A_140 = vector.shape_cast %xor3A_139 : vector<16xi32> to vector<16x1xi32>
        %gather3A_141 = vector.shape_cast %broadcast_in_dim3A_140 : vector<16x1xi32> to vector<16xi32>
        %gather3A_142 = tpu.dynamic_gather %get3A_135[%gather3A_141] in [0] : vector<16xf32>, vector<16xi32> -> vector<16xf32>
        %add3A_143 = arith.addf %get3A_135, %gather3A_142 : vector<16xf32>
        %broadcast_in_dim3A_144 = arith.constant 0.000000e+00 : f32
        %broadcast_in_dim3A_145 = vector.broadcast %broadcast_in_dim3A_144 : f32 to vector<16xf32>
        %gt3A_146 = arith.constant 0.000000e+00 : f32
        %gt3A_147 = vector.broadcast %gt3A_146 : f32 to vector<16xf32>
        %gt3A_148 = arith.cmpf ogt, %add3A_143, %gt3A_147 : vector<16xf32>
        %select_n3A_149 = arith.select %gt3A_148, %get3A_135, %broadcast_in_dim3A_145 : vector<16xi1>, vector<16xf32>
        %swap3A_150 = arith.index_cast %scan3A_69 : i32 to index
        %swap3A_151 = arith.constant 48 : index
        %swap3A_152 = tpu.vector_load %arg4[%swap3A_150, %swap3A_151] {strides = array<i32>} : memref<224x224xf32, #tpu.memory_space<vmem>>, vector<1x16xf32>,
        %swap3A_153 = vector.shape_cast %swap3A_152 : vector<1x16xf32> to vector<16xf32>
        %swap3A_154 = vector.shape_cast %select_n3A_149 : vector<16xf32> to vector<1x16xf32>
        tpu.vector_store %arg4[%swap3A_150, %swap3A_151], %swap3A_154 {strides = array<i32>} : memref<224x224xf32, #tpu.memory_space<vmem>>, vector<1x16xf32>,
        %get3A_155 = arith.index_cast %scan3A_69 : i32 to index
        %get3A_156 = arith.constant 64 : index
        %get3A_157 = tpu.vector_load %arg4[%get3A_155, %get3A_156] {strides = array<i32>} : memref<224x224xf32, #tpu.memory_space<vmem>>, vector<1x16xf32>,
        %get3A_158 = vector.shape_cast %get3A_157 : vector<1x16xf32> to vector<16xf32>
        %iota3A_159 = tpu.iota {dimensions = array<i32: 0>} : vector<16xi32>
        %xor3A_160 = arith.constant 1 : i32
        %xor3A_161 = vector.broadcast %xor3A_160 : i32 to vector<16xi32>
        %xor3A_162 = arith.xori %iota3A_159, %xor3A_161 : vector<16xi32>
        %broadcast_in_dim3A_163 = vector.shape_cast %xor3A_162 : vector<16xi32> to vector<16x1xi32>
        %gather3A_164 = vector.shape_cast %broadcast_in_dim3A_163 : vector<16x1xi32> to vector<16xi32>
        %gather3A_165 = tpu.dynamic_gather %get3A_158[%gather3A_164] in [0] : vector<16xf32>, vector<16xi32> -> vector<16xf32>
        %add3A_166 = arith.addf %get3A_158, %gather3A_165 : vector<16xf32>
        %broadcast_in_dim3A_167 = arith.constant 0.000000e+00 : f32
        %broadcast_in_dim3A_168 = vector.broadcast %broadcast_in_dim3A_167 : f32 to vector<16xf32>
        %gt3A_169 = arith.constant 0.000000e+00 : f32
        %gt3A_170 = vector.broadcast %gt3A_169 : f32 to vector<16xf32>
        %gt3A_171 = arith.cmpf ogt, %add3A_166, %gt3A_170 : vector<16xf32>
        %select_n3A_172 = arith.select %gt3A_171, %get3A_158, %broadcast_in_dim3A_168 : vector<16xi1>, vector<16xf32>
        %swap3A_173 = arith.index_cast %scan3A_69 : i32 to index
        %swap3A_174 = arith.constant 64 : index
        %swap3A_175 = tpu.vector_load %arg4[%swap3A_173, %swap3A_174] {strides = array<i32>} : memref<224x224xf32, #tpu.memory_space<vmem>>, vector<1x16xf32>,
        %swap3A_176 = vector.shape_cast %swap3A_175 : vector<1x16xf32> to vector<16xf32>
        %swap3A_177 = vector.shape_cast %select_n3A_172 : vector<16xf32> to vector<1x16xf32>
        tpu.vector_store %arg4[%swap3A_173, %swap3A_174], %swap3A_177 {strides = array<i32>} : memref<224x224xf32, #tpu.memory_space<vmem>>, vector<1x16xf32>,
        %get3A_178 = arith.index_cast %scan3A_69 : i32 to index
        %get3A_179 = arith.constant 80 : index
        %get3A_180 = tpu.vector_load %arg4[%get3A_178, %get3A_179] {strides = array<i32>} : memref<224x224xf32, #tpu.memory_space<vmem>>, vector<1x16xf32>,
        %get3A_181 = vector.shape_cast %get3A_180 : vector<1x16xf32> to vector<16xf32>
        %iota3A_182 = tpu.iota {dimensions = array<i32: 0>} : vector<16xi32>
        %xor3A_183 = arith.constant 1 : i32
        %xor3A_184 = vector.broadcast %xor3A_183 : i32 to vector<16xi32>
        %xor3A_185 = arith.xori %iota3A_182, %xor3A_184 : vector<16xi32>
        %broadcast_in_dim3A_186 = vector.shape_cast %xor3A_185 : vector<16xi32> to vector<16x1xi32>
        %gather3A_187 = vector.shape_cast %broadcast_in_dim3A_186 : vector<16x1xi32> to vector<16xi32>
        %gather3A_188 = tpu.dynamic_gather %get3A_181[%gather3A_187] in [0] : vector<16xf32>, vector<16xi32> -> vector<16xf32>
        %add3A_189 = arith.addf %get3A_181, %gather3A_188 : vector<16xf32>
        %broadcast_in_dim3A_190 = arith.constant 0.000000e+00 : f32
        %broadcast_in_dim3A_191 = vector.broadcast %broadcast_in_dim3A_190 : f32 to vector<16xf32>
        %gt3A_192 = arith.constant 0.000000e+00 : f32
        %gt3A_193 = vector.broadcast %gt3A_192 : f32 to vector<16xf32>
        %gt3A_194 = arith.cmpf ogt, %add3A_189, %gt3A_193 : vector<16xf32>
        %select_n3A_195 = arith.select %gt3A_194, %get3A_181, %broadcast_in_dim3A_191 : vector<16xi1>, vector<16xf32>
        %swap3A_196 = arith.index_cast %scan3A_69 : i32 to index
        %swap3A_197 = arith.constant 80 : index
        %swap3A_198 = tpu.vector_load %arg4[%swap3A_196, %swap3A_197] {strides = array<i32>} : memref<224x224xf32, #tpu.memory_space<vmem>>, vector<1x16xf32>,
        %swap3A_199 = vector.shape_cast %swap3A_198 : vector<1x16xf32> to vector<16xf32>
        %swap3A_200 = vector.shape_cast %select_n3A_195 : vector<16xf32> to vector<1x16xf32>
        tpu.vector_store %arg4[%swap3A_196, %swap3A_197], %swap3A_200 {strides = array<i32>} : memref<224x224xf32, #tpu.memory_space<vmem>>, vector<1x16xf32>,
        %get3A_201 = arith.index_cast %scan3A_69 : i32 to index
        %get3A_202 = arith.constant 96 : index
        %get3A_203 = tpu.vector_load %arg4[%get3A_201, %get3A_202] {strides = array<i32>} : memref<224x224xf32, #tpu.memory_space<vmem>>, vector<1x16xf32>,
        %get3A_204 = vector.shape_cast %get3A_203 : vector<1x16xf32> to vector<16xf32>
        %iota3A_205 = tpu.iota {dimensions = array<i32: 0>} : vector<16xi32>
        %xor3A_206 = arith.constant 1 : i32
        %xor3A_207 = vector.broadcast %xor3A_206 : i32 to vector<16xi32>
        %xor3A_208 = arith.xori %iota3A_205, %xor3A_207 : vector<16xi32>
        %broadcast_in_dim3A_209 = vector.shape_cast %xor3A_208 : vector<16xi32> to vector<16x1xi32>
        %gather3A_210 = vector.shape_cast %broadcast_in_dim3A_209 : vector<16x1xi32> to vector<16xi32>
        %gather3A_211 = tpu.dynamic_gather %get3A_204[%gather3A_210] in [0] : vector<16xf32>, vector<16xi32> -> vector<16xf32>
        %add3A_212 = arith.addf %get3A_204, %gather3A_211 : vector<16xf32>
        %broadcast_in_dim3A_213 = arith.constant 0.000000e+00 : f32
        %broadcast_in_dim3A_214 = vector.broadcast %broadcast_in_dim3A_213 : f32 to vector<16xf32>
        %gt3A_215 = arith.constant 0.000000e+00 : f32
        %gt3A_216 = vector.broadcast %gt3A_215 : f32 to vector<16xf32>
        %gt3A_217 = arith.cmpf ogt, %add3A_212, %gt3A_216 : vector<16xf32>
        %select_n3A_218 = arith.select %gt3A_217, %get3A_204, %broadcast_in_dim3A_214 : vector<16xi1>, vector<16xf32>
        %swap3A_219 = arith.index_cast %scan3A_69 : i32 to index
        %swap3A_220 = arith.constant 96 : index
        %swap3A_221 = tpu.vector_load %arg4[%swap3A_219, %swap3A_220] {strides = array<i32>} : memref<224x224xf32, #tpu.memory_space<vmem>>, vector<1x16xf32>,
        %swap3A_222 = vector.shape_cast %swap3A_221 : vector<1x16xf32> to vector<16xf32>
        %swap3A_223 = vector.shape_cast %select_n3A_218 : vector<16xf32> to vector<1x16xf32>
        tpu.vector_store %arg4[%swap3A_219, %swap3A_220], %swap3A_223 {strides = array<i32>} : memref<224x224xf32, #tpu.memory_space<vmem>>, vector<1x16xf32>,
        %get3A_224 = arith.index_cast %scan3A_69 : i32 to index
        %get3A_225 = arith.constant 112 : index
        %get3A_226 = tpu.vector_load %arg4[%get3A_224, %get3A_225] {strides = array<i32>} : memref<224x224xf32, #tpu.memory_space<vmem>>, vector<1x16xf32>,
        %get3A_227 = vector.shape_cast %get3A_226 : vector<1x16xf32> to vector<16xf32>
        %iota3A_228 = tpu.iota {dimensions = array<i32: 0>} : vector<16xi32>
        %xor3A_229 = arith.constant 1 : i32
        %xor3A_230 = vector.broadcast %xor3A_229 : i32 to vector<16xi32>
        %xor3A_231 = arith.xori %iota3A_228, %xor3A_230 : vector<16xi32>
        %broadcast_in_dim3A_232 = vector.shape_cast %xor3A_231 : vector<16xi32> to vector<16x1xi32>
        %gather3A_233 = vector.shape_cast %broadcast_in_dim3A_232 : vector<16x1xi32> to vector<16xi32>
        %gather3A_234 = tpu.dynamic_gather %get3A_227[%gather3A_233] in [0] : vector<16xf32>, vector<16xi32> -> vector<16xf32>
        %add3A_235 = arith.addf %get3A_227, %gather3A_234 : vector<16xf32>
        %broadcast_in_dim3A_236 = arith.constant 0.000000e+00 : f32
        %broadcast_in_dim3A_237 = vector.broadcast %broadcast_in_dim3A_236 : f32 to vector<16xf32>
        %gt3A_238 = arith.constant 0.000000e+00 : f32
        %gt3A_239 = vector.broadcast %gt3A_238 : f32 to vector<16xf32>
        %gt3A_240 = arith.cmpf ogt, %add3A_235, %gt3A_239 : vector<16xf32>
        %select_n3A_241 = arith.select %gt3A_240, %get3A_227, %broadcast_in_dim3A_237 : vector<16xi1>, vector<16xf32>
        %swap3A_242 = arith.index_cast %scan3A_69 : i32 to index
        %swap3A_243 = arith.constant 112 : index
        %swap3A_244 = tpu.vector_load %arg4[%swap3A_242, %swap3A_243] {strides = array<i32>} : memref<224x224xf32, #tpu.memory_space<vmem>>, vector<1x16xf32>,
        %swap3A_245 = vector.shape_cast %swap3A_244 : vector<1x16xf32> to vector<16xf32>
        %swap3A_246 = vector.shape_cast %select_n3A_241 : vector<16xf32> to vector<1x16xf32>
        tpu.vector_store %arg4[%swap3A_242, %swap3A_243], %swap3A_246 {strides = array<i32>} : memref<224x224xf32, #tpu.memory_space<vmem>>, vector<1x16xf32>,
        %get3A_247 = arith.index_cast %scan3A_69 : i32 to index
        %get3A_248 = arith.constant 128 : index
        %get3A_249 = tpu.vector_load %arg4[%get3A_247, %get3A_248] {strides = array<i32>} : memref<224x224xf32, #tpu.memory_space<vmem>>, vector<1x16xf32>,
        %get3A_250 = vector.shape_cast %get3A_249 : vector<1x16xf32> to vector<16xf32>
        %iota3A_251 = tpu.iota {dimensions = array<i32: 0>} : vector<16xi32>
        %xor3A_252 = arith.constant 1 : i32
        %xor3A_253 = vector.broadcast %xor3A_252 : i32 to vector<16xi32>
        %xor3A_254 = arith.xori %iota3A_251, %xor3A_253 : vector<16xi32>
        %broadcast_in_dim3A_255 = vector.shape_cast %xor3A_254 : vector<16xi32> to vector<16x1xi32>
        %gather3A_256 = vector.shape_cast %broadcast_in_dim3A_255 : vector<16x1xi32> to vector<16xi32>
        %gather3A_257 = tpu.dynamic_gather %get3A_250[%gather3A_256] in [0] : vector<16xf32>, vector<16xi32> -> vector<16xf32>
        %add3A_258 = arith.addf %get3A_250, %gather3A_257 : vector<16xf32>
        %broadcast_in_dim3A_259 = arith.constant 0.000000e+00 : f32
        %broadcast_in_dim3A_260 = vector.broadcast %broadcast_in_dim3A_259 : f32 to vector<16xf32>
        %gt3A_261 = arith.constant 0.000000e+00 : f32
        %gt3A_262 = vector.broadcast %gt3A_261 : f32 to vector<16xf32>
        %gt3A_263 = arith.cmpf ogt, %add3A_258, %gt3A_262 : vector<16xf32>
        %select_n3A_264 = arith.select %gt3A_263, %get3A_250, %broadcast_in_dim3A_260 : vector<16xi1>, vector<16xf32>
        %swap3A_265 = arith.index_cast %scan3A_69 : i32 to index
        %swap3A_266 = arith.constant 128 : index
        %swap3A_267 = tpu.vector_load %arg4[%swap3A_265, %swap3A_266] {strides = array<i32>} : memref<224x224xf32, #tpu.memory_space<vmem>>, vector<1x16xf32>,
        %swap3A_268 = vector.shape_cast %swap3A_267 : vector<1x16xf32> to vector<16xf32>
        %swap3A_269 = vector.shape_cast %select_n3A_264 : vector<16xf32> to vector<1x16xf32>
        tpu.vector_store %arg4[%swap3A_265, %swap3A_266], %swap3A_269 {strides = array<i32>} : memref<224x224xf32, #tpu.memory_space<vmem>>, vector<1x16xf32>,
        %get3A_270 = arith.index_cast %scan3A_69 : i32 to index
        %get3A_271 = arith.constant 144 : index
        %get3A_272 = tpu.vector_load %arg4[%get3A_270, %get3A_271] {strides = array<i32>} : memref<224x224xf32, #tpu.memory_space<vmem>>, vector<1x16xf32>,
        %get3A_273 = vector.shape_cast %get3A_272 : vector<1x16xf32> to vector<16xf32>
        %iota3A_274 = tpu.iota {dimensions = array<i32: 0>} : vector<16xi32>
        %xor3A_275 = arith.constant 1 : i32
        %xor3A_276 = vector.broadcast %xor3A_275 : i32 to vector<16xi32>
        %xor3A_277 = arith.xori %iota3A_274, %xor3A_276 : vector<16xi32>
        %broadcast_in_dim3A_278 = vector.shape_cast %xor3A_277 : vector<16xi32> to vector<16x1xi32>
        %gather3A_279 = vector.shape_cast %broadcast_in_dim3A_278 : vector<16x1xi32> to vector<16xi32>
        %gather3A_280 = tpu.dynamic_gather %get3A_273[%gather3A_279] in [0] : vector<16xf32>, vector<16xi32> -> vector<16xf32>
        %add3A_281 = arith.addf %get3A_273, %gather3A_280 : vector<16xf32>
        %broadcast_in_dim3A_282 = arith.constant 0.000000e+00 : f32
        %broadcast_in_dim3A_283 = vector.broadcast %broadcast_in_dim3A_282 : f32 to vector<16xf32>
        %gt3A_284 = arith.constant 0.000000e+00 : f32
        %gt3A_285 = vector.broadcast %gt3A_284 : f32 to vector<16xf32>
        %gt3A_286 = arith.cmpf ogt, %add3A_281, %gt3A_285 : vector<16xf32>
        %select_n3A_287 = arith.select %gt3A_286, %get3A_273, %broadcast_in_dim3A_283 : vector<16xi1>, vector<16xf32>
        %swap3A_288 = arith.index_cast %scan3A_69 : i32 to index
        %swap3A_289 = arith.constant 144 : index
        %swap3A_290 = tpu.vector_load %arg4[%swap3A_288, %swap3A_289] {strides = array<i32>} : memref<224x224xf32, #tpu.memory_space<vmem>>, vector<1x16xf32>,
        %swap3A_291 = vector.shape_cast %swap3A_290 : vector<1x16xf32> to vector<16xf32>
        %swap3A_292 = vector.shape_cast %select_n3A_287 : vector<16xf32> to vector<1x16xf32>
        tpu.vector_store %arg4[%swap3A_288, %swap3A_289], %swap3A_292 {strides = array<i32>} : memref<224x224xf32, #tpu.memory_space<vmem>>, vector<1x16xf32>,
        %get3A_293 = arith.index_cast %scan3A_69 : i32 to index
        %get3A_294 = arith.constant 160 : index
        %get3A_295 = tpu.vector_load %arg4[%get3A_293, %get3A_294] {strides = array<i32>} : memref<224x224xf32, #tpu.memory_space<vmem>>, vector<1x16xf32>,
        %get3A_296 = vector.shape_cast %get3A_295 : vector<1x16xf32> to vector<16xf32>
        %iota3A_297 = tpu.iota {dimensions = array<i32: 0>} : vector<16xi32>
        %xor3A_298 = arith.constant 1 : i32
        %xor3A_299 = vector.broadcast %xor3A_298 : i32 to vector<16xi32>
        %xor3A_300 = arith.xori %iota3A_297, %xor3A_299 : vector<16xi32>
        %broadcast_in_dim3A_301 = vector.shape_cast %xor3A_300 : vector<16xi32> to vector<16x1xi32>
        %gather3A_302 = vector.shape_cast %broadcast_in_dim3A_301 : vector<16x1xi32> to vector<16xi32>
        %gather3A_303 = tpu.dynamic_gather %get3A_296[%gather3A_302] in [0] : vector<16xf32>, vector<16xi32> -> vector<16xf32>
        %add3A_304 = arith.addf %get3A_296, %gather3A_303 : vector<16xf32>
        %broadcast_in_dim3A_305 = arith.constant 0.000000e+00 : f32
        %broadcast_in_dim3A_306 = vector.broadcast %broadcast_in_dim3A_305 : f32 to vector<16xf32>
        %gt3A_307 = arith.constant 0.000000e+00 : f32
        %gt3A_308 = vector.broadcast %gt3A_307 : f32 to vector<16xf32>
        %gt3A_309 = arith.cmpf ogt, %add3A_304, %gt3A_308 : vector<16xf32>
        %select_n3A_310 = arith.select %gt3A_309, %get3A_296, %broadcast_in_dim3A_306 : vector<16xi1>, vector<16xf32>
        %swap3A_311 = arith.index_cast %scan3A_69 : i32 to index
        %swap3A_312 = arith.constant 160 : index
        %swap3A_313 = tpu.vector_load %arg4[%swap3A_311, %swap3A_312] {strides = array<i32>} : memref<224x224xf32, #tpu.memory_space<vmem>>, vector<1x16xf32>,
        %swap3A_314 = vector.shape_cast %swap3A_313 : vector<1x16xf32> to vector<16xf32>
        %swap3A_315 = vector.shape_cast %select_n3A_310 : vector<16xf32> to vector<1x16xf32>
        tpu.vector_store %arg4[%swap3A_311, %swap3A_312], %swap3A_315 {strides = array<i32>} : memref<224x224xf32, #tpu.memory_space<vmem>>, vector<1x16xf32>,
        %get3A_316 = arith.index_cast %scan3A_69 : i32 to index
        %get3A_317 = arith.constant 176 : index
        %get3A_318 = tpu.vector_load %arg4[%get3A_316, %get3A_317] {strides = array<i32>} : memref<224x224xf32, #tpu.memory_space<vmem>>, vector<1x16xf32>,
        %get3A_319 = vector.shape_cast %get3A_318 : vector<1x16xf32> to vector<16xf32>
        %iota3A_320 = tpu.iota {dimensions = array<i32: 0>} : vector<16xi32>
        %xor3A_321 = arith.constant 1 : i32
        %xor3A_322 = vector.broadcast %xor3A_321 : i32 to vector<16xi32>
        %xor3A_323 = arith.xori %iota3A_320, %xor3A_322 : vector<16xi32>
        %broadcast_in_dim3A_324 = vector.shape_cast %xor3A_323 : vector<16xi32> to vector<16x1xi32>
        %gather3A_325 = vector.shape_cast %broadcast_in_dim3A_324 : vector<16x1xi32> to vector<16xi32>
        %gather3A_326 = tpu.dynamic_gather %get3A_319[%gather3A_325] in [0] : vector<16xf32>, vector<16xi32> -> vector<16xf32>
        %add3A_327 = arith.addf %get3A_319, %gather3A_326 : vector<16xf32>
        %broadcast_in_dim3A_328 = arith.constant 0.000000e+00 : f32
        %broadcast_in_dim3A_329 = vector.broadcast %broadcast_in_dim3A_328 : f32 to vector<16xf32>
        %gt3A_330 = arith.constant 0.000000e+00 : f32
        %gt3A_331 = vector.broadcast %gt3A_330 : f32 to vector<16xf32>
        %gt3A_332 = arith.cmpf ogt, %add3A_327, %gt3A_331 : vector<16xf32>
        %select_n3A_333 = arith.select %gt3A_332, %get3A_319, %broadcast_in_dim3A_329 : vector<16xi1>, vector<16xf32>
        %swap3A_334 = arith.index_cast %scan3A_69 : i32 to index
        %swap3A_335 = arith.constant 176 : index
        %swap3A_336 = tpu.vector_load %arg4[%swap3A_334, %swap3A_335] {strides = array<i32>} : memref<224x224xf32, #tpu.memory_space<vmem>>, vector<1x16xf32>,
        %swap3A_337 = vector.shape_cast %swap3A_336 : vector<1x16xf32> to vector<16xf32>
        %swap3A_338 = vector.shape_cast %select_n3A_333 : vector<16xf32> to vector<1x16xf32>
        tpu.vector_store %arg4[%swap3A_334, %swap3A_335], %swap3A_338 {strides = array<i32>} : memref<224x224xf32, #tpu.memory_space<vmem>>, vector<1x16xf32>,
        %get3A_339 = arith.index_cast %scan3A_69 : i32 to index
        %get3A_340 = arith.constant 192 : index
        %get3A_341 = tpu.vector_load %arg4[%get3A_339, %get3A_340] {strides = array<i32>} : memref<224x224xf32, #tpu.memory_space<vmem>>, vector<1x16xf32>,
        %get3A_342 = vector.shape_cast %get3A_341 : vector<1x16xf32> to vector<16xf32>
        %iota3A_343 = tpu.iota {dimensions = array<i32: 0>} : vector<16xi32>
        %xor3A_344 = arith.constant 1 : i32
        %xor3A_345 = vector.broadcast %xor3A_344 : i32 to vector<16xi32>
        %xor3A_346 = arith.xori %iota3A_343, %xor3A_345 : vector<16xi32>
        %broadcast_in_dim3A_347 = vector.shape_cast %xor3A_346 : vector<16xi32> to vector<16x1xi32>
        %gather3A_348 = vector.shape_cast %broadcast_in_dim3A_347 : vector<16x1xi32> to vector<16xi32>
        %gather3A_349 = tpu.dynamic_gather %get3A_342[%gather3A_348] in [0] : vector<16xf32>, vector<16xi32> -> vector<16xf32>
        %add3A_350 = arith.addf %get3A_342, %gather3A_349 : vector<16xf32>
        %broadcast_in_dim3A_351 = arith.constant 0.000000e+00 : f32
        %broadcast_in_dim3A_352 = vector.broadcast %broadcast_in_dim3A_351 : f32 to vector<16xf32>
        %gt3A_353 = arith.constant 0.000000e+00 : f32
        %gt3A_354 = vector.broadcast %gt3A_353 : f32 to vector<16xf32>
        %gt3A_355 = arith.cmpf ogt, %add3A_350, %gt3A_354 : vector<16xf32>
        %select_n3A_356 = arith.select %gt3A_355, %get3A_342, %broadcast_in_dim3A_352 : vector<16xi1>, vector<16xf32>
        %swap3A_357 = arith.index_cast %scan3A_69 : i32 to index
        %swap3A_358 = arith.constant 192 : index
        %swap3A_359 = tpu.vector_load %arg4[%swap3A_357, %swap3A_358] {strides = array<i32>} : memref<224x224xf32, #tpu.memory_space<vmem>>, vector<1x16xf32>,
        %swap3A_360 = vector.shape_cast %swap3A_359 : vector<1x16xf32> to vector<16xf32>
        %swap3A_361 = vector.shape_cast %select_n3A_356 : vector<16xf32> to vector<1x16xf32>
        tpu.vector_store %arg4[%swap3A_357, %swap3A_358], %swap3A_361 {strides = array<i32>} : memref<224x224xf32, #tpu.memory_space<vmem>>, vector<1x16xf32>,
        %get3A_362 = arith.index_cast %scan3A_69 : i32 to index
        %get3A_363 = arith.constant 208 : index
        %get3A_364 = tpu.vector_load %arg4[%get3A_362, %get3A_363] {strides = array<i32>} : memref<224x224xf32, #tpu.memory_space<vmem>>, vector<1x16xf32>,
        %get3A_365 = vector.shape_cast %get3A_364 : vector<1x16xf32> to vector<16xf32>
        %iota3A_366 = tpu.iota {dimensions = array<i32: 0>} : vector<16xi32>
        %xor3A_367 = arith.constant 1 : i32
        %xor3A_368 = vector.broadcast %xor3A_367 : i32 to vector<16xi32>
        %xor3A_369 = arith.xori %iota3A_366, %xor3A_368 : vector<16xi32>
        %broadcast_in_dim3A_370 = vector.shape_cast %xor3A_369 : vector<16xi32> to vector<16x1xi32>
        %gather3A_371 = vector.shape_cast %broadcast_in_dim3A_370 : vector<16x1xi32> to vector<16xi32>
        %gather3A_372 = tpu.dynamic_gather %get3A_365[%gather3A_371] in [0] : vector<16xf32>, vector<16xi32> -> vector<16xf32>
        %add3A_373 = arith.addf %get3A_365, %gather3A_372 : vector<16xf32>
        %broadcast_in_dim3A_374 = arith.constant 0.000000e+00 : f32
        %broadcast_in_dim3A_375 = vector.broadcast %broadcast_in_dim3A_374 : f32 to vector<16xf32>
        %gt3A_376 = arith.constant 0.000000e+00 : f32
        %gt3A_377 = vector.broadcast %gt3A_376 : f32 to vector<16xf32>
        %gt3A_378 = arith.cmpf ogt, %add3A_373, %gt3A_377 : vector<16xf32>
        %select_n3A_379 = arith.select %gt3A_378, %get3A_365, %broadcast_in_dim3A_375 : vector<16xi1>, vector<16xf32>
        %swap3A_380 = arith.index_cast %scan3A_69 : i32 to index
        %swap3A_381 = arith.constant 208 : index
        %swap3A_382 = tpu.vector_load %arg4[%swap3A_380, %swap3A_381] {strides = array<i32>} : memref<224x224xf32, #tpu.memory_space<vmem>>, vector<1x16xf32>,
        %swap3A_383 = vector.shape_cast %swap3A_382 : vector<1x16xf32> to vector<16xf32>
        %swap3A_384 = vector.shape_cast %select_n3A_379 : vector<16xf32> to vector<1x16xf32>
        tpu.vector_store %arg4[%swap3A_380, %swap3A_381], %swap3A_384 {strides = array<i32>} : memref<224x224xf32, #tpu.memory_space<vmem>>, vector<1x16xf32>,
      }
      %scan3A_68 = arith.constant 224 : i32
      "tpu.region"() ({
        %run_scoped3A = tpu.sem_alloc : memref<!tpu.dma_semaphore, #tpu.memory_space<semaphore_mem>>
        %dma_start3A = arith.constant 0 : i32
        %dma_start3A_69 = arith.constant 0 : i32
        %dma_start3A_70 = tpu.memref_slice %arg3[%add3A_62, %dma_start3A, %dma_start3A_69] : memref<768x224x224xf32, #tpu.memory_space<hbm>> -> memref<1x224x224xf32, #tpu.memory_space<hbm>>
        %dma_start3A_71 = tpu.memref_squeeze %dma_start3A_70 : memref<1x224x224xf32, #tpu.memory_space<hbm>> -> memref<224x224xf32, #tpu.memory_space<hbm>>
        %dma_start3A_72 = arith.constant 0 : i32
        %dma_start3A_73 = arith.constant 0 : i32
        %dma_start3A_74 = tpu.memref_slice %arg3[%add3A_62, %dma_start3A_72, %dma_start3A_73] : memref<768x224x224xf32, #tpu.memory_space<hbm>> -> memref<1x224x224xf32, #tpu.memory_space<hbm>>
        %dma_start3A_75 = tpu.memref_squeeze %dma_start3A_74 : memref<1x224x224xf32, #tpu.memory_space<hbm>> -> memref<224x224xf32, #tpu.memory_space<hbm>>
        tpu.enqueue_dma source(%arg4 : memref<224x224xf32, #tpu.memory_space<vmem>>) target(%dma_start3A_75 : memref<224x224xf32, #tpu.memory_space<hbm>>) target_semaphore(%run_scoped3A : memref<!tpu.dma_semaphore, #tpu.memory_space<semaphore_mem>>)
        %dma_wait3A = arith.constant 0 : i32
        %dma_wait3A_76 = arith.constant 0 : i32
        %dma_wait3A_77 = tpu.memref_slice %arg3[%add3A_62, %dma_wait3A, %dma_wait3A_76] : memref<768x224x224xf32, #tpu.memory_space<hbm>> -> memref<1x224x224xf32, #tpu.memory_space<hbm>>
        %dma_wait3A_78 = tpu.memref_squeeze %dma_wait3A_77 : memref<1x224x224xf32, #tpu.memory_space<hbm>> -> memref<224x224xf32, #tpu.memory_space<hbm>>
        %dma_wait3A_79 = arith.constant 0 : i32
        %dma_wait3A_80 = arith.constant 0 : i32
        %dma_wait3A_81 = tpu.memref_slice %arg3[%add3A_62, %dma_wait3A_79, %dma_wait3A_80] : memref<768x224x224xf32, #tpu.memory_space<hbm>> -> memref<1x224x224xf32, #tpu.memory_space<hbm>>
        %dma_wait3A_82 = tpu.memref_squeeze %dma_wait3A_81 : memref<1x224x224xf32, #tpu.memory_space<hbm>> -> memref<224x224xf32, #tpu.memory_space<hbm>>
        tpu.wait_dma2 semaphore(%run_scoped3A : memref<!tpu.dma_semaphore, #tpu.memory_space<semaphore_mem>>) src(%arg4 : memref<224x224xf32, #tpu.memory_space<vmem>>) dst(%dma_wait3A_82 : memref<224x224xf32, #tpu.memory_space<hbm>>)
        tpu.yield
      }) : () -> ()
    }
    %scan3A_17 = arith.constant 4 : i32
    %scan3A_18 = arith.constant 0 : i32
    %scan3A_19 = arith.constant 0 : i32
    %scan3A_20 = arith.constant 4 : i32
    %scan3A_21 = arith.addi %scan3A_19, %scan3A_20 : i32
    %scan3A_22 = arith.constant 1 : i32
    scf.for %scan3A_24 = %scan3A_19 to %scan3A_21 step %scan3A_22  : i32 {
      %mul3A_25 = arith.constant 4 : i32
      %mul3A_26 = arith.muli %add3A, %mul3A_25 : i32
      %add3A_27 = arith.addi %mul3A_26, %scan3A_24 : i32
      %jit3A = arith.constant 16 : i32
      %div3A = arith.divsi %add3A_27, %jit3A : i32
      %sign3A = arith.constant 0 : i32
      %sign3A_28 = arith.cmpi sgt, %add3A_27, %sign3A : i32
      %sign3A_29 = arith.extui %sign3A_28 : i1 to i32
      %sign3A_30 = arith.constant 0 : i32
      %sign3A_31 = arith.cmpi slt, %add3A_27, %sign3A_30 : i32
      %sign3A_32 = arith.extui %sign3A_31 : i1 to i32
      %sign3A_33 = arith.subi %sign3A_29, %sign3A_32 : i32
      %sign3A_34 = arith.constant 0 : i32
      %sign3A_35 = arith.cmpi sgt, %jit3A, %sign3A_34 : i32
      %sign3A_36 = arith.extui %sign3A_35 : i1 to i32
      %sign3A_37 = arith.constant 0 : i32
      %sign3A_38 = arith.cmpi slt, %jit3A, %sign3A_37 : i32
      %sign3A_39 = arith.extui %sign3A_38 : i1 to i32
      %sign3A_40 = arith.subi %sign3A_36, %sign3A_39 : i32
      %ne3A = arith.cmpi ne, %sign3A_33, %sign3A_40 : i32
      %rem3A = arith.remsi %add3A_27, %jit3A : i32
      %ne3A_41 = arith.constant 0 : i32
      %ne3A_42 = arith.cmpi ne, %rem3A, %ne3A_41 : i32
      %and3A = arith.andi %ne3A, %ne3A_42 : i1
      %sub3A = arith.constant 1 : i32
      %sub3A_43 = arith.subi %div3A, %sub3A : i32
      %select_n3A = arith.select %and3A, %sub3A_43, %div3A : i32
      %mul3A_44 = arith.constant 96 : i32
      %mul3A_45 = arith.muli %select_n3A, %mul3A_44 : i32
      %add3A_46 = arith.constant 80 : i32
      %add3A_47 = arith.addi %mul3A_45, %add3A_46 : i32
      %jit3A_48 = arith.constant 16 : i32
      %eq3A = arith.constant 0 : i32
      %eq3A_49 = arith.cmpi eq, %jit3A_48, %eq3A : i32
      %jit3A_50 = arith.constant 1 : i32
      %select_n3A_51 = arith.select %eq3A_49, %jit3A_50, %jit3A_48 : i32
      %rem3A_52 = arith.remsi %add3A_27, %select_n3A_51 : i32
      %ne3A_53 = arith.constant 0 : i32
      %ne3A_54 = arith.cmpi ne, %rem3A_52, %ne3A_53 : i32
      %lt3A = arith.constant 0 : i32
      %lt3A_55 = arith.cmpi slt, %rem3A_52, %lt3A : i32
      %lt3A_56 = arith.constant 0 : i32
      %lt3A_57 = arith.cmpi slt, %select_n3A_51, %lt3A_56 : i32
      %ne3A_58 = arith.xori %lt3A_55, %lt3A_57 : i1
      %and3A_59 = arith.andi %ne3A_58, %ne3A_54 : i1
      %add3A_60 = arith.addi %rem3A_52, %select_n3A_51 : i32
      %select_n3A_61 = arith.select %and3A_59, %add3A_60, %rem3A_52 : i32
      %add3A_62 = arith.addi %add3A_47, %select_n3A_61 : i32
      "tpu.region"() ({
        %run_scoped3A = tpu.sem_alloc : memref<!tpu.dma_semaphore, #tpu.memory_space<semaphore_mem>>
        %dma_start3A = arith.constant 0 : i32
        %dma_start3A_63 = arith.constant 0 : i32
        %dma_start3A_64 = tpu.memref_slice %arg3[%add3A_62, %dma_start3A, %dma_start3A_63] : memref<768x224x224xf32, #tpu.memory_space<hbm>> -> memref<1x224x224xf32, #tpu.memory_space<hbm>>
        %dma_start3A_65 = tpu.memref_squeeze %dma_start3A_64 : memref<1x224x224xf32, #tpu.memory_space<hbm>> -> memref<224x224xf32, #tpu.memory_space<hbm>>
        %dma_start3A_66 = arith.constant 0 : i32
        %dma_start3A_67 = arith.constant 0 : i32
        %dma_start3A_68 = tpu.memref_slice %arg2[%add3A_62, %dma_start3A_66, %dma_start3A_67] : memref<768x224x224xf32, #tpu.memory_space<hbm>> -> memref<1x224x224xf32, #tpu.memory_space<hbm>>
        %dma_start3A_69 = tpu.memref_squeeze %dma_start3A_68 : memref<1x224x224xf32, #tpu.memory_space<hbm>> -> memref<224x224xf32, #tpu.memory_space<hbm>>
        tpu.enqueue_dma source(%dma_start3A_69 : memref<224x224xf32, #tpu.memory_space<hbm>>) target(%dma_start3A_65 : memref<224x224xf32, #tpu.memory_space<hbm>>) target_semaphore(%run_scoped3A : memref<!tpu.dma_semaphore, #tpu.memory_space<semaphore_mem>>)
        %dma_wait3A = arith.constant 0 : i32
        %dma_wait3A_70 = arith.constant 0 : i32
        %dma_wait3A_71 = tpu.memref_slice %arg3[%add3A_62, %dma_wait3A, %dma_wait3A_70] : memref<768x224x224xf32, #tpu.memory_space<hbm>> -> memref<1x224x224xf32, #tpu.memory_space<hbm>>
        %dma_wait3A_72 = tpu.memref_squeeze %dma_wait3A_71 : memref<1x224x224xf32, #tpu.memory_space<hbm>> -> memref<224x224xf32, #tpu.memory_space<hbm>>
        %dma_wait3A_73 = arith.constant 0 : i32
        %dma_wait3A_74 = arith.constant 0 : i32
        %dma_wait3A_75 = tpu.memref_slice %arg2[%add3A_62, %dma_wait3A_73, %dma_wait3A_74] : memref<768x224x224xf32, #tpu.memory_space<hbm>> -> memref<1x224x224xf32, #tpu.memory_space<hbm>>
        %dma_wait3A_76 = tpu.memref_squeeze %dma_wait3A_75 : memref<1x224x224xf32, #tpu.memory_space<hbm>> -> memref<224x224xf32, #tpu.memory_space<hbm>>
        tpu.wait_dma2 semaphore(%run_scoped3A : memref<!tpu.dma_semaphore, #tpu.memory_space<semaphore_mem>>) src(%dma_wait3A_76 : memref<224x224xf32, #tpu.memory_space<hbm>>) dst(%dma_wait3A_72 : memref<224x224xf32, #tpu.memory_space<hbm>>)
        tpu.yield
      }) : () -> ()
    }
    %scan3A_23 = arith.constant 4 : i32
    return
  }
}

</mosaic_0001>

<sc_bundles>
// kernel: kernel.3.cloned.1.call-start
scs
__scs_entry_jumppad:
0x0: {  	(pc) =	sbr.rel $0x88, $3  }
0x1: {  	(tag) =	ssettag $0x0;
	lr =	simm.s32 $0x1  }
0x2: {  	[smem:$0x3FA0] =	sst lr;
	_ =	strace $0xD0000000  }
0x3: {  	_ = 	snop  }
0x4: {  	_ = 	snop  }
0x5: {  	_ = 	snop  }
0x6: {  	_ = 	snop  }
0x7: {  	_ = 	snop  }
__scs_overlays_trampoline_lowered:
0x8: {  	[smem:$0x3FAF] =	sst s0  }
0x9: {  	[smem:$0x3FB0] =	sst s1  }
0xa: {  	[smem:$0x3FB1] =	sst s2  }
0xb: {  	[smem:$0x3FB2] =	sst s3  }
0xc: {  	[smem:$0x3FB3] =	sst s4  }
0xd: {  	[smem:$0x3FB4] =	sst s5  }
0xe: {  	[smem:$0x3FB5] =	sst s6  }
0xf: {  	[smem:$0x3FB6] =	sst s7  }
0x10: {  	[smem:$0x3FB7] =	sst s8  }
0x11: {  	[smem:$0x3FB8] =	sst s9;
	s0 =	simm.s32 @!p0 $0x0  }
0x12: {  	s1 =	sld [smem:$0x3F9E];
	s0 =	simm.s32 @p0 $0x1  }
0x13: {  	[smem:$0x3FB9] =	sst s0;
	s0 =	simm.s32 @!p1 $0x0  }
0x14: {  	s2 =	sld [smem:$0x3F9D];
	s0 =	simm.s32 @p1 $0x1  }
0x15: {  	[smem:$0x3FBA] =	sst s0;
	s0 =	simm.s32 @!p2 $0x0  }
0x16: {  	s3 =	sld [smem:$0x3FDB];
	s0 =	simm.s32 @p2 $0x1  }
0x17: {  	s4 =	simm.s32 $0x1BF5;
	[smem:$0x3FBC] =	sst s0  }
0x18: {  	s0 =	sld [smem:$0x3F9F];
	_ =	swait.ge [sflag:s4], $0x0  }
0x19: {  	s7 =	sld [smem:$0x3FA0]  }
0x1a: {  	s8 =	sadd.s32 $0xFFFFE003, lr  }
0x1b: {  	s9 =	sadd.s32 $0xFFFFFEF7, lr;
	s5 =	simm.s32 $0xFFFFFFFF;
	p2 =	slt.u32 s8, $0xFFFFF086  }
0x1c: {  	p1 =	slt.u32 s9, $0xF7A;
	s5 =	simm.s32 @!p2 $0x0  }
0x1d: {  	s5 =	simm.s32 @p1 $0x1;
	p0 =	seq.s32 s7, s2  }
0x1e: {  	s7 =	smul.u32 @!p0 $0xF7A, s2;
	p2 =	seq.s32 @!p0 s5, $0x0  }
0x1f: {  	s9 =	smul.u32 $0xF7A, s1;
	s8 =	simm.s32 @!p0 $0x1BF5;
	p2 =	por !p2, p0  }
0x20: {  	[sflag:s8] =	ssyncset.s32 @!p0 $0xFFFFF086;
	s6 =	sadd.s32 @!p0 s3, s7;
	s7 =	simm.s32 @!p0 $0x108  }
0x21: {  	s3 =	sadd.s32 s3, s9;
	s6 =	sadd.s32 @!p0 $0x88, s6;
	s7 =	simm.s32 @p2 $0x1082  }
0x22: {  	[simem:s7], [sflag:s8] =	dma.local @!p0 [hbm:s6], $0xF7A  }
0x23: {  	s9 =	sor.u32 $0xD0000000, s2;
	s6 =	simm.s32 $0x108;
	_ =	swait.ge @!p0 [sflag:s8], $0x0  }
0x24: {  	s3 =	sadd.s32 $0x88, s3;
	s6 =	simm.s32 @!p1 $0x1082;
	[sflag:s4] =	ssyncset.s32 $0xFFFFF086  }
0x25: {  	[simem:s6], [sflag:s4] =	dma.local [hbm:s3], $0xF7A  }
0x26: {  	[smem:$0x3FA0] =	sst s1;
	(tag) =	ssettag s2;
	_ =	strace s9  }
0x27: {  	s1 =	sld [smem:$0x3FB0]  }
0x28: {  	s2 =	sld [smem:$0x3FB1]  }
0x29: {  	s4 =	sld [smem:$0x3FB3]  }
0x2a: {  	p0 =	seq.s32 s5, $0x0;
	s5 =	sld [smem:$0x3FB4]  }
0x2b: {  	s6 =	sld [smem:$0x3FB5]  }
0x2c: {  	s7 =	sld [smem:$0x3FB6]  }
0x2d: {  	s3 =	simm.s32 $0x108;
	s8 =	sld [smem:$0x3FB7]  }
0x2e: {  	s3 =	simm.s32 @!p0 $0x1082;
	s9 =	sld [smem:$0x3FB8]  }
0x2f: {  	lr =	sadd.s32 s0, s3;
	s0 =	sld [smem:$0x3FAF]  }
0x30: {  	s3 =	sld [smem:$0x3FB2]  }
0x31: {  	[smem:$0x3FBB] =	sst s10  }
0x32: {  	s10 =	sld [smem:$0x3FB9];
	_ =	sdelay $0x3  }
0x33: {  	p0 =	seq.s32 s10, $0x1;
	s10 =	sld [smem:$0x3FBB];
	_ =	sdelay $0x3  }
0x34: {  	[smem:$0x3FBB] =	sst s10  }
0x35: {  	s10 =	sld [smem:$0x3FBA];
	_ =	sdelay $0x3  }
0x36: {  	p1 =	seq.s32 s10, $0x1;
	s10 =	sld [smem:$0x3FBB];
	_ =	sdelay $0x3  }
0x37: {  	[smem:$0x3FBB] =	sst s10  }
0x38: {  	s10 =	sld [smem:$0x3FBC]  }
0x39: {  	_ = 	snop;
	(pc) =	sbr.ind lr, $3  }
0x3a: {  	_ = 	snop  }
0x3b: {  	_ = 	snop  }
0x3c: {  	p2 =	seq.s32 s10, $0x1;
	s10 =	sld [smem:$0x3FBB]  }
0x3d: {  	_ =	shalt  }
0x3e: {  	_ =	shalt  }
0x3f: {  	_ =	shalt  }
0x40: {  	_ =	shalt  }
0x41: {  	_ =	shalt  }
0x42: {  	_ =	shalt  }
0x43: {  	_ =	shalt  }
0x44: {  	_ =	shalt  }
0x45: {  	_ =	shalt  }
0x46: {  	_ =	shalt  }
0x47: {  	_ =	shalt  }
0x48: {  	_ =	shalt  }
0x49: {  	_ =	shalt  }
0x4a: {  	_ =	shalt  }
0x4b: {  	_ =	shalt  }
0x4c: {  	_ =	shalt  }
0x4d: {  	_ =	shalt  }
0x4e: {  	_ =	shalt  }
0x4f: {  	_ =	shalt  }
0x50: {  	_ =	shalt  }
0x51: {  	_ =	shalt  }
0x52: {  	_ =	shalt  }
0x53: {  	_ =	shalt  }
0x54: {  	_ =	shalt  }
0x55: {  	_ =	shalt  }
0x56: {  	_ =	shalt  }
0x57: {  	_ =	shalt  }
0x58: {  	_ =	shalt  }
0x59: {  	_ =	shalt  }
0x5a: {  	_ =	shalt  }
0x5b: {  	_ =	shalt  }
0x5c: {  	_ =	shalt  }
0x5d: {  	_ =	shalt  }
0x5e: {  	_ =	shalt  }
0x5f: {  	_ =	shalt  }
0x60: {  	_ =	shalt  }
0x61: {  	_ =	shalt  }
0x62: {  	_ =	shalt  }
0x63: {  	_ =	shalt  }
0x64: {  	_ =	shalt  }
0x65: {  	_ =	shalt  }
0x66: {  	_ =	shalt  }
0x67: {  	_ =	shalt  }
0x68: {  	_ =	shalt  }
0x69: {  	_ =	shalt  }
0x6a: {  	_ =	shalt  }
0x6b: {  	_ =	shalt  }
0x6c: {  	_ =	shalt  }
0x6d: {  	_ =	shalt  }
0x6e: {  	_ =	shalt  }
0x6f: {  	_ =	shalt  }
0x70: {  	_ =	shalt  }
0x71: {  	_ =	shalt  }
0x72: {  	_ =	shalt  }
0x73: {  	_ =	shalt  }
0x74: {  	_ =	shalt  }
0x75: {  	_ =	shalt  }
0x76: {  	_ =	shalt  }
0x77: {  	_ =	shalt  }
0x78: {  	_ =	shalt  }
0x79: {  	_ =	shalt  }
0x7a: {  	_ =	shalt  }
0x7b: {  	_ =	shalt  }
0x7c: {  	_ =	shalt  }
0x7d: {  	_ =	shalt  }
0x7e: {  	_ =	shalt  }
0x7f: {  	_ =	shalt  }
0x80: {  	_ =	shalt  }
0x81: {  	_ =	shalt  }
0x82: {  	_ =	shalt  }
0x83: {  	_ =	shalt  }
0x84: {  	_ =	shalt  }
0x85: {  	_ =	shalt  }
0x86: {  	_ =	shalt  }
0x87: {  	_ =	shalt  }
.Lfunc_end0:
.L_simem_size_0:
called_computation_lowered:
.L_overlay_start_0:
0x88: {  	s2 =	sld [smem:$0x3FD9]  }
0x89: {  	s3 =	sld [smem:$0x3FFE];
	_ =	sdelay $0x1  }
0x8a: {  	s1 =	srdreg.scid  }
0x8b: {  	s0 =	sand.u32 $0x1, s1  }
0x8c: {  	s18 =	sshll.u32 s0, $0xA;
	s2 =	sadd.s32 s3, s2  }
0x8d: {  	s2 =	sadd.s32 s2, s18  }
0x8e: {  	[smem:$0x3FC7] =	sst s2  }
0x8f: {  	_ = 	snop  }
0x90: {  	s2 =	sld [smem:$0x3FC9]  }
0x91: {  	s19 =	sld [smem:$0x3FD0];
	(tm) =	ssettm $0x1  }
0x92: {  	s4 =	sld [smem:$0x3FFB];
	_ =	sdelay $0x3  }
0x93: {  	_ =	strace s4  }
0x94: {  	s4 =	sld [smem:$0x3FFC];
	_ =	sdelay $0x3  }
0x95: {  	_ =	strace s4  }
0x96: {  	s4 =	sld [smem:$0x3FFD];
	_ =	sdelay $0x3  }
0x97: {  	_ =	strace s4  }
0x98: {  	_ =	strace $0x8FFFFFFF  }
0x99: {  	s20 =	sld [smem:$0x3FDB];
	_ =	sdelay $0x1  }
0x9a: {  	s5 =	simm.s32 $_scs_section_size  }
0x9b: {  	s6 =	simm.s32 $_size__tile_overlayer_lowered;
	s7 =	simm.s32 $_tile_overlayer_lowered  }
0x9c: {  	s23 =	simm.s32 $0x1BFF;
	s22 =	sshll.u32 s7, $0x1;
	s4 =	sadd.s32 s5, s20  }
0x9d: {  	s8 =	simm.s32 $0x0;
	s21 =	sshll.u32 s6, $0x1;
	s6 =	sadd.s32 s22, s4  }
0x9e: {  	[timem:s8], [sflag:s23] =	dma.local [hbm:s6], s21  }
0x9f: {  	_ =	swait.ge [sflag:s23], s21  }
0xa0: {  	s5 =	ssub.s32 $0x0, s21;
	[sflag:s23] =	ssyncset.done $0x0  }
0xa1: {  	[sflag:s23] =	ssyncadd.s32 s5;
	_ =	sdelay $0x1  }
0xa2: {  	s24 =	simm.s32 $0x1B8B  }
0xa3: {  	_ =	swait.ge [sflag:s24], $0x1  }
0xa4: {  	[sflag:s24] =	ssyncset.done $0x0  }
0xa5: {  	s25 =	simm.s32 $0x1B8E;
	[sflag:s24] =	ssyncadd.s32 $0xFFFFFFFF  }
0xa6: {  	s26 =	simm.s32 $execute0_lowered;
	[smem:$0x3FD2] =	sst s25  }
0xa7: {  	s5 =	sshll.u32 s26, $0x1;
	_ =	strace $0x80000046;
	[dreg:$0x1] =	wrdreg $0xFFFFFFFF  }
0xa8: {  	s28 =	simm.s32 $_size_execute0_lowered;
	s4 =	sadd.s32 s4, s5;
	[dreg:$0x0] =	wrdreg $0x0  }
0xa9: {  	s5 =	sshll.u32 s28, $0x1;
	[dreg:$0x2] =	wrdreg s4  }
0xaa: {  	[dreg:$0x3] =	wrdreg s5  }
0xab: {  	[dreg:$0x4] =	wrdreg $0xC0  }
0xac: {  	_ =	task [dreg:s8], $0x5FFFF  }
0xad: {  	[dreg:$0x1] =	wrdreg $0xFFFFFFFF  }
0xae: {  	[dreg:$0x0] =	wrdreg $0x60  }
0xaf: {  	[dreg:$0x2] =	wrdreg s2  }
0xb0: {  	[dreg:$0x3] =	wrdreg s19  }
0xb1: {  	[dreg:$0x4] =	wrdreg $0x9  }
0xb2: {  	_ =	task.clear_ibuf [dreg:s8], $0x5FFFF;
	_ =	strace $0x90000046  }
0xb3: {  	s29 =	simm.s32 $0x9;
	_ =	strace $0x80000048  }
0xb4: {  	_ =	swait.ge [sflag:s29], $0x1  }
0xb5: {  	[sflag:s29] =	ssyncadd.s32 $0xFFFFFFFF  }
0xb6: {  	_ =	strace $0x90000048  }
0xb7: {  	_ =	sfence  }
0xb8: {  	s30 =	sld [smem:$0x0];
	_ =	sdelay $0x2  }
0xb9: {  	s31 =	sshll.u32 s1, $0xD;
	s1 =	sshrl.u32 s1, $0x2  }
0xba: {  	s3 =	sand.u32 $0x4000, s31;
	s1 =	sadd.s32 s1, s30  }
0xbb: {  	s0 =	sor.u32 s3, s0;
	s1 =	sshll.u32 s1, $0x11  }
0xbc: {  	s0 =	sor.u32 s1, s0  }
0xbd: {  	s0 =	sadd.s32 $0x8F2B, s0  }
0xbe: {  	[sflag:s0] =	ssyncadd.remote.s32 $0x1  }
0xbf: {  	_ =	sfence.sel $0xFFFF  }
0xc0: {  	[dreg:$0x0] =	wrdreg $0xFFFFFFFF;
	(pc) =	sbr.abs _section_cstart, $3  }
0xc1: {  	[dreg:$0x1] =	wrdreg $0xFFFFFFFF  }
0xc2: {  	_ =	task.clear_ibuf [dreg:s8], $0x2FFFF;
	_ =	strace $0x9FFFFFFF  }
0xc3: {  	(tm) =	ssettm $0x7FFFFFFF  }
tec
execute0_lowered:
.L_overlay_start_1:
0x0: {  	(tag) =	ssettag $0x1  }
0x1: {  	s1 =	srdreg.scid;
	s0 =	stileid.u32;
	s3 =	simm.s32 $0x0  }
0x2: {  	s17 =	simm.s32 $0x1;
	s18 =	simm.s32 $0x0;
	s5 =	sand.u32 $0x1, s1  }
0x3: {  	s28 =	sshll.u32 s0, $0x1;
	s29 =	sshrl.u32 s0, $0x1;
	s1 =	rddreg [dreg:$0x0]  }
0x4: {  	[smem:$0x7FF] =	sst s3;
	s4 =	sor.u32 s5, s28;
	s6 =	smul.u32 $0x60, s29  }
0x5: {  	v0 =	vimm.s32 $0xEFCDAB89;
	v1 =	vimm.s32 $0x67452301;
	s9 =	ssub.s32 $0x2, s5;
	s2 =	sshll.u32 s4, $0x2;
	s8 =	sshll.u32 s4, $0x3  }
0x6: {  	v2 =	vimm.s32 $0xDCFE98BA;
	v3 =	vimm.s32 $0x54761032;
	v0 =	vunpack.c.l.s4.s8 v0;
	s31 =	sshrl.u32 s9, $0x1;
	s7 =	sand.u32 $0xC, s2;
	s2 =	rddreg [dreg:$0x1]  }
0x7: {  	v1 =	vunpack.c.l.s4.s8 v1;
	v2 =	vunpack.c.l.s4.s8 v2;
	v3 =	vunpack.c.l.s4.s8 v3;
	s30 =	sand.u32 $0x18, s8;
	_ =	strace $0x80000047;
	s7 =	sor.u32 s7, s6  }
0x8: {  	v0 =	vunpack.c.0.s8.s32 v0;
	s9 =	ssub.s32 s9, s31;
	s5 =	sor.u32 s6, s30;
	s13 =	smul.u32 $0x1C00, s7  }
0x9: {  	v1 =	vunpack.c.0.s8.s32 v1;
	v2 =	vunpack.c.0.s8.s32 v2;
	v3 =	vunpack.c.0.s8.s32 v3;
	s9 =	smax.u32 s9, $0x1;
	s6 =	sadd.s32 $0x20, s5;
	s7 =	sadd.s32 $0x40, s7  }
0xa: {  	s10 =	sadd.s32 $0x8C000, s13;
	s12 =	sadd.s32 $0x8DC00, s13;
	s14 =	sadd.s32 $0x8F800, s13  }
0xb: {  	v0 =	vcombine.low v1, v0;
	v1 =	vcombine.low v3, v2;
	s16 =	sadd.s32 $0x91400, s13;
	s8 =	sadd.s32 s2, s10;
	s10 =	sadd.s32 s1, s10  }
0xc: {  	s11 =	sadd.s32 s2, s12;
	s12 =	sadd.s32 s1, s12;
	s13 =	sadd.s32 s2, s14  }
0xd: {  	v0 =	vand.u32 $0xF, v0;
	v1 =	vand.u32 $0xF, v1;
	s14 =	sadd.s32 s1, s14;
	s15 =	sadd.s32 s2, s16;
	s16 =	sadd.s32 s1, s16  }
.LBB2_1:
0xe: {  	s20 =	simm.s32 $0x0  }
.LBB2_2:
0xf: {  	s19 =	sadd.s32 s5, s20  }
0x10: {  	s19 =	smul.u32 $0x1C00, s19;
	_ =	sdelay $0x1  }
0x11: {  	s22 =	simm.s32 $0x0;
	s21 =	sadd.s32 s1, s19  }
0x12: {  	[tilespmem:s22], [sflag:$0x1] =	stream.linear.gather [hbm4b:s21+s22], $0xE000, $0x38;
	[tilespmem:$0xE000] =	vst v63  }
0x13: {  	_ =	swait.ge [sflag:s17], $0xE000  }
0x14: {  	s31 =	sand.u32 $0xF800, s22;
	s22 =	sand.u32 $0x300, s22;
	[sflag:s17] =	ssyncset.done $0x0  }
0x15: {  	s21 =	sor.u32 s22, s31;
	[sflag:s17] =	ssyncadd.s32 $0xFFFF2000  }
0x16: {  	v11 =	vld [tilespmem:s21+$0xD0]  }
0x17: {  	v13 =	vld [tilespmem:s21+$0x430]  }
0x18: {  	v20 =	vld [tilespmem:s21+$0x50]  }
0x19: {  	v17 =	vld [tilespmem:s21+$0x4B0]  }
0x1a: {  	v14 =	vld [tilespmem:s21+$0xC0]  }
0x1b: {  	v21 =	vld [tilespmem:s21+$0x40]  }
0x1c: {  	v8 =	vld [tilespmem:s21+$0x80]  }
0x1d: {  	v12 =	vld [tilespmem:s21+$0x10]  }
0x1e: {  	v6 =	vld [tilespmem:s21+$0x480]  }
0x1f: {  	v10 =	vld [tilespmem:s21+$0x400]  }
0x20: {  	v25 =	vld [tilespmem:s21+$0x60]  }
0x21: {  	v16 =	vld [tilespmem:s21+$0x90]  }
0x22: {  	v32 =	vld [tilespmem:s21+$0xE0]  }
0x23: {  	v15 =	vld [tilespmem:s21+$0x0]  }
0x24: {  	v7 =	vld [tilespmem:s21+$0xB0];
	v4 =	vadd.f32 v17, v13  }
0x25: {  	v3 =	vld [tilespmem:s21+$0x20];
	v9 =	vadd.f32 v14, v21  }
0x26: {  	v5 =	vld [tilespmem:s21+$0x440];
	v19 =	vadd.f32 v6, v10;
	v22 =	vadd.f32 v11, v20;
	v18 =	vperm.xlane v4, v0  }
0x27: {  	v2 =	vld [tilespmem:s21+$0x30];
	v29 =	vadd.f32 v32, v25;
	v28 =	vadd.f32 v16, v12;
	v23 =	vperm.xlane v9, v0  }
0x28: {  	v24 =	vperm.xlane v19, v0;
	v26 =	vperm.xlane v22, v0;
	v18 =	vadd.f32 v18, v4;
	v4 =	vld [tilespmem:s21+$0xA0]  }
0x29: {  	v27 =	vadd.f32 v8, v15;
	v31 =	vperm.xlane v29, v0;
	v23 =	vadd.f32 v23, v9;
	v9 =	vld [tilespmem:s21+$0x4C0]  }
0x2a: {  	v30 =	vperm.xlane v28, v0;
	v22 =	vadd.f32 v26, v22;
	v24 =	vadd.f32 v24, v19;
	v19 =	vld [tilespmem:s21+$0x410]  }
0x2b: {  	v29 =	vadd.f32 v31, v29;
	vm1 =	vgt.f32 v18, $0.0e+00;
	v18 =	vld [tilespmem:s21+$0x70];
	vm0 =	vgt.f32 v23, $0.0e+00  }
0x2c: {  	vm2 =	vgt.f32 v22, $0.0e+00;
	v22 =	vld [tilespmem:s21+$0xF0];
	v26 =	vnsel vm1, $0x0, v17;
	v13 =	vnsel vm1, $0x0, v13  }
0x2d: {  	v17 =	vld [tilespmem:s21+$0x490];
	v31 =	vnsel vm0, $0x0, v21;
	v23 =	vnsel vm2, $0x0, v20;
	v11 =	vnsel vm2, $0x0, v11;
	[tilespmem:s21+$0x430] =	vst v13  }
0x2e: {  	v20 =	vperm.xlane v27, v0;
	vm1 =	vgt.f32 v29, $0.0e+00;
	v29 =	vadd.f32 v7, v2;
	[tilespmem:s21+$0xD0] =	vst v11;
	v11 =	vld [tilespmem:s21+$0x450]  }
0x2f: {  	s25 =	simm.s32 $0x100;
	s22 =	simm.s32 $0x200;
	[tilespmem:s21+$0x40] =	vst v31;
	v31 =	vnsel vm1, $0x0, v25;
	v25 =	vnsel vm1, $0x0, v32;
	v13 =	vld [tilespmem:s21+$0x4D0];
	v21 =	vadd.f32 v9, v5  }
.LBB2_3:
0x30: {  	s23 =	smov.u32 s25  }
0x31: {  	s24 =	sand.u32 $0xF800, s22;
	s26 =	sand.u32 $0x300, s25;
	v27 =	vadd.f32 v20, v27;
	v28 =	vadd.f32 v30, v28;
	v14 =	vnsel vm0, $0x0, v14;
	[tilespmem:s21+$0x60] =	vst v31;
	v30 =	vld [tilespmem:s21+$0x4A0];
	s23 =	sadd.s32 $0x100, s25  }
0x32: {  	p0 =	sne.s32 s25, $0x6F00;
	v31 =	vadd.f32 v4, v3;
	s24 =	sor.u32 s26, s24;
	v32 =	vperm.xlane v29, v0;
	v33 =	vadd.f32 v17, v19;
	[tilespmem:s21+$0xC0] =	vst v14;
	v34 =	vld [tilespmem:s21+$0x420]  }
0x33: {  	vm0 =	vgt.f32 v27, $0.0e+00;
	vm1 =	vgt.f32 v28, $0.0e+00;
	v27 =	vadd.f32 v22, v18;
	v20 =	vld [tilespmem:s24+$0xD0];
	[tilespmem:s21+$0x50] =	vst v23  }
0x34: {  	v12 =	vnsel vm1, $0x0, v12;
	v14 =	vnsel vm1, $0x0, v16;
	v16 =	vperm.xlane v31, v0;
	v23 =	vld [tilespmem:s24+$0x430];
	[tilespmem:s21+$0x4B0] =	vst v26  }
0x35: {  	v26 =	vadd.f32 v32, v29;
	v28 =	vperm.xlane v27, v0;
	v29 =	vadd.f32 v13, v11;
	v35 =	vld [tilespmem:s24+$0x50];
	[tilespmem:s21+$0x90] =	vst v14  }
0x36: {  	v15 =	vnsel vm0, $0x0, v15;
	vm1 =	vgt.f32 v24, $0.0e+00;
	v32 =	vld [tilespmem:s24+$0x4B0];
	[tilespmem:s21+$0x10] =	vst v12;
	v12 =	vperm.xlane v33, v0  }
0x37: {  	v8 =	vnsel vm0, $0x0, v8;
	v14 =	vld [tilespmem:s24+$0xC0];
	[tilespmem:s21+$0x0] =	vst v15;
	v15 =	vadd.f32 v28, v27;
	v24 =	vadd.f32 v30, v34  }
0x38: {  	v10 =	vnsel vm1, $0x0, v10;
	v28 =	vperm.xlane v21, v0;
	v36 =	vld [tilespmem:s24+$0x40];
	[tilespmem:s21+$0x80] =	vst v8;
	v27 =	vadd.f32 v12, v33  }
0x39: {  	v6 =	vnsel vm1, $0x0, v6;
	v8 =	vld [tilespmem:s24+$0x80];
	vm0 =	vgt.f32 v15, $0.0e+00;
	[tilespmem:s21+$0x400] =	vst v10;
	v10 =	vperm.xlane v24, v0  }
0x3a: {  	v15 =	vadd.f32 v16, v31;
	v12 =	vld [tilespmem:s24+$0x10];
	v16 =	vnsel vm0, $0x0, v18;
	v18 =	vnsel vm0, $0x0, v22;
	[tilespmem:s21+$0x480] =	vst v6  }
0x3b: {  	v21 =	vadd.f32 v28, v21;
	vm1 =	vgt.f32 v27, $0.0e+00;
	v6 =	vld [tilespmem:s24+$0x480];
	[tilespmem:s21+$0xE0] =	vst v25;
	v22 =	vadd.f32 v10, v24  }
0x3c: {  	vm0 =	vgt.f32 v26, $0.0e+00;
	v17 =	vnsel vm1, $0x0, v17;
	v10 =	vld [tilespmem:s24+$0x400];
	[tilespmem:s21+$0xF0] =	vst v18;
	v18 =	vnsel vm1, $0x0, v19  }
0x3d: {  	v7 =	vnsel vm0, $0x0, v7;
	vm2 =	vgt.f32 v21, $0.0e+00;
	vm1 =	vgt.f32 v15, $0.0e+00;
	v25 =	vld [tilespmem:s24+$0x60];
	[tilespmem:s21+$0x70] =	vst v16  }
0x3e: {  	v3 =	vnsel vm1, $0x0, v3;
	vm3 =	vgt.f32 v22, $0.0e+00;
	v16 =	vld [tilespmem:s24+$0x90];
	[tilespmem:s21+$0x410] =	vst v18;
	v18 =	vperm.xlane v29, v0  }
0x3f: {  	v5 =	vnsel vm2, $0x0, v5;
	v19 =	vnsel vm3, $0x0, v34;
	v21 =	vnsel vm3, $0x0, v30;
	v15 =	vld [tilespmem:s24+$0x0];
	[tilespmem:s21+$0xB0] =	vst v7  }
0x40: {  	v9 =	vnsel vm2, $0x0, v9;
	v22 =	vadd.f32 v32, v23;
	v33 =	vld [tilespmem:s24+$0xE0];
	[tilespmem:s21+$0x490] =	vst v17;
	v17 =	vadd.f32 v18, v29  }
0x41: {  	v2 =	vnsel vm0, $0x0, v2;
	v4 =	vnsel vm1, $0x0, v4;
	v18 =	vadd.f32 v14, v36;
	v7 =	vld [tilespmem:s24+$0xB0];
	[tilespmem:s21+$0x20] =	vst v3  }
0x42: {  	v26 =	vperm.xlane v22, v0;
	v24 =	vadd.f32 v6, v10;
	v3 =	vld [tilespmem:s24+$0x20];
	[tilespmem:s21+$0x440] =	vst v5;
	vm0 =	vgt.f32 v17, $0.0e+00  }
0x43: {  	v29 =	vadd.f32 v20, v35;
	v17 =	vperm.xlane v18, v0;
	v5 =	vld [tilespmem:s24+$0x440];
	[tilespmem:s21+$0x30] =	vst v2;
	v11 =	vnsel vm0, $0x0, v11  }
0x44: {  	v22 =	vadd.f32 v26, v22;
	v31 =	vperm.xlane v24, v0;
	v13 =	vnsel vm0, $0x0, v13;
	v2 =	vld [tilespmem:s24+$0x30];
	[tilespmem:s21+$0xA0] =	vst v4  }
0x45: {  	v26 =	vperm.xlane v29, v0;
	v27 =	vadd.f32 v8, v15;
	v4 =	vld [tilespmem:s24+$0xA0];
	v34 =	vadd.f32 v33, v25;
	[tilespmem:s21+$0x4C0] =	vst v9  }
0x46: {  	v28 =	vadd.f32 v16, v12;
	vm1 =	vgt.f32 v22, $0.0e+00;
	v17 =	vadd.f32 v17, v18;
	v9 =	vld [tilespmem:s24+$0x4C0];
	[tilespmem:s21+$0x4A0] =	vst v21  }
0x47: {  	v21 =	vadd.f32 v26, v29;
	v26 =	vnsel vm1, $0x0, v32;
	v22 =	vperm.xlane v34, v0;
	v18 =	vld [tilespmem:s24+$0x70];
	[tilespmem:s21+$0x420] =	vst v19  }
.Ltmp0:
0x48: {  	v30 =	vperm.xlane v28, v0;
	v24 =	vadd.f32 v31, v24;
	vm0 =	vgt.f32 v17, $0.0e+00;
	v17 =	vld [tilespmem:s24+$0x490];
	[tilespmem:s21+$0x4D0] =	vst v13;
	(pc) =	sbr.rel @p0 .LBB2_3-.Ltmp0, $4  }
0x49: {  	vm2 =	vgt.f32 v21, $0.0e+00;
	v21 =	vnsel vm1, $0x0, v23;
	v13 =	vadd.f32 v22, v34;
	v19 =	vld [tilespmem:s24+$0x410];
	[tilespmem:s21+$0x450] =	vst v11;
	s21 =	smov.u32 s24  }
0x4a: {  	v31 =	vnsel vm0, $0x0, v36;
	v23 =	vnsel vm2, $0x0, v35;
	v11 =	vnsel vm2, $0x0, v20;
	v22 =	vld [tilespmem:s21+$0xF0];
	[tilespmem:s21+$0x430] =	vst v21  }
0x4b: {  	v20 =	vperm.xlane v27, v0;
	[tilespmem:s21+$0xD0] =	vst v11;
	vm1 =	vgt.f32 v13, $0.0e+00;
	v21 =	vadd.f32 v9, v5;
	v11 =	vld [tilespmem:s21+$0x450]  }
0x4c: {  	s22 =	sadd.s32 $0x200, s22;
	s25 =	smov.u32 s23;
	v29 =	vadd.f32 v7, v2;
	[tilespmem:s21+$0x40] =	vst v31;
	v31 =	vnsel vm1, $0x0, v25;
	v25 =	vnsel vm1, $0x0, v33;
	v13 =	vld [tilespmem:s21+$0x4D0]  }
0x4d: {  	[tilespmem:s21+$0x60] =	vst v31  }
0x4e: {  	[tilespmem:s21+$0x50] =	vst v23  }
0x4f: {  	[tilespmem:s21+$0x4B0] =	vst v26  }
0x50: {  	v28 =	vadd.f32 v30, v28;
	v14 =	vnsel vm0, $0x0, v14;
	vm9 =	vgt.f32 v24, $0.0e+00;
	[tilespmem:s21+$0xE0] =	vst v25  }
0x51: {  	v40 =	vadd.f32 v20, v27;
	v48 =	vadd.f32 v4, v3;
	[tilespmem:s21+$0xC0] =	vst v14;
	v47 =	vnsel vm9, $0x0, v10  }
0x52: {  	v54 =	vperm.xlane v21, v0;
	v6 =	vnsel vm9, $0x0, v6;
	vm8 =	vgt.f32 v28, $0.0e+00;
	[tilespmem:s21+$0x400] =	vst v47  }
0x53: {  	v43 =	vadd.f32 v17, v19;
	v49 =	vperm.xlane v29, v0;
	[tilespmem:s21+$0x480] =	vst v6;
	v16 =	vnsel vm8, $0x0, v16  }
0x54: {  	v41 =	vld [tilespmem:s21+$0x4A0];
	vm1 =	vgt.f32 v40, $0.0e+00;
	v57 =	vadd.f32 v54, v21;
	v12 =	vnsel vm8, $0x0, v12;
	[tilespmem:s21+$0x90] =	vst v16  }
0x55: {  	v45 =	vld [tilespmem:s21+$0x420];
	v51 =	vperm.xlane v48, v0;
	v15 =	vnsel vm1, $0x0, v15;
	v52 =	vadd.f32 v49, v29;
	[tilespmem:s21+$0x10] =	vst v12  }
0x56: {  	v42 =	vadd.f32 v22, v18;
	v8 =	vnsel vm1, $0x0, v8;
	[tilespmem:s21+$0x0] =	vst v15;
	vm2 =	vgt.f32 v57, $0.0e+00  }
0x57: {  	[tilespmem:s21+$0x80] =	vst v8;
	v6 =	vadd.f32 v51, v48;
	vm12 =	vgt.f32 v52, $0.0e+00;
	v5 =	vnsel vm2, $0x0, v5  }
0x58: {  	v46 =	vperm.xlane v43, v0;
	v7 =	vnsel vm12, $0x0, v7;
	[tilespmem:s21+$0x440] =	vst v5  }
0x59: {  	v44 =	vperm.xlane v42, v0;
	vm13 =	vgt.f32 v6, $0.0e+00;
	v2 =	vnsel vm12, $0x0, v2;
	[tilespmem:s21+$0xB0] =	vst v7  }
0x5a: {  	v50 =	vadd.f32 v46, v43;
	v56 =	vadd.f32 v41, v45;
	v3 =	vnsel vm13, $0x0, v3;
	[tilespmem:s21+$0x30] =	vst v2  }
0x5b: {  	v58 =	vadd.f32 v13, v11;
	v16 =	vadd.f32 v44, v42;
	v62 =	vnsel vm13, $0x0, v4;
	[tilespmem:s21+$0x20] =	vst v3  }
0x5c: {  	vm11 =	vgt.f32 v50, $0.0e+00;
	v60 =	vperm.xlane v56, v0;
	v2 =	vnsel vm2, $0x0, v9;
	[tilespmem:s21+$0xA0] =	vst v62  }
0x5d: {  	v61 =	vperm.xlane v58, v0;
	v8 =	vnsel vm11, $0x0, v19;
	[tilespmem:s21+$0x4C0] =	vst v2  }
0x5e: {  	vm10 =	vgt.f32 v16, $0.0e+00;
	v59 =	vnsel vm11, $0x0, v17;
	[tilespmem:s21+$0x410] =	vst v8;
	v3 =	vadd.f32 v60, v56  }
0x5f: {  	v53 =	vnsel vm10, $0x0, v22;
	[tilespmem:s21+$0x490] =	vst v59  }
0x60: {  	v55 =	vnsel vm10, $0x0, v18;
	[tilespmem:s21+$0xF0] =	vst v53;
	vm14 =	vgt.f32 v3, $0.0e+00;
	v3 =	vadd.f32 v61, v58  }
0x61: {  	[tilespmem:s21+$0x70] =	vst v55;
	v63 =	vnsel vm14, $0x0, v41  }
0x62: {  	v2 =	vnsel vm14, $0x0, v45;
	vm15 =	vgt.f32 v3, $0.0e+00;
	[tilespmem:s21+$0x4A0] =	vst v63  }
0x63: {  	s20 =	sadd.s32 $0x1, s20;
	[tilespmem:s21+$0x420] =	vst v2;
	v3 =	vnsel vm15, $0x0, v13  }
0x64: {  	p0 =	sne.s32 s20, $0x8;
	v2 =	vnsel vm15, $0x0, v11;
	[tilespmem:s21+$0x4D0] =	vst v3  }
.Ltmp1:
0x65: {  	s31 =	sadd.s32 s2, s19;
	s19 =	simm.s32 $0x0;
	[tilespmem:s21+$0x450] =	vst v2;
	(pc) =	sbr.rel @p0 .LBB2_2-.Ltmp1, $4  }
0x66: {  	[hbm4b:s31+s19] =	stream.linear.scatter [tilespmem:s19], [sflag:$0x1], $0xE000, $0x38;
	[tilespmem:$0xE000] =	vst v63  }
0x67: {  	_ =	swait.ge [sflag:s17], $0xE000  }
0x68: {  	[sflag:s17] =	ssyncset.done $0x0  }
0x69: {  	[sflag:s17] =	ssyncadd.s32 $0xFFFF2000  }
0x6a: {  	s20 =	simm.s32 $0x0  }
.LBB2_6:
0x6b: {  	s21 =	sadd.s32 s6, s20  }
0x6c: {  	s21 =	smul.u32 $0x1C00, s21;
	_ =	sdelay $0x1  }
0x6d: {  	s22 =	sadd.s32 s1, s21  }
0x6e: {  	[tilespmem:s19], [sflag:$0x1] =	stream.linear.gather [hbm4b:s22+s19], $0xE000, $0x38;
	[tilespmem:$0xE000] =	vst v63  }
0x6f: {  	_ =	swait.ge [sflag:s17], $0xE000  }
0x70: {  	p0 =	por $0x0, $0x0;
	[sflag:s17] =	ssyncset.done $0x0  }
0x71: {  	s23 =	simm.s32 $0x0;
	s22 =	simm.s32 $0x0;
	[sflag:s17] =	ssyncadd.s32 $0xFFFF2000  }
.LBB2_7:
0x72: {  	s24 =	sand.u32 $0xF800, s22;
	s25 =	sand.u32 $0x200, s23  }
0x73: {  	s24 =	sor.u32 s25, s24  }
0x74: {  	v2 =	vld [tilespmem:s24+$0x0]  }
0x75: {  	v3 =	vld [tilespmem:s24+$0x80]  }
0x76: {  	v4 =	vld [tilespmem:s24+$0x100]  }
0x77: {  	v5 =	vld [tilespmem:s24+$0x180]  }
0x78: {  	v6 =	vld [tilespmem:s24+$0x10]  }
0x79: {  	v7 =	vld [tilespmem:s24+$0x90]  }
0x7a: {  	v8 =	vld [tilespmem:s24+$0x110]  }
0x7b: {  	v9 =	vld [tilespmem:s24+$0x190];
	_ =	sdelay $0x1  }
0x7c: {  	v12 =	vld [tilespmem:s24+$0x20]  }
0x7d: {  	v13 =	vld [tilespmem:s24+$0xA0];
	v10 =	vadd.f32 v3, v2;
	v11 =	vadd.f32 v5, v4  }
0x7e: {  	v33 =	vld [tilespmem:s24+$0x120];
	v17 =	vadd.f32 v7, v6  }
0x7f: {  	v14 =	vld [tilespmem:s24+$0x1A0];
	v18 =	vadd.f32 v9, v8;
	v10 =	vadd.f32 v11, v10  }
0x80: {  	v16 =	vld [tilespmem:s24+$0x30]  }
0x81: {  	v19 =	vld [tilespmem:s24+$0xB0];
	v17 =	vadd.f32 v18, v17;
	v15 =	vperm.xlane v10, v0  }
0x82: {  	v34 =	vld [tilespmem:s24+$0x130]  }
0x83: {  	v35 =	vld [tilespmem:s24+$0x1B0];
	v22 =	vperm.xlane v17, v0;
	v10 =	vadd.f32 v10, v15  }
0x84: {  	v21 =	vld [tilespmem:s24+$0x50];
	v23 =	vadd.f32 v13, v12  }
0x85: {  	v25 =	vld [tilespmem:s24+$0xD0];
	v24 =	vadd.f32 v14, v33;
	v17 =	vadd.f32 v17, v22;
	v20 =	vperm.xlane v10, v1  }
0x86: {  	v36 =	vld [tilespmem:s24+$0x150]  }
0x87: {  	v38 =	vld [tilespmem:s24+$0x1D0];
	v37 =	vadd.f32 v24, v23;
	v40 =	vperm.xlane v17, v1;
	v10 =	vadd.f32 v10, v20  }
0x88: {  	v39 =	vadd.f32 v19, v16;
	v26 =	vadd.f32 v35, v34  }
0x89: {  	v28 =	vld [tilespmem:s24+$0x60];
	v27 =	vperm.xlane v37, v0;
	v42 =	vadd.f32 v17, v40;
	vm0 =	vgt.f32 v10, $0.0e+00  }
0x8a: {  	v41 =	vld [tilespmem:s24+$0xE0];
	v45 =	vadd.f32 v25, v21;
	v24 =	vadd.f32 v26, v39;
	v2 =	vnsel vm0, $0x0, v2  }
0x8b: {  	v44 =	vld [tilespmem:s24+$0x160];
	v43 =	vadd.f32 v37, v27;
	vm15 =	vgt.f32 v42, $0.0e+00;
	v3 =	vnsel vm0, $0x0, v3;
	[tilespmem:s24+$0x0] =	vst v2  }
0x8c: {  	v29 =	vld [tilespmem:s24+$0x1E0];
	v46 =	vadd.f32 v38, v36;
	v51 =	vnsel vm15, $0x0, v8;
	[tilespmem:s24+$0x80] =	vst v3;
	v3 =	vperm.xlane v24, v0  }
0x8d: {  	v48 =	vld [tilespmem:s24+$0x70];
	v47 =	vperm.xlane v43, v1;
	v2 =	vnsel vm0, $0x0, v4;
	[tilespmem:s24+$0x110] =	vst v51  }
0x8e: {  	v50 =	vld [tilespmem:s24+$0xF0];
	v49 =	vadd.f32 v46, v45;
	[tilespmem:s24+$0x100] =	vst v2;
	v2 =	vnsel vm0, $0x0, v5;
	v3 =	vadd.f32 v24, v3  }
0x8f: {  	v52 =	vld [tilespmem:s24+$0x170];
	v56 =	vadd.f32 v41, v28;
	v4 =	vadd.f32 v43, v47;
	[tilespmem:s24+$0x180] =	vst v2;
	v2 =	vnsel vm15, $0x0, v6  }
0x90: {  	v55 =	vld [tilespmem:s24+$0x1F0];
	v54 =	vperm.xlane v49, v0;
	[tilespmem:s24+$0x10] =	vst v2;
	v2 =	vnsel vm15, $0x0, v7;
	v53 =	vperm.xlane v3, v1  }
0x91: {  	v57 =	vadd.f32 v29, v44;
	vm4 =	vgt.f32 v4, $0.0e+00;
	[tilespmem:s24+$0x90] =	vst v2;
	v2 =	vnsel vm15, $0x0, v9  }
0x92: {  	v58 =	vnsel vm4, $0x0, v12;
	[tilespmem:s24+$0x190] =	vst v2;
	v2 =	vadd.f32 v3, v53;
	v3 =	vadd.f32 v49, v54  }
0x93: {  	v62 =	vadd.f32 v50, v48;
	v4 =	vadd.f32 v57, v56;
	v59 =	vnsel vm4, $0x0, v13;
	[tilespmem:s24+$0x20] =	vst v58  }
0x94: {  	v60 =	vnsel vm4, $0x0, v33;
	[tilespmem:s24+$0xA0] =	vst v59;
	vm5 =	vgt.f32 v2, $0.0e+00;
	v2 =	vperm.xlane v3, v1  }
0x95: {  	v63 =	vadd.f32 v55, v52;
	v61 =	vnsel vm4, $0x0, v14;
	[tilespmem:s24+$0x120] =	vst v60;
	v7 =	vperm.xlane v4, v0  }
0x96: {  	[tilespmem:s24+$0x1A0] =	vst v61;
	v2 =	vadd.f32 v3, v2;
	v3 =	vnsel vm5, $0x0, v16  }
0x97: {  	v12 =	vadd.f32 v63, v62;
	v13 =	vnsel vm5, $0x0, v19;
	[tilespmem:s24+$0x30] =	vst v3;
	v3 =	vadd.f32 v4, v7  }
0x98: {  	v14 =	vnsel vm5, $0x0, v34;
	v15 =	vnsel vm5, $0x0, v35;
	[tilespmem:s24+$0xB0] =	vst v13  }
0x99: {  	[tilespmem:s24+$0x130] =	vst v14;
	v16 =	vperm.xlane v12, v0;
	vm6 =	vgt.f32 v2, $0.0e+00;
	v2 =	vperm.xlane v3, v1  }
0x9a: {  	[tilespmem:s24+$0x1B0] =	vst v15;
	v18 =	vnsel vm6, $0x0, v21  }
0x9b: {  	v19 =	vnsel vm6, $0x0, v25;
	[tilespmem:s24+$0x50] =	vst v18;
	v2 =	vadd.f32 v3, v2;
	v3 =	vadd.f32 v12, v16  }
0x9c: {  	v21 =	vnsel vm6, $0x0, v36;
	[tilespmem:s24+$0xD0] =	vst v19  }
0x9d: {  	v25 =	vnsel vm6, $0x0, v38;
	[tilespmem:s24+$0x150] =	vst v21;
	vm7 =	vgt.f32 v2, $0.0e+00;
	v2 =	vperm.xlane v3, v1  }
0x9e: {  	[tilespmem:s24+$0x1D0] =	vst v25;
	v27 =	vnsel vm7, $0x0, v28  }
0x9f: {  	v28 =	vnsel vm7, $0x0, v41;
	[tilespmem:s24+$0x60] =	vst v27;
	v2 =	vadd.f32 v3, v2  }
0xa0: {  	[tilespmem:s24+$0xE0] =	vst v28;
	v3 =	vnsel vm7, $0x0, v44  }
0xa1: {  	s25 =	simm.s32 $0x1;
	[tilespmem:s24+$0x160] =	vst v3;
	v3 =	vnsel vm7, $0x0, v29;
	vm8 =	vgt.f32 v2, $0.0e+00  }
0xa2: {  	s25 =	simm.s32 @!p0 $0x0;
	v30 =	vld [tilespmem:s24+$0xC0];
	[tilespmem:s24+$0x1E0] =	vst v3;
	v3 =	vnsel vm8, $0x0, v48  }
0xa3: {  	v31 =	vld [tilespmem:s24+$0x140];
	s25 =	sshll.u32 s25, $0x9;
	[tilespmem:s24+$0x70] =	vst v3;
	v3 =	vnsel vm8, $0x0, v50  }
0xa4: {  	v32 =	vld [tilespmem:s24+$0x1C0];
	s25 =	sadd.s32 s25, s22;
	[tilespmem:s24+$0xF0] =	vst v3;
	v3 =	vnsel vm8, $0x0, v55  }
0xa5: {  	s30 =	sor.u32 $0x400, s25;
	s26 =	sadd.s32 $0x80, s25;
	v2 =	vld [tilespmem:s24+$0x40];
	v33 =	vnsel vm8, $0x0, v52;
	[tilespmem:s24+$0x1F0] =	vst v3  }
0xa6: {  	s28 =	sadd.s32 $0x100, s25;
	s31 =	sor.u32 $0x400, s26;
	[tilespmem:s24+$0x170] =	vst v33;
	v3 =	vld [tilespmem:s30+$0x0]  }
0xa7: {  	s29 =	sadd.s32 $0x180, s25;
	s4 =	sor.u32 $0x400, s28;
	v7 =	vld [tilespmem:s31+$0x0]  }
0xa8: {  	s0 =	sor.u32 $0x400, s29;
	v34 =	vld [tilespmem:s4+$0x0]  }
0xa9: {  	v35 =	vld [tilespmem:s0+$0x0]  }
0xaa: {  	v37 =	vadd.f32 v32, v31;
	v36 =	vadd.f32 v30, v2;
	_ =	sdelay $0x1  }
0xab: {  	v10 =	vadd.f32 v37, v36;
	_ =	sdelay $0x1  }
0xac: {  	v11 =	vperm.xlane v10, v0;
	v38 =	vadd.f32 v7, v3;
	v39 =	vadd.f32 v35, v34;
	_ =	sdelay $0x1  }
0xad: {  	v10 =	vadd.f32 v10, v11;
	v40 =	vadd.f32 v39, v38;
	_ =	sdelay $0x1  }
0xae: {  	v41 =	vperm.xlane v10, v1;
	v13 =	vperm.xlane v40, v0;
	_ =	sdelay $0x1  }
0xaf: {  	v10 =	vadd.f32 v10, v41;
	v11 =	vadd.f32 v40, v13;
	_ =	sdelay $0x1  }
0xb0: {  	vm9 =	vgt.f32 v10, $0.0e+00;
	v42 =	vperm.xlane v11, v1  }
0xb1: {  	v2 =	vnsel vm9, $0x0, v2  }
0xb2: {  	v4 =	vnsel vm9, $0x0, v30;
	[tilespmem:s24+$0x40] =	vst v2;
	v2 =	vadd.f32 v11, v42  }
0xb3: {  	v43 =	vnsel vm9, $0x0, v31;
	[tilespmem:s24+$0xC0] =	vst v4  }
0xb4: {  	v44 =	vnsel vm9, $0x0, v32;
	[tilespmem:s24+$0x140] =	vst v43;
	vm10 =	vgt.f32 v2, $0.0e+00  }
0xb5: {  	[tilespmem:s24+$0x1C0] =	vst v44;
	v2 =	vnsel vm10, $0x0, v3  }
0xb6: {  	[tilespmem:s30+$0x0] =	vst v2;
	v2 =	vnsel vm10, $0x0, v7  }
0xb7: {  	[tilespmem:s31+$0x0] =	vst v2;
	v2 =	vnsel vm10, $0x0, v34  }
0xb8: {  	[tilespmem:s4+$0x0] =	vst v2;
	v2 =	vnsel vm10, $0x0, v35  }
0xb9: {  	[tilespmem:s0+$0x0] =	vst v2;
	s0 =	sor.u32 $0x410, s25  }
0xba: {  	s4 =	sor.u32 $0x410, s26;
	v2 =	vld [tilespmem:s0+$0x0]  }
0xbb: {  	s24 =	sor.u32 $0x410, s28;
	v3 =	vld [tilespmem:s4+$0x0]  }
0xbc: {  	s31 =	sor.u32 $0x410, s29;
	v4 =	vld [tilespmem:s24+$0x0]  }
0xbd: {  	v45 =	vld [tilespmem:s31+$0x0];
	_ =	sdelay $0x4  }
0xbe: {  	v46 =	vadd.f32 v3, v2;
	v47 =	vadd.f32 v45, v4;
	_ =	sdelay $0x1  }
0xbf: {  	v6 =	vadd.f32 v47, v46;
	_ =	sdelay $0x1  }
0xc0: {  	v7 =	vperm.xlane v6, v0;
	_ =	sdelay $0x1  }
0xc1: {  	v6 =	vadd.f32 v6, v7;
	_ =	sdelay $0x1  }
0xc2: {  	v7 =	vperm.xlane v6, v1;
	_ =	sdelay $0x1  }
0xc3: {  	v6 =	vadd.f32 v6, v7;
	_ =	sdelay $0x1  }
0xc4: {  	vm11 =	vgt.f32 v6, $0.0e+00  }
0xc5: {  	v2 =	vnsel vm11, $0x0, v2  }
0xc6: {  	[tilespmem:s0+$0x0] =	vst v2;
	v2 =	vnsel vm11, $0x0, v3  }
0xc7: {  	[tilespmem:s4+$0x0] =	vst v2;
	v2 =	vnsel vm11, $0x0, v4  }
0xc8: {  	[tilespmem:s24+$0x0] =	vst v2;
	v2 =	vnsel vm11, $0x0, v45  }
0xc9: {  	s0 =	sor.u32 $0x420, s25;
	[tilespmem:s31+$0x0] =	vst v2  }
0xca: {  	s4 =	sor.u32 $0x420, s26;
	v2 =	vld [tilespmem:s0+$0x0]  }
0xcb: {  	s24 =	sor.u32 $0x420, s28;
	v3 =	vld [tilespmem:s4+$0x0]  }
0xcc: {  	s31 =	sor.u32 $0x420, s29;
	v48 =	vld [tilespmem:s24+$0x0]  }
0xcd: {  	v49 =	vld [tilespmem:s31+$0x0];
	_ =	sdelay $0x4  }
0xce: {  	v50 =	vadd.f32 v3, v2;
	v51 =	vadd.f32 v49, v48;
	_ =	sdelay $0x1  }
0xcf: {  	v6 =	vadd.f32 v51, v50;
	_ =	sdelay $0x1  }
0xd0: {  	v7 =	vperm.xlane v6, v0;
	_ =	sdelay $0x1  }
0xd1: {  	v6 =	vadd.f32 v6, v7;
	_ =	sdelay $0x1  }
0xd2: {  	v7 =	vperm.xlane v6, v1;
	_ =	sdelay $0x1  }
0xd3: {  	v6 =	vadd.f32 v6, v7;
	_ =	sdelay $0x1  }
0xd4: {  	vm12 =	vgt.f32 v6, $0.0e+00  }
0xd5: {  	v2 =	vnsel vm12, $0x0, v2  }
0xd6: {  	[tilespmem:s0+$0x0] =	vst v2;
	v2 =	vnsel vm12, $0x0, v3  }
0xd7: {  	[tilespmem:s4+$0x0] =	vst v2;
	v2 =	vnsel vm12, $0x0, v48  }
0xd8: {  	[tilespmem:s24+$0x0] =	vst v2;
	v2 =	vnsel vm12, $0x0, v49  }
0xd9: {  	s0 =	sor.u32 $0x430, s25;
	[tilespmem:s31+$0x0] =	vst v2  }
0xda: {  	s4 =	sor.u32 $0x430, s26;
	v2 =	vld [tilespmem:s0+$0x0]  }
0xdb: {  	s24 =	sor.u32 $0x430, s28;
	v3 =	vld [tilespmem:s4+$0x0]  }
0xdc: {  	s31 =	sor.u32 $0x430, s29;
	v52 =	vld [tilespmem:s24+$0x0]  }
0xdd: {  	v53 =	vld [tilespmem:s31+$0x0];
	_ =	sdelay $0x4  }
0xde: {  	v54 =	vadd.f32 v3, v2;
	v55 =	vadd.f32 v53, v52;
	_ =	sdelay $0x1  }
0xdf: {  	v6 =	vadd.f32 v55, v54;
	_ =	sdelay $0x1  }
0xe0: {  	v7 =	vperm.xlane v6, v0;
	_ =	sdelay $0x1  }
0xe1: {  	v6 =	vadd.f32 v6, v7;
	_ =	sdelay $0x1  }
0xe2: {  	v7 =	vperm.xlane v6, v1;
	_ =	sdelay $0x1  }
0xe3: {  	v6 =	vadd.f32 v6, v7;
	_ =	sdelay $0x1  }
0xe4: {  	vm13 =	vgt.f32 v6, $0.0e+00  }
0xe5: {  	v2 =	vnsel vm13, $0x0, v2  }
0xe6: {  	[tilespmem:s0+$0x0] =	vst v2;
	v2 =	vnsel vm13, $0x0, v3  }
0xe7: {  	[tilespmem:s4+$0x0] =	vst v2;
	v2 =	vnsel vm13, $0x0, v52  }
0xe8: {  	[tilespmem:s24+$0x0] =	vst v2;
	v2 =	vnsel vm13, $0x0, v53  }
0xe9: {  	s0 =	sor.u32 $0x440, s25;
	[tilespmem:s31+$0x0] =	vst v2  }
0xea: {  	s4 =	sor.u32 $0x440, s26;
	v2 =	vld [tilespmem:s0+$0x0]  }
0xeb: {  	s24 =	sor.u32 $0x440, s28;
	v3 =	vld [tilespmem:s4+$0x0]  }
0xec: {  	s31 =	sor.u32 $0x440, s29;
	v56 =	vld [tilespmem:s24+$0x0]  }
0xed: {  	v57 =	vld [tilespmem:s31+$0x0];
	_ =	sdelay $0x4  }
0xee: {  	v58 =	vadd.f32 v3, v2;
	v59 =	vadd.f32 v57, v56;
	_ =	sdelay $0x1  }
0xef: {  	v6 =	vadd.f32 v59, v58;
	_ =	sdelay $0x1  }
0xf0: {  	v7 =	vperm.xlane v6, v0;
	_ =	sdelay $0x1  }
0xf1: {  	v6 =	vadd.f32 v6, v7;
	_ =	sdelay $0x1  }
0xf2: {  	v7 =	vperm.xlane v6, v1;
	_ =	sdelay $0x1  }
0xf3: {  	v6 =	vadd.f32 v6, v7;
	_ =	sdelay $0x1  }
0xf4: {  	vm14 =	vgt.f32 v6, $0.0e+00  }
0xf5: {  	v2 =	vnsel vm14, $0x0, v2  }
0xf6: {  	[tilespmem:s0+$0x0] =	vst v2;
	v2 =	vnsel vm14, $0x0, v3  }
0xf7: {  	[tilespmem:s4+$0x0] =	vst v2;
	v2 =	vnsel vm14, $0x0, v56  }
0xf8: {  	[tilespmem:s24+$0x0] =	vst v2;
	v2 =	vnsel vm14, $0x0, v57  }
0xf9: {  	s25 =	sor.u32 $0x450, s25;
	[tilespmem:s31+$0x0] =	vst v2  }
0xfa: {  	s26 =	sor.u32 $0x450, s26;
	v2 =	vld [tilespmem:s25+$0x0]  }
0xfb: {  	s30 =	sor.u32 $0x450, s28;
	v3 =	vld [tilespmem:s26+$0x0]  }
0xfc: {  	s31 =	sor.u32 $0x450, s29;
	v60 =	vld [tilespmem:s30+$0x0]  }
0xfd: {  	v61 =	vld [tilespmem:s31+$0x0];
	_ =	sdelay $0x4  }
0xfe: {  	v62 =	vadd.f32 v3, v2;
	v63 =	vadd.f32 v61, v60;
	_ =	sdelay $0x1  }
0xff: {  	v6 =	vadd.f32 v63, v62;
	_ =	sdelay $0x1  }
0x100: {  	v7 =	vperm.xlane v6, v0;
	_ =	sdelay $0x1  }
0x101: {  	v6 =	vadd.f32 v6, v7;
	_ =	sdelay $0x1  }
0x102: {  	v7 =	vperm.xlane v6, v1;
	_ =	sdelay $0x1  }
0x103: {  	v6 =	vadd.f32 v6, v7;
	_ =	sdelay $0x1  }
0x104: {  	p1 =	sne.s32 s23, $0x6E00;
	vm15 =	vgt.f32 v6, $0.0e+00  }
.Ltmp2:
0x105: {  	v2 =	vnsel vm15, $0x0, v2;
	(pc) =	sbr.rel @p1 .LBB2_7-.Ltmp2, $4  }
0x106: {  	[tilespmem:s25+$0x0] =	vst v2;
	v2 =	vnsel vm15, $0x0, v3  }
0x107: {  	[tilespmem:s26+$0x0] =	vst v2;
	v2 =	vnsel vm15, $0x0, v60  }
0x108: {  	[tilespmem:s30+$0x0] =	vst v2;
	v2 =	vnsel vm15, $0x0, v61  }
0x109: {  	s23 =	sadd.s32 $0x200, s23;
	p0 =	por !p0, !p0;
	s22 =	sadd.s32 $0x400, s22;
	[tilespmem:s31+$0x0] =	vst v2  }
0x10a: {  	s20 =	sadd.s32 $0x1, s20  }
0x10b: {  	p0 =	seq.s32 s20, $0x8  }
.Ltmp3:
0x10c: {  	s0 =	sadd.s32 s2, s21;
	s21 =	simm.s32 $0x0;
	(pc) =	sbr.rel @!p0 .LBB2_6-.Ltmp3, $4  }
0x10d: {  	[hbm4b:s0+s21] =	stream.linear.scatter [tilespmem:s21], [sflag:$0x1], $0xE000, $0x38;
	[tilespmem:$0xE000] =	vst v63  }
0x10e: {  	_ =	swait.ge [sflag:s17], $0xE000  }
0x10f: {  	[sflag:s17] =	ssyncset.done $0x0  }
0x110: {  	[sflag:s17] =	ssyncadd.s32 $0xFFFF2000  }
0x111: {  	s19 =	simm.s32 $0x0  }
.LBB2_10:
0x112: {  	s0 =	sadd.s32 s7, s19  }
0x113: {  	s20 =	smul.u32 $0x1C00, s0;
	_ =	sdelay $0x1  }
0x114: {  	s0 =	sadd.s32 s1, s20  }
0x115: {  	[tilespmem:s21], [sflag:$0x1] =	stream.linear.gather [hbm4b:s0+s21], $0xE000, $0x38;
	[tilespmem:$0xE000] =	vst v63  }
0x116: {  	_ =	swait.ge [sflag:s17], $0xE000  }
0x117: {  	s31 =	sand.u32 $0xF800, s21;
	s4 =	sand.u32 $0x380, s21;
	[sflag:s17] =	ssyncset.done $0x0  }
0x118: {  	s22 =	sor.u32 s4, s31;
	[sflag:s17] =	ssyncadd.s32 $0xFFFF2000  }
0x119: {  	v9 =	vld [tilespmem:s22+$0x410]  }
0x11a: {  	v7 =	vld [tilespmem:s22+$0x50]  }
0x11b: {  	v11 =	vld [tilespmem:s22+$0x60]  }
0x11c: {  	v17 =	vld [tilespmem:s22+$0x420]  }
0x11d: {  	v19 =	vld [tilespmem:s22+$0x440]  }
0x11e: {  	v6 =	vld [tilespmem:s22+$0x450]  }
0x11f: {  	v4 =	vld [tilespmem:s22+$0x30]  }
0x120: {  	v2 =	vld [tilespmem:s22+$0x400];
	v8 =	vperm.xlane v7, v0  }
0x121: {  	v10 =	vperm.xlane v9, v0;
	v12 =	vperm.xlane v11, v0  }
0x122: {  	v5 =	vld [tilespmem:s22+$0x10];
	v16 =	vperm.xlane v19, v0;
	v14 =	vadd.f32 v8, v7;
	v8 =	vperm.xlane v17, v0  }
0x123: {  	v3 =	vld [tilespmem:s22+$0x40];
	v13 =	vperm.xlane v6, v0;
	v20 =	vadd.f32 v12, v11;
	v10 =	vadd.f32 v10, v9  }
0x124: {  	v21 =	vperm.xlane v4, v0;
	v22 =	vadd.f32 v16, v19;
	v18 =	vadd.f32 v8, v17  }
0x125: {  	v15 =	vadd.f32 v13, v6;
	v12 =	vld [tilespmem:s22+$0x430];
	v13 =	vperm.xlane v2, v0;
	vm0 =	vgt.f32 v10, $0.0e+00  }
0x126: {  	v8 =	vld [tilespmem:s22+$0x0];
	vm1 =	vgt.f32 v22, $0.0e+00;
	v9 =	vnsel vm0, $0x0, v9;
	vm0 =	vgt.f32 v18, $0.0e+00  }
0x127: {  	v16 =	vperm.xlane v5, v0;
	v10 =	vld [tilespmem:s22+$0x20];
	v19 =	vnsel vm1, $0x0, v19;
	[tilespmem:s22+$0x410] =	vst v9;
	v23 =	vnsel vm0, $0x0, v17  }
0x128: {  	s26 =	simm.s32 $0x100;
	s23 =	simm.s32 $0x80;
	v18 =	vperm.xlane v3, v0;
	v9 =	vld [tilespmem:s22+$0x70];
	v17 =	vadd.f32 v21, v4;
	vm0 =	vgt.f32 v20, $0.0e+00;
	[tilespmem:s22+$0x420] =	vst v23  }
.LBB2_11:
0x129: {  	s24 =	smov.u32 s26  }
0x12a: {  	s0 =	sand.u32 $0xF800, s26;
	s4 =	sand.u32 $0x380, s23;
	vm1 =	vgt.f32 v14, $0.0e+00;
	v11 =	vnsel vm0, $0x0, v11;
	v14 =	vperm.xlane v12, v0;
	s24 =	sadd.s32 $0x100, s26  }
0x12b: {  	p0 =	sne.s32 s26, $0xDF00;
	v18 =	vadd.f32 v18, v3;
	vm0 =	vgt.f32 v15, $0.0e+00;
	s25 =	sor.u32 s4, s0;
	v7 =	vnsel vm1, $0x0, v7;
	[tilespmem:s22+$0x440] =	vst v19  }
0x12c: {  	v15 =	vperm.xlane v8, v0;
	v6 =	vnsel vm0, $0x0, v6;
	v14 =	vadd.f32 v14, v12;
	v19 =	vld [tilespmem:s25+$0x410];
	[tilespmem:s22+$0x50] =	vst v7  }
0x12d: {  	v16 =	vadd.f32 v16, v5;
	vm0 =	vgt.f32 v17, $0.0e+00;
	v21 =	vperm.xlane v10, v0;
	v20 =	vld [tilespmem:s25+$0x440];
	[tilespmem:s22+$0x450] =	vst v6  }
0x12e: {  	v13 =	vadd.f32 v13, v2;
	v15 =	vadd.f32 v15, v8;
	vm1 =	vgt.f32 v14, $0.0e+00;
	v7 =	vld [tilespmem:s25+$0x50];
	[tilespmem:s22+$0x60] =	vst v11  }
0x12f: {  	vm2 =	vgt.f32 v16, $0.0e+00;
	v4 =	vnsel vm0, $0x0, v4;
	v12 =	vnsel vm1, $0x0, v12;
	v11 =	vld [tilespmem:s25+$0x60]  }
0x130: {  	vm0 =	vgt.f32 v13, $0.0e+00;
	v5 =	vnsel vm2, $0x0, v5;
	v14 =	vadd.f32 v21, v10;
	v6 =	vld [tilespmem:s25+$0x450];
	[tilespmem:s22+$0x30] =	vst v4  }
0x131: {  	vm2 =	vgt.f32 v18, $0.0e+00;
	v13 =	vperm.xlane v9, v0;
	vm1 =	vgt.f32 v15, $0.0e+00;
	v17 =	vld [tilespmem:s25+$0x420];
	[tilespmem:s22+$0x430] =	vst v12  }
0x132: {  	v2 =	vnsel vm0, $0x0, v2;
	v3 =	vnsel vm2, $0x0, v3;
	vm3 =	vgt.f32 v14, $0.0e+00  }
0x133: {  	v13 =	vadd.f32 v13, v9;
	v10 =	vnsel vm3, $0x0, v10;
	v12 =	vperm.xlane v19, v0;
	v4 =	vld [tilespmem:s25+$0x30];
	[tilespmem:s22+$0x400] =	vst v2  }
0x134: {  	v8 =	vnsel vm1, $0x0, v8;
	v14 =	vperm.xlane v7, v0;
	v15 =	vperm.xlane v11, v0;
	v2 =	vld [tilespmem:s25+$0x400];
	[tilespmem:s22+$0x10] =	vst v5  }
0x135: {  	vm0 =	vgt.f32 v13, $0.0e+00;
	v5 =	vld [tilespmem:s25+$0x10];
	v16 =	vperm.xlane v6, v0;
	[tilespmem:s22+$0x40] =	vst v3  }
0x136: {  	v14 =	vadd.f32 v14, v7;
	v3 =	vld [tilespmem:s25+$0x40];
	v13 =	vperm.xlane v17, v0;
	[tilespmem:s22+$0x0] =	vst v8;
	v8 =	vnsel vm0, $0x0, v9  }
0x137: {  	v18 =	vperm.xlane v20, v0;
	v21 =	vadd.f32 v15, v11;
	v9 =	vadd.f32 v12, v19;
	v12 =	vld [tilespmem:s25+$0x430];
	[tilespmem:s22+$0x70] =	vst v8  }
.Ltmp4:
0x138: {  	v15 =	vadd.f32 v16, v6;
	v22 =	vperm.xlane v4, v0;
	v23 =	vadd.f32 v13, v17;
	[tilespmem:s22+$0x20] =	vst v10;
	s22 =	smov.u32 s25;
	(pc) =	sbr.rel @p0 .LBB2_11-.Ltmp4, $4  }
0x139: {  	v24 =	vadd.f32 v18, v20;
	vm0 =	vgt.f32 v9, $0.0e+00;
	v8 =	vld [tilespmem:s22+$0x0];
	v13 =	vperm.xlane v2, v0  }
0x13a: {  	v19 =	vnsel vm0, $0x0, v19;
	v16 =	vperm.xlane v5, v0;
	v10 =	vld [tilespmem:s22+$0x20];
	vm0 =	vgt.f32 v23, $0.0e+00  }
0x13b: {  	vm1 =	vgt.f32 v24, $0.0e+00;
	v18 =	vperm.xlane v3, v0;
	v9 =	vld [tilespmem:s22+$0x70];
	[tilespmem:s22+$0x410] =	vst v19;
	v19 =	vnsel vm0, $0x0, v17  }
0x13c: {  	s23 =	sadd.s32 $0x80, s23;
	s26 =	smov.u32 s24;
	v17 =	vadd.f32 v22, v4;
	vm0 =	vgt.f32 v21, $0.0e+00;
	[tilespmem:s22+$0x420] =	vst v19;
	v19 =	vnsel vm1, $0x0, v20  }
0x13d: {  	vm1 =	vgt.f32 v14, $0.0e+00;
	v11 =	vnsel vm0, $0x0, v11;
	v54 =	vperm.xlane v12, v0  }
0x13e: {  	v18 =	vadd.f32 v18, v3;
	[tilespmem:s22+$0x440] =	vst v19;
	vm7 =	vgt.f32 v15, $0.0e+00;
	v57 =	vadd.f32 v16, v5  }
0x13f: {  	v58 =	vadd.f32 v13, v2;
	v7 =	vnsel vm1, $0x0, v7;
	v55 =	vperm.xlane v8, v0;
	[tilespmem:s22+$0x60] =	vst v11  }
0x140: {  	v6 =	vnsel vm7, $0x0, v6;
	vm8 =	vgt.f32 v17, $0.0e+00;
	[tilespmem:s22+$0x50] =	vst v7;
	v56 =	vadd.f32 v54, v12  }
0x141: {  	[tilespmem:s22+$0x450] =	vst v6;
	v59 =	vperm.xlane v10, v0;
	v4 =	vnsel vm8, $0x0, v4;
	vm10 =	vgt.f32 v58, $0.0e+00  }
0x142: {  	vm11 =	vgt.f32 v57, $0.0e+00;
	vm12 =	vgt.f32 v18, $0.0e+00;
	[tilespmem:s22+$0x30] =	vst v4;
	v2 =	vnsel vm10, $0x0, v2  }
0x143: {  	v60 =	vperm.xlane v9, v0;
	v61 =	vadd.f32 v55, v8;
	v62 =	vnsel vm11, $0x0, v5;
	[tilespmem:s22+$0x400] =	vst v2  }
0x144: {  	v3 =	vnsel vm12, $0x0, v3;
	vm9 =	vgt.f32 v56, $0.0e+00;
	v2 =	vadd.f32 v59, v10;
	[tilespmem:s22+$0x10] =	vst v62  }
0x145: {  	[tilespmem:s22+$0x40] =	vst v3;
	v7 =	vnsel vm9, $0x0, v12;
	v4 =	vadd.f32 v60, v9;
	vm13 =	vgt.f32 v61, $0.0e+00  }
0x146: {  	[tilespmem:s22+$0x430] =	vst v7;
	v63 =	vnsel vm13, $0x0, v8;
	vm15 =	vgt.f32 v2, $0.0e+00  }
0x147: {  	s19 =	sadd.s32 $0x1, s19;
	vm14 =	vgt.f32 v4, $0.0e+00;
	[tilespmem:s22+$0x0] =	vst v63;
	v3 =	vnsel vm15, $0x0, v10  }
0x148: {  	p0 =	seq.s32 s19, $0x4;
	v2 =	vnsel vm14, $0x0, v9;
	[tilespmem:s22+$0x20] =	vst v3  }
.Ltmp5:
0x149: {  	s0 =	sadd.s32 s2, s20;
	[tilespmem:s22+$0x70] =	vst v2;
	(pc) =	sbr.rel @!p0 .LBB2_10-.Ltmp5, $4  }
0x14a: {  	[hbm4b:s0+s3] =	stream.linear.scatter [tilespmem:s3], [sflag:$0x1], $0xE000, $0x38;
	[tilespmem:$0xE000] =	vst v63  }
0x14b: {  	_ =	swait.ge [sflag:s17], $0xE000  }
0x14c: {  	[sflag:s17] =	ssyncset.done $0x0  }
0x14d: {  	[sflag:s17] =	ssyncadd.s32 $0xFFFF2000  }
0x14e: {  	s0 =	stileid.u32  }
0x14f: {  	s0 =	sshll.u32 s0, $0x6  }
0x150: {  	s0 =	sor.u32 $0x1C01, s0  }
0x151: {  	[hbm:s8], [sflag:s0] =	dma.local [hbm:s10], $0x1C00  }
0x152: {  	_ =	swait.ge [sflag:s17], $0x1C00  }
0x153: {  	[sflag:s17] =	ssyncset.done $0x0  }
0x154: {  	[sflag:s17] =	ssyncadd.s32 $0xFFFFE400  }
0x155: {  	[hbm:s11], [sflag:s0] =	dma.local [hbm:s12], $0x1C00  }
0x156: {  	_ =	swait.ge [sflag:s17], $0x1C00  }
0x157: {  	[sflag:s17] =	ssyncset.done $0x0  }
0x158: {  	[sflag:s17] =	ssyncadd.s32 $0xFFFFE400  }
0x159: {  	[hbm:s13], [sflag:s0] =	dma.local [hbm:s14], $0x1C00  }
0x15a: {  	s18 =	sadd.s32 $0x1, s18;
	_ =	swait.ge [sflag:s17], $0x1C00  }
0x15b: {  	p0 =	seq.s32 s18, s9;
	[sflag:s17] =	ssyncset.done $0x0  }
.Ltmp6:
0x15c: {  	[sflag:s17] =	ssyncadd.s32 $0xFFFFE400;
	(pc) =	sbr.rel @!p0 .LBB2_1-.Ltmp6, $4  }
0x15d: {  	[hbm:s15], [sflag:s0] =	dma.local [hbm:s16], $0x1C00  }
0x15e: {  	_ =	swait.ge [sflag:s17], $0x1C00  }
0x15f: {  	[sflag:s17] =	ssyncset.done $0x0  }
0x160: {  	[sflag:s17] =	ssyncadd.s32 $0xFFFFE400  }
0x161: {  	_ =	sfence.sel $0x180000  }
0x162: {  	[bflag:$0x0] =	sbarrier.arrive $0xFFFF  }
0x163: {  	_ =	strace $0x90000047  }
0x164: {  	s0 =	stileid.u32;
	[bflag:$0x2] =	sbarrier.arrive $0xFFFF  }
0x165: {  	p0 =	sne.s32 s0, $0x0;
	s0 =	rddreg [dreg:$0x2]  }
0x166: {  	s0 =	sadd.s32 @!p0 $0x100000, s0  }
0x167: {  	[sflag:s0] =	ssyncadd.tile.s32 @!p0 $0x1;
	_ =	shalt  }
.Lfunc_end2:
_tile_overlayer_lowered:
.L_overlay_start_2:
0x168: {  	(tag) =	ssettag $0x2  }
0x169: {  	s0 =	rddreg [dreg:$0x0];
	s2 =	stileid.u32  }
0x16a: {  	s1 =	rddreg [dreg:$0x1];
	p0 =	sne.s32 s2, $0x0  }
0x16b: {  	s3 =	rddreg [dreg:$0x2];
	[bflag:$0x3] =	sbarrier.arrive $0xFFFF;
	s2 =	simm.s32 @!p0 $0x1C01  }
0x16c: {  	[timem:s3], [sflag:s2] =	dma.local @!p0 [hbm:s0], s1  }
0x16d: {  	s0 =	simm.s32 @!p0 $0x1  }
0x16e: {  	_ =	swait.ge @!p0 [sflag:s0], s1  }
0x16f: {  	s1 =	ssub.s32 @!p0 $0x0, s1;
	[sflag:s0] =	ssyncset.done @!p0 $0x0  }
0x170: {  	[sflag:s0] =	ssyncadd.s32 @!p0 s1  }
0x171: {  	[bflag:$0x3] =	sbarrier.arrive $0xFFFF  }
0x172: {  	_ =	shalt  }

</sc_bundles>
